<compile_context>
chip_gen: v7x
topology: tpu7x:2x2x1
jax: 0.10.2.dev20260603
libtpu: 0.0.44.dev20260713+nightly
codegen_flags: <defaults>
</compile_context>

<pallas_src>
import functools

import jax
import jax.numpy as jnp
from jax import lax
from jax.experimental import pallas as pl
from jax.experimental.pallas import tpu as pltpu
from jax.experimental.pallas import tpu_sc as plsc

MEMORY_SIZE = 100000
NGRAM_N = 4
NUM_HEADS = 4
HEAD_DIM = 128
EMBED_DIM = NUM_HEADS * HEAD_DIM
B, W, O = 1024, 50, 50
SEQ_LEN = O + W

_WRAP_MOD = (1 << 32) % MEMORY_SIZE


def _prime_table():
    ps = []
    base = 131
    for h in range(NUM_HEADS):
        x, r = base + h * 1009, []
        for _ in range(NGRAM_N):
            r.append(x)
            x = x * 31 + 1
        ps.append(r)
    return ps


_PRIMES = _prime_table()

NC, NS = 2, 16
NW = NC * NS
TB = B // 8
NPAIR = W * TB
PW = NPAIR // NW
CP = 4
RCH = CP * 8 * NUM_HEADS
NCH = PW // CP
SROWS = 16
SEQ_PAD = 104


@functools.lru_cache(maxsize=None)
def _build_engram_sc():
    mesh = plsc.VectorSubcoreMesh(core_axis_name="c", subcore_axis_name="s")
    return functools.partial(
        pl.kernel,
        mesh=mesh,
        out_type=jax.ShapeDtypeStruct((B, W, EMBED_DIM), jnp.float32),
        scratch_types=[
            pltpu.VMEM((SROWS, B), jnp.int32),
            pltpu.VMEM((NUM_HEADS, HEAD_DIM), jnp.float32),
            pltpu.VMEM((NCH, RCH), jnp.int32),
            pltpu.VMEM((RCH, HEAD_DIM), jnp.float32),
            pltpu.VMEM((RCH, HEAD_DIM), jnp.float32),
            pltpu.VMEM((CP * 8, 1, EMBED_DIM), jnp.float32),
            pltpu.VMEM((CP * 8, 1, EMBED_DIM), jnp.float32),
            pltpu.SemaphoreType.DMA,
            pltpu.SemaphoreType.DMA,
            pltpu.SemaphoreType.DMA,
            pltpu.SemaphoreType.DMA,
        ],
        compiler_params=pltpu.CompilerParams(needs_layout_passes=False),
    )(_engram_sc)


def _engram_sc(
    seqt_hbm,
    table_hbm,
    gate_hbm,
    out_hbm,
    seqt_v,
    g_v,
    idx_v,
    ga0,
    ga1,
    ob0,
    ob1,
    gsem0,
    gsem1,
    wsem0,
    wsem1,
):
    gbufs = (ga0, ga1)
    obufs = (ob0, ob1)
    gsems = (gsem0, gsem1)
    wsems = (wsem0, wsem1)

    wid = lax.axis_index("s") * NC + lax.axis_index("c")
    wp0 = wid * PW
    wmin = lax.div(wp0, jnp.int32(TB))
    sbase = lax.div(wmin + (O - NGRAM_N + 1), jnp.int32(8)) * 8
    sbase = pl.multiple_of(sbase, 8)

    pltpu.sync_copy(seqt_hbm.at[pl.ds(sbase, SROWS), :], seqt_v)
    pltpu.sync_copy(gate_hbm, g_v)
    for h in range(NUM_HEADS):
        for v in range(HEAD_DIM // 16):
            sl = pl.ds(v * 16, 16)
            x = g_v[h, sl]
            g_v[h, sl] = 1.0 / (1.0 + jnp.exp(-x))

    lanes = lax.iota(jnp.int32, 16)

    def hash_body(k, carry):
        pl_loc = 2 * k + (lanes >> 3)
        p = wp0 + pl_loc
        w = lax.div(p, jnp.int32(TB))
        tb = p - w * TB
        b = tb * 8 + (lanes & 7)
        s = pl_loc * 8 + (lanes & 7)
        vals = []
        for i in range(NGRAM_N):
            col = w + (O - i) - sbase
            vals.append(plsc.load_gather(seqt_v, [col, b]))
        pos0 = s * NUM_HEADS
        for h in range(NUM_HEADS):
            hs = vals[0] * jnp.int32(_PRIMES[0][h])
            for i in range(1, NGRAM_N):
                hs = hs + vals[i] * jnp.int32(_PRIMES[i][h])
            m = lax.rem(hs, jnp.int32(MEMORY_SIZE))
            m = jnp.where(m < 0, m + MEMORY_SIZE, m)
            m = jnp.where(hs < 0, m + _WRAP_MOD, m)
            m = jnp.where(m >= MEMORY_SIZE, m - MEMORY_SIZE, m)
            fidx = m * NUM_HEADS + h
            pos = pos0 + h
            plsc.store_scatter(idx_v, [pos >> 7, pos & 127], fidx)
        return carry

    lax.fori_loop(0, PW * 8 // 16, hash_body, 0)

    def fire_gather(c, j):
        pltpu.async_copy(table_hbm.at[idx_v.at[c]], gbufs[j], gsems[j])

    def wait_gather(j):
        pltpu.make_async_copy(
            table_hbm.at[pl.ds(0, RCH), :], gbufs[j], gsems[j]
        ).wait()

    def fire_write(c, j):
        pg = wp0 + c * CP
        wc = lax.div(pg, jnp.int32(TB))
        tbase = (pg - wc * TB) * 8
        pltpu.async_copy(
            obufs[j],
            out_hbm.at[pl.ds(tbase, CP * 8), pl.ds(wc, 1), :],
            wsems[j],
        )

    def wait_write(j):
        pltpu.make_async_copy(
            obufs[j], out_hbm.at[pl.ds(0, CP * 8), pl.ds(0, 1), :], wsems[j]
        ).wait()

    gv = [
        [g_v[h, pl.ds(v * 16, 16)] for v in range(HEAD_DIM // 16)]
        for h in range(NUM_HEADS)
    ]

    def scale_repack(j):
        src = gbufs[j]
        dst = obufs[j]

        def rp_body(u, carry2):
            r = u * NUM_HEADS
            for h in range(NUM_HEADS):
                for v in range(HEAD_DIM // 16):
                    dst[u, 0, pl.ds(h * HEAD_DIM + v * 16, 16)] = (
                        src[r + h, pl.ds(v * 16, 16)] * gv[h][v]
                    )
            return carry2

        lax.fori_loop(0, CP * 8, rp_body, 0)

    fire_gather(0, 0)

    def pipe_body(t, carry):
        for jj in range(2):
            c = t * 2 + jj

            @pl.when(c + 1 < NCH)
            def _():
                fire_gather(c + 1, 1 - jj)

            wait_gather(jj)

            @pl.when(c >= 2)
            def _():
                wait_write(jj)

            scale_repack(jj)
            fire_write(c, jj)
        return carry

    lax.fori_loop(0, NCH // 2, pipe_body, 0)

    wait_write(0)
    wait_write(1)


@jax.jit
def kernel(curr, prev, table, gate):
    seqt = jnp.concatenate([prev, curr], axis=1).T
    seqt = jnp.pad(seqt, ((0, SEQ_PAD - SEQ_LEN), (0, 0)))
    table_flat = table.reshape(MEMORY_SIZE * NUM_HEADS, HEAD_DIM)
    return _build_engram_sc()(seqt, table_flat, gate)

# --- scband reference (transcript-rebuilt; emitter-appended) ---
"""Pipeline reference for scband-ngram-engram-memory-12283606467873 (READ-ONLY COPY).

The authoritative reference and input builder live on the scoring server;
editing this copy changes nothing except your own understanding.
"""

import jax, jax.numpy as jnp
import numpy as np

pad_id = 0
MEMORY_SIZE = 100000
NGRAM_N = 4
NUM_HEADS = 4
EMBED_DIM = 512
HEAD_DIM = EMBED_DIM // NUM_HEADS
B, W, O = 1024, 50, 50


def _primes():
    ps = []
    base = 131
    for h in range(NUM_HEADS):
        x, r = base + h * 1009, []
        for _ in range(NGRAM_N):
            r.append(x)
            x = x * 31 + 1
        ps.append(r)
    return jnp.array(np.array(ps, dtype=np.uint32))


def setup_inputs(seed: int = 0) -> dict:
    key = jax.random.key(seed)
    k1, k2, k3 = jax.random.split(key, 3)
    curr = jax.random.randint(k1, (B, W), 0, 100000, dtype=jnp.int32)
    prev = jax.random.randint(k2, (B, O), 0, 100000, dtype=jnp.int32)
    table = jax.random.normal(k3, (MEMORY_SIZE, NUM_HEADS, HEAD_DIM), dtype=jnp.float32) * 0.02
    gate = jnp.full((NUM_HEADS, HEAD_DIM), -2.0, dtype=jnp.float32)
    return {"curr": curr, "prev": prev, "table": table, "gate": gate}


def reference(curr, prev, table, gate):
    primes = _primes()
    Bc, Wc = curr.shape
    Oc = prev.shape[1]
    seq = jnp.concatenate([
        jnp.where(prev == pad_id, 0, prev),
        jnp.where(curr == pad_id, 0, curr),
    ], 1).astype(jnp.uint32)
    h_sum = jnp.zeros((Bc, Wc, NUM_HEADS), dtype=jnp.uint32)
    for i in range(NGRAM_N):
        h_sum = h_sum + seq[:, Oc - i:seq.shape[1] - i, None] * primes[None, None, i, :]
    idx = (h_sum % MEMORY_SIZE).astype(jnp.int32)
    got = jax.vmap(lambda t, i_: t[i_], in_axes=(0, 0), out_axes=0)(
        table.transpose(1, 0, 2), idx.transpose(2, 0, 1)
    ).transpose(1, 2, 0, 3)
    g = jax.nn.sigmoid(gate)[None, None, :, :]
    out = got * g
    out = out.reshape(Bc, Wc, EMBED_DIM)
    # Dropout with deterministic=True is identity
    return out

if __name__ == "__main__":
    import jax
    _d = setup_inputs()
    print(jax.jit(kernel)(*tuple(_d.values())))

</pallas_src>

<mosaic_0001>
#map = affine_map<(d0, d1) -> (0, 0)>
#map1 = affine_map<(d0, d1) -> (0, 0, 0)>
module attributes {stable_mosaic.version = 14 : i64} {
  func.func @_engram_sc(%arg0: i32, %arg1: i32, %arg2: memref<104x1024xi32, #tpu.memory_space<hbm>>, %arg3: memref<400000x128xf32, #tpu.memory_space<hbm>>, %arg4: memref<4x128xf32, #tpu.memory_space<hbm>>, %arg5: memref<1024x50x512xf32, #tpu.memory_space<hbm>>, %arg6: memref<16x1024xi32, #tpu.memory_space<vmem>>, %arg7: memref<4x128xf32, #tpu.memory_space<vmem>>, %arg8: memref<50x128xi32, #tpu.memory_space<vmem>>, %arg9: memref<128x128xf32, #tpu.memory_space<vmem>>, %arg10: memref<128x128xf32, #tpu.memory_space<vmem>>, %arg11: memref<32x1x512xf32, #tpu.memory_space<vmem>>, %arg12: memref<32x1x512xf32, #tpu.memory_space<vmem>>, %arg13: memref<!tpu.dma_semaphore, #tpu.memory_space<semaphore_mem>>, %arg14: memref<!tpu.dma_semaphore, #tpu.memory_space<semaphore_mem>>, %arg15: memref<!tpu.dma_semaphore, #tpu.memory_space<semaphore_mem>>, %arg16: memref<!tpu.dma_semaphore, #tpu.memory_space<semaphore_mem>>) attributes {dimension_semantics = [#tpu.dimension_semantics<core_parallel>, #tpu.dimension_semantics<subcore_parallel>], iteration_bounds = array<i64: 2, 16>, scalar_prefetch = 0 : i64, scratch_operands = 11 : i64, tpu.core_type = #tpu.core_type<sc_vector_subcore>, window_params = [{transform_indices = #map}, {transform_indices = #map}, {transform_indices = #map}, {transform_indices = #map1}]} {
    %mul3A = arith.constant 2 : i32
    %mul3A_0 = arith.muli %arg1, %mul3A : i32
    %add3A = arith.addi %mul3A_0, %arg0 : i32
    %mul3A_1 = arith.constant 200 : i32
    %mul3A_2 = arith.muli %add3A, %mul3A_1 : i32
    %div3A = arith.constant 128 : i32
    %div3A_3 = arith.divsi %mul3A_2, %div3A : i32
    %add3A_4 = arith.constant 47 : i32
    %add3A_5 = arith.addi %div3A_3, %add3A_4 : i32
    %div3A_6 = arith.constant 8 : i32
    %div3A_7 = arith.divsi %add3A_5, %div3A_6 : i32
    %mul3A_8 = arith.constant 8 : i32
    %mul3A_9 = arith.muli %div3A_7, %mul3A_8 : i32
    %multiple_of3A = tpu.assume_multiple %mul3A_9, 8 : i32
    "tpu.region"() ({
      %run_scoped3A = tpu.sem_alloc : memref<!tpu.dma_semaphore, #tpu.memory_space<semaphore_mem>>
      %dma_start3A_742 = arith.constant 0 : i32
      %dma_start3A_743 = tpu.memref_slice %arg2[%multiple_of3A, %dma_start3A_742] : memref<104x1024xi32, #tpu.memory_space<hbm>> -> memref<16x1024xi32, #tpu.memory_space<hbm>>
      %dma_start3A_744 = arith.constant 0 : i32
      %dma_start3A_745 = tpu.memref_slice %arg2[%multiple_of3A, %dma_start3A_744] : memref<104x1024xi32, #tpu.memory_space<hbm>> -> memref<16x1024xi32, #tpu.memory_space<hbm>>
      tpu.enqueue_dma source(%dma_start3A_745 : memref<16x1024xi32, #tpu.memory_space<hbm>>) target(%arg6 : memref<16x1024xi32, #tpu.memory_space<vmem>>) target_semaphore(%run_scoped3A : memref<!tpu.dma_semaphore, #tpu.memory_space<semaphore_mem>>)
      %dma_wait3A_746 = arith.constant 0 : i32
      %dma_wait3A_747 = tpu.memref_slice %arg2[%multiple_of3A, %dma_wait3A_746] : memref<104x1024xi32, #tpu.memory_space<hbm>> -> memref<16x1024xi32, #tpu.memory_space<hbm>>
      %dma_wait3A_748 = arith.constant 0 : i32
      %dma_wait3A_749 = tpu.memref_slice %arg2[%multiple_of3A, %dma_wait3A_748] : memref<104x1024xi32, #tpu.memory_space<hbm>> -> memref<16x1024xi32, #tpu.memory_space<hbm>>
      tpu.wait_dma2 semaphore(%run_scoped3A : memref<!tpu.dma_semaphore, #tpu.memory_space<semaphore_mem>>) src(%dma_wait3A_749 : memref<16x1024xi32, #tpu.memory_space<hbm>>) dst(%arg6 : memref<16x1024xi32, #tpu.memory_space<vmem>>)
      tpu.yield
    }) : () -> ()
    "tpu.region"() ({
      %run_scoped3A = tpu.sem_alloc : memref<!tpu.dma_semaphore, #tpu.memory_space<semaphore_mem>>
      tpu.enqueue_dma source(%arg4 : memref<4x128xf32, #tpu.memory_space<hbm>>) target(%arg7 : memref<4x128xf32, #tpu.memory_space<vmem>>) target_semaphore(%run_scoped3A : memref<!tpu.dma_semaphore, #tpu.memory_space<semaphore_mem>>)
      tpu.wait_dma2 semaphore(%run_scoped3A : memref<!tpu.dma_semaphore, #tpu.memory_space<semaphore_mem>>) src(%arg4 : memref<4x128xf32, #tpu.memory_space<hbm>>) dst(%arg7 : memref<4x128xf32, #tpu.memory_space<vmem>>)
      tpu.yield
    }) : () -> ()
    %get3A = arith.constant 0 : i32
    %get3A_10 = arith.index_cast %get3A : i32 to index
    %get3A_11 = arith.constant 0 : index
    %get3A_12 = tpu.vector_load %arg7[%get3A_10, %get3A_11] {strides = array<i32>} : memref<4x128xf32, #tpu.memory_space<vmem>>, vector<16xf32>,
    %neg3A = arith.constant 0.000000e+00 : f32
    %neg3A_13 = vector.broadcast %neg3A : f32 to vector<16xf32>
    %neg3A_14 = arith.subf %neg3A_13, %get3A_12 : vector<16xf32>
    %exp3A = math.exp %neg3A_14 : vector<16xf32>
    %add3A_15 = arith.constant 1.000000e+00 : f32
    %add3A_16 = vector.broadcast %add3A_15 : f32 to vector<16xf32>
    %add3A_17 = arith.addf %add3A_16, %exp3A : vector<16xf32>
    %div3A_18 = arith.constant 1.000000e+00 : f32
    %div3A_19 = vector.broadcast %div3A_18 : f32 to vector<16xf32>
    %div3A_20 = arith.divf %div3A_19, %add3A_17 : vector<16xf32>
    %swap3A = arith.constant 0 : i32
    %swap3A_21 = arith.index_cast %swap3A : i32 to index
    %swap3A_22 = arith.constant 0 : index
    %swap3A_23 = tpu.vector_load %arg7[%swap3A_21, %swap3A_22] {strides = array<i32>} : memref<4x128xf32, #tpu.memory_space<vmem>>, vector<16xf32>,
    tpu.vector_store %arg7[%swap3A_21, %swap3A_22], %div3A_20 {strides = array<i32>} : memref<4x128xf32, #tpu.memory_space<vmem>>, vector<16xf32>,
    %get3A_24 = arith.constant 0 : i32
    %get3A_25 = arith.index_cast %get3A_24 : i32 to index
    %get3A_26 = arith.constant 16 : index
    %get3A_27 = tpu.vector_load %arg7[%get3A_25, %get3A_26] {strides = array<i32>} : memref<4x128xf32, #tpu.memory_space<vmem>>, vector<16xf32>,
    %neg3A_28 = arith.constant 0.000000e+00 : f32
    %neg3A_29 = vector.broadcast %neg3A_28 : f32 to vector<16xf32>
    %neg3A_30 = arith.subf %neg3A_29, %get3A_27 : vector<16xf32>
    %exp3A_31 = math.exp %neg3A_30 : vector<16xf32>
    %add3A_32 = arith.constant 1.000000e+00 : f32
    %add3A_33 = vector.broadcast %add3A_32 : f32 to vector<16xf32>
    %add3A_34 = arith.addf %add3A_33, %exp3A_31 : vector<16xf32>
    %div3A_35 = arith.constant 1.000000e+00 : f32
    %div3A_36 = vector.broadcast %div3A_35 : f32 to vector<16xf32>
    %div3A_37 = arith.divf %div3A_36, %add3A_34 : vector<16xf32>
    %swap3A_38 = arith.constant 0 : i32
    %swap3A_39 = arith.index_cast %swap3A_38 : i32 to index
    %swap3A_40 = arith.constant 16 : index
    %swap3A_41 = tpu.vector_load %arg7[%swap3A_39, %swap3A_40] {strides = array<i32>} : memref<4x128xf32, #tpu.memory_space<vmem>>, vector<16xf32>,
    tpu.vector_store %arg7[%swap3A_39, %swap3A_40], %div3A_37 {strides = array<i32>} : memref<4x128xf32, #tpu.memory_space<vmem>>, vector<16xf32>,
    %get3A_42 = arith.constant 0 : i32
    %get3A_43 = arith.index_cast %get3A_42 : i32 to index
    %get3A_44 = arith.constant 32 : index
    %get3A_45 = tpu.vector_load %arg7[%get3A_43, %get3A_44] {strides = array<i32>} : memref<4x128xf32, #tpu.memory_space<vmem>>, vector<16xf32>,
    %neg3A_46 = arith.constant 0.000000e+00 : f32
    %neg3A_47 = vector.broadcast %neg3A_46 : f32 to vector<16xf32>
    %neg3A_48 = arith.subf %neg3A_47, %get3A_45 : vector<16xf32>
    %exp3A_49 = math.exp %neg3A_48 : vector<16xf32>
    %add3A_50 = arith.constant 1.000000e+00 : f32
    %add3A_51 = vector.broadcast %add3A_50 : f32 to vector<16xf32>
    %add3A_52 = arith.addf %add3A_51, %exp3A_49 : vector<16xf32>
    %div3A_53 = arith.constant 1.000000e+00 : f32
    %div3A_54 = vector.broadcast %div3A_53 : f32 to vector<16xf32>
    %div3A_55 = arith.divf %div3A_54, %add3A_52 : vector<16xf32>
    %swap3A_56 = arith.constant 0 : i32
    %swap3A_57 = arith.index_cast %swap3A_56 : i32 to index
    %swap3A_58 = arith.constant 32 : index
    %swap3A_59 = tpu.vector_load %arg7[%swap3A_57, %swap3A_58] {strides = array<i32>} : memref<4x128xf32, #tpu.memory_space<vmem>>, vector<16xf32>,
    tpu.vector_store %arg7[%swap3A_57, %swap3A_58], %div3A_55 {strides = array<i32>} : memref<4x128xf32, #tpu.memory_space<vmem>>, vector<16xf32>,
    %get3A_60 = arith.constant 0 : i32
    %get3A_61 = arith.index_cast %get3A_60 : i32 to index
    %get3A_62 = arith.constant 48 : index
    %get3A_63 = tpu.vector_load %arg7[%get3A_61, %get3A_62] {strides = array<i32>} : memref<4x128xf32, #tpu.memory_space<vmem>>, vector<16xf32>,
    %neg3A_64 = arith.constant 0.000000e+00 : f32
    %neg3A_65 = vector.broadcast %neg3A_64 : f32 to vector<16xf32>
    %neg3A_66 = arith.subf %neg3A_65, %get3A_63 : vector<16xf32>
    %exp3A_67 = math.exp %neg3A_66 : vector<16xf32>
    %add3A_68 = arith.constant 1.000000e+00 : f32
    %add3A_69 = vector.broadcast %add3A_68 : f32 to vector<16xf32>
    %add3A_70 = arith.addf %add3A_69, %exp3A_67 : vector<16xf32>
    %div3A_71 = arith.constant 1.000000e+00 : f32
    %div3A_72 = vector.broadcast %div3A_71 : f32 to vector<16xf32>
    %div3A_73 = arith.divf %div3A_72, %add3A_70 : vector<16xf32>
    %swap3A_74 = arith.constant 0 : i32
    %swap3A_75 = arith.index_cast %swap3A_74 : i32 to index
    %swap3A_76 = arith.constant 48 : index
    %swap3A_77 = tpu.vector_load %arg7[%swap3A_75, %swap3A_76] {strides = array<i32>} : memref<4x128xf32, #tpu.memory_space<vmem>>, vector<16xf32>,
    tpu.vector_store %arg7[%swap3A_75, %swap3A_76], %div3A_73 {strides = array<i32>} : memref<4x128xf32, #tpu.memory_space<vmem>>, vector<16xf32>,
    %get3A_78 = arith.constant 0 : i32
    %get3A_79 = arith.index_cast %get3A_78 : i32 to index
    %get3A_80 = arith.constant 64 : index
    %get3A_81 = tpu.vector_load %arg7[%get3A_79, %get3A_80] {strides = array<i32>} : memref<4x128xf32, #tpu.memory_space<vmem>>, vector<16xf32>,
    %neg3A_82 = arith.constant 0.000000e+00 : f32
    %neg3A_83 = vector.broadcast %neg3A_82 : f32 to vector<16xf32>
    %neg3A_84 = arith.subf %neg3A_83, %get3A_81 : vector<16xf32>
    %exp3A_85 = math.exp %neg3A_84 : vector<16xf32>
    %add3A_86 = arith.constant 1.000000e+00 : f32
    %add3A_87 = vector.broadcast %add3A_86 : f32 to vector<16xf32>
    %add3A_88 = arith.addf %add3A_87, %exp3A_85 : vector<16xf32>
    %div3A_89 = arith.constant 1.000000e+00 : f32
    %div3A_90 = vector.broadcast %div3A_89 : f32 to vector<16xf32>
    %div3A_91 = arith.divf %div3A_90, %add3A_88 : vector<16xf32>
    %swap3A_92 = arith.constant 0 : i32
    %swap3A_93 = arith.index_cast %swap3A_92 : i32 to index
    %swap3A_94 = arith.constant 64 : index
    %swap3A_95 = tpu.vector_load %arg7[%swap3A_93, %swap3A_94] {strides = array<i32>} : memref<4x128xf32, #tpu.memory_space<vmem>>, vector<16xf32>,
    tpu.vector_store %arg7[%swap3A_93, %swap3A_94], %div3A_91 {strides = array<i32>} : memref<4x128xf32, #tpu.memory_space<vmem>>, vector<16xf32>,
    %get3A_96 = arith.constant 0 : i32
    %get3A_97 = arith.index_cast %get3A_96 : i32 to index
    %get3A_98 = arith.constant 80 : index
    %get3A_99 = tpu.vector_load %arg7[%get3A_97, %get3A_98] {strides = array<i32>} : memref<4x128xf32, #tpu.memory_space<vmem>>, vector<16xf32>,
    %neg3A_100 = arith.constant 0.000000e+00 : f32
    %neg3A_101 = vector.broadcast %neg3A_100 : f32 to vector<16xf32>
    %neg3A_102 = arith.subf %neg3A_101, %get3A_99 : vector<16xf32>
    %exp3A_103 = math.exp %neg3A_102 : vector<16xf32>
    %add3A_104 = arith.constant 1.000000e+00 : f32
    %add3A_105 = vector.broadcast %add3A_104 : f32 to vector<16xf32>
    %add3A_106 = arith.addf %add3A_105, %exp3A_103 : vector<16xf32>
    %div3A_107 = arith.constant 1.000000e+00 : f32
    %div3A_108 = vector.broadcast %div3A_107 : f32 to vector<16xf32>
    %div3A_109 = arith.divf %div3A_108, %add3A_106 : vector<16xf32>
    %swap3A_110 = arith.constant 0 : i32
    %swap3A_111 = arith.index_cast %swap3A_110 : i32 to index
    %swap3A_112 = arith.constant 80 : index
    %swap3A_113 = tpu.vector_load %arg7[%swap3A_111, %swap3A_112] {strides = array<i32>} : memref<4x128xf32, #tpu.memory_space<vmem>>, vector<16xf32>,
    tpu.vector_store %arg7[%swap3A_111, %swap3A_112], %div3A_109 {strides = array<i32>} : memref<4x128xf32, #tpu.memory_space<vmem>>, vector<16xf32>,
    %get3A_114 = arith.constant 0 : i32
    %get3A_115 = arith.index_cast %get3A_114 : i32 to index
    %get3A_116 = arith.constant 96 : index
    %get3A_117 = tpu.vector_load %arg7[%get3A_115, %get3A_116] {strides = array<i32>} : memref<4x128xf32, #tpu.memory_space<vmem>>, vector<16xf32>,
    %neg3A_118 = arith.constant 0.000000e+00 : f32
    %neg3A_119 = vector.broadcast %neg3A_118 : f32 to vector<16xf32>
    %neg3A_120 = arith.subf %neg3A_119, %get3A_117 : vector<16xf32>
    %exp3A_121 = math.exp %neg3A_120 : vector<16xf32>
    %add3A_122 = arith.constant 1.000000e+00 : f32
    %add3A_123 = vector.broadcast %add3A_122 : f32 to vector<16xf32>
    %add3A_124 = arith.addf %add3A_123, %exp3A_121 : vector<16xf32>
    %div3A_125 = arith.constant 1.000000e+00 : f32
    %div3A_126 = vector.broadcast %div3A_125 : f32 to vector<16xf32>
    %div3A_127 = arith.divf %div3A_126, %add3A_124 : vector<16xf32>
    %swap3A_128 = arith.constant 0 : i32
    %swap3A_129 = arith.index_cast %swap3A_128 : i32 to index
    %swap3A_130 = arith.constant 96 : index
    %swap3A_131 = tpu.vector_load %arg7[%swap3A_129, %swap3A_130] {strides = array<i32>} : memref<4x128xf32, #tpu.memory_space<vmem>>, vector<16xf32>,
    tpu.vector_store %arg7[%swap3A_129, %swap3A_130], %div3A_127 {strides = array<i32>} : memref<4x128xf32, #tpu.memory_space<vmem>>, vector<16xf32>,
    %get3A_132 = arith.constant 0 : i32
    %get3A_133 = arith.index_cast %get3A_132 : i32 to index
    %get3A_134 = arith.constant 112 : index
    %get3A_135 = tpu.vector_load %arg7[%get3A_133, %get3A_134] {strides = array<i32>} : memref<4x128xf32, #tpu.memory_space<vmem>>, vector<16xf32>,
    %neg3A_136 = arith.constant 0.000000e+00 : f32
    %neg3A_137 = vector.broadcast %neg3A_136 : f32 to vector<16xf32>
    %neg3A_138 = arith.subf %neg3A_137, %get3A_135 : vector<16xf32>
    %exp3A_139 = math.exp %neg3A_138 : vector<16xf32>
    %add3A_140 = arith.constant 1.000000e+00 : f32
    %add3A_141 = vector.broadcast %add3A_140 : f32 to vector<16xf32>
    %add3A_142 = arith.addf %add3A_141, %exp3A_139 : vector<16xf32>
    %div3A_143 = arith.constant 1.000000e+00 : f32
    %div3A_144 = vector.broadcast %div3A_143 : f32 to vector<16xf32>
    %div3A_145 = arith.divf %div3A_144, %add3A_142 : vector<16xf32>
    %swap3A_146 = arith.constant 0 : i32
    %swap3A_147 = arith.index_cast %swap3A_146 : i32 to index
    %swap3A_148 = arith.constant 112 : index
    %swap3A_149 = tpu.vector_load %arg7[%swap3A_147, %swap3A_148] {strides = array<i32>} : memref<4x128xf32, #tpu.memory_space<vmem>>, vector<16xf32>,
    tpu.vector_store %arg7[%swap3A_147, %swap3A_148], %div3A_145 {strides = array<i32>} : memref<4x128xf32, #tpu.memory_space<vmem>>, vector<16xf32>,
    %get3A_150 = arith.constant 1 : i32
    %get3A_151 = arith.index_cast %get3A_150 : i32 to index
    %get3A_152 = arith.constant 0 : index
    %get3A_153 = tpu.vector_load %arg7[%get3A_151, %get3A_152] {strides = array<i32>} : memref<4x128xf32, #tpu.memory_space<vmem>>, vector<16xf32>,
    %neg3A_154 = arith.constant 0.000000e+00 : f32
    %neg3A_155 = vector.broadcast %neg3A_154 : f32 to vector<16xf32>
    %neg3A_156 = arith.subf %neg3A_155, %get3A_153 : vector<16xf32>
    %exp3A_157 = math.exp %neg3A_156 : vector<16xf32>
    %add3A_158 = arith.constant 1.000000e+00 : f32
    %add3A_159 = vector.broadcast %add3A_158 : f32 to vector<16xf32>
    %add3A_160 = arith.addf %add3A_159, %exp3A_157 : vector<16xf32>
    %div3A_161 = arith.constant 1.000000e+00 : f32
    %div3A_162 = vector.broadcast %div3A_161 : f32 to vector<16xf32>
    %div3A_163 = arith.divf %div3A_162, %add3A_160 : vector<16xf32>
    %swap3A_164 = arith.constant 1 : i32
    %swap3A_165 = arith.index_cast %swap3A_164 : i32 to index
    %swap3A_166 = arith.constant 0 : index
    %swap3A_167 = tpu.vector_load %arg7[%swap3A_165, %swap3A_166] {strides = array<i32>} : memref<4x128xf32, #tpu.memory_space<vmem>>, vector<16xf32>,
    tpu.vector_store %arg7[%swap3A_165, %swap3A_166], %div3A_163 {strides = array<i32>} : memref<4x128xf32, #tpu.memory_space<vmem>>, vector<16xf32>,
    %get3A_168 = arith.constant 1 : i32
    %get3A_169 = arith.index_cast %get3A_168 : i32 to index
    %get3A_170 = arith.constant 16 : index
    %get3A_171 = tpu.vector_load %arg7[%get3A_169, %get3A_170] {strides = array<i32>} : memref<4x128xf32, #tpu.memory_space<vmem>>, vector<16xf32>,
    %neg3A_172 = arith.constant 0.000000e+00 : f32
    %neg3A_173 = vector.broadcast %neg3A_172 : f32 to vector<16xf32>
    %neg3A_174 = arith.subf %neg3A_173, %get3A_171 : vector<16xf32>
    %exp3A_175 = math.exp %neg3A_174 : vector<16xf32>
    %add3A_176 = arith.constant 1.000000e+00 : f32
    %add3A_177 = vector.broadcast %add3A_176 : f32 to vector<16xf32>
    %add3A_178 = arith.addf %add3A_177, %exp3A_175 : vector<16xf32>
    %div3A_179 = arith.constant 1.000000e+00 : f32
    %div3A_180 = vector.broadcast %div3A_179 : f32 to vector<16xf32>
    %div3A_181 = arith.divf %div3A_180, %add3A_178 : vector<16xf32>
    %swap3A_182 = arith.constant 1 : i32
    %swap3A_183 = arith.index_cast %swap3A_182 : i32 to index
    %swap3A_184 = arith.constant 16 : index
    %swap3A_185 = tpu.vector_load %arg7[%swap3A_183, %swap3A_184] {strides = array<i32>} : memref<4x128xf32, #tpu.memory_space<vmem>>, vector<16xf32>,
    tpu.vector_store %arg7[%swap3A_183, %swap3A_184], %div3A_181 {strides = array<i32>} : memref<4x128xf32, #tpu.memory_space<vmem>>, vector<16xf32>,
    %get3A_186 = arith.constant 1 : i32
    %get3A_187 = arith.index_cast %get3A_186 : i32 to index
    %get3A_188 = arith.constant 32 : index
    %get3A_189 = tpu.vector_load %arg7[%get3A_187, %get3A_188] {strides = array<i32>} : memref<4x128xf32, #tpu.memory_space<vmem>>, vector<16xf32>,
    %neg3A_190 = arith.constant 0.000000e+00 : f32
    %neg3A_191 = vector.broadcast %neg3A_190 : f32 to vector<16xf32>
    %neg3A_192 = arith.subf %neg3A_191, %get3A_189 : vector<16xf32>
    %exp3A_193 = math.exp %neg3A_192 : vector<16xf32>
    %add3A_194 = arith.constant 1.000000e+00 : f32
    %add3A_195 = vector.broadcast %add3A_194 : f32 to vector<16xf32>
    %add3A_196 = arith.addf %add3A_195, %exp3A_193 : vector<16xf32>
    %div3A_197 = arith.constant 1.000000e+00 : f32
    %div3A_198 = vector.broadcast %div3A_197 : f32 to vector<16xf32>
    %div3A_199 = arith.divf %div3A_198, %add3A_196 : vector<16xf32>
    %swap3A_200 = arith.constant 1 : i32
    %swap3A_201 = arith.index_cast %swap3A_200 : i32 to index
    %swap3A_202 = arith.constant 32 : index
    %swap3A_203 = tpu.vector_load %arg7[%swap3A_201, %swap3A_202] {strides = array<i32>} : memref<4x128xf32, #tpu.memory_space<vmem>>, vector<16xf32>,
    tpu.vector_store %arg7[%swap3A_201, %swap3A_202], %div3A_199 {strides = array<i32>} : memref<4x128xf32, #tpu.memory_space<vmem>>, vector<16xf32>,
    %get3A_204 = arith.constant 1 : i32
    %get3A_205 = arith.index_cast %get3A_204 : i32 to index
    %get3A_206 = arith.constant 48 : index
    %get3A_207 = tpu.vector_load %arg7[%get3A_205, %get3A_206] {strides = array<i32>} : memref<4x128xf32, #tpu.memory_space<vmem>>, vector<16xf32>,
    %neg3A_208 = arith.constant 0.000000e+00 : f32
    %neg3A_209 = vector.broadcast %neg3A_208 : f32 to vector<16xf32>
    %neg3A_210 = arith.subf %neg3A_209, %get3A_207 : vector<16xf32>
    %exp3A_211 = math.exp %neg3A_210 : vector<16xf32>
    %add3A_212 = arith.constant 1.000000e+00 : f32
    %add3A_213 = vector.broadcast %add3A_212 : f32 to vector<16xf32>
    %add3A_214 = arith.addf %add3A_213, %exp3A_211 : vector<16xf32>
    %div3A_215 = arith.constant 1.000000e+00 : f32
    %div3A_216 = vector.broadcast %div3A_215 : f32 to vector<16xf32>
    %div3A_217 = arith.divf %div3A_216, %add3A_214 : vector<16xf32>
    %swap3A_218 = arith.constant 1 : i32
    %swap3A_219 = arith.index_cast %swap3A_218 : i32 to index
    %swap3A_220 = arith.constant 48 : index
    %swap3A_221 = tpu.vector_load %arg7[%swap3A_219, %swap3A_220] {strides = array<i32>} : memref<4x128xf32, #tpu.memory_space<vmem>>, vector<16xf32>,
    tpu.vector_store %arg7[%swap3A_219, %swap3A_220], %div3A_217 {strides = array<i32>} : memref<4x128xf32, #tpu.memory_space<vmem>>, vector<16xf32>,
    %get3A_222 = arith.constant 1 : i32
    %get3A_223 = arith.index_cast %get3A_222 : i32 to index
    %get3A_224 = arith.constant 64 : index
    %get3A_225 = tpu.vector_load %arg7[%get3A_223, %get3A_224] {strides = array<i32>} : memref<4x128xf32, #tpu.memory_space<vmem>>, vector<16xf32>,
    %neg3A_226 = arith.constant 0.000000e+00 : f32
    %neg3A_227 = vector.broadcast %neg3A_226 : f32 to vector<16xf32>
    %neg3A_228 = arith.subf %neg3A_227, %get3A_225 : vector<16xf32>
    %exp3A_229 = math.exp %neg3A_228 : vector<16xf32>
    %add3A_230 = arith.constant 1.000000e+00 : f32
    %add3A_231 = vector.broadcast %add3A_230 : f32 to vector<16xf32>
    %add3A_232 = arith.addf %add3A_231, %exp3A_229 : vector<16xf32>
    %div3A_233 = arith.constant 1.000000e+00 : f32
    %div3A_234 = vector.broadcast %div3A_233 : f32 to vector<16xf32>
    %div3A_235 = arith.divf %div3A_234, %add3A_232 : vector<16xf32>
    %swap3A_236 = arith.constant 1 : i32
    %swap3A_237 = arith.index_cast %swap3A_236 : i32 to index
    %swap3A_238 = arith.constant 64 : index
    %swap3A_239 = tpu.vector_load %arg7[%swap3A_237, %swap3A_238] {strides = array<i32>} : memref<4x128xf32, #tpu.memory_space<vmem>>, vector<16xf32>,
    tpu.vector_store %arg7[%swap3A_237, %swap3A_238], %div3A_235 {strides = array<i32>} : memref<4x128xf32, #tpu.memory_space<vmem>>, vector<16xf32>,
    %get3A_240 = arith.constant 1 : i32
    %get3A_241 = arith.index_cast %get3A_240 : i32 to index
    %get3A_242 = arith.constant 80 : index
    %get3A_243 = tpu.vector_load %arg7[%get3A_241, %get3A_242] {strides = array<i32>} : memref<4x128xf32, #tpu.memory_space<vmem>>, vector<16xf32>,
    %neg3A_244 = arith.constant 0.000000e+00 : f32
    %neg3A_245 = vector.broadcast %neg3A_244 : f32 to vector<16xf32>
    %neg3A_246 = arith.subf %neg3A_245, %get3A_243 : vector<16xf32>
    %exp3A_247 = math.exp %neg3A_246 : vector<16xf32>
    %add3A_248 = arith.constant 1.000000e+00 : f32
    %add3A_249 = vector.broadcast %add3A_248 : f32 to vector<16xf32>
    %add3A_250 = arith.addf %add3A_249, %exp3A_247 : vector<16xf32>
    %div3A_251 = arith.constant 1.000000e+00 : f32
    %div3A_252 = vector.broadcast %div3A_251 : f32 to vector<16xf32>
    %div3A_253 = arith.divf %div3A_252, %add3A_250 : vector<16xf32>
    %swap3A_254 = arith.constant 1 : i32
    %swap3A_255 = arith.index_cast %swap3A_254 : i32 to index
    %swap3A_256 = arith.constant 80 : index
    %swap3A_257 = tpu.vector_load %arg7[%swap3A_255, %swap3A_256] {strides = array<i32>} : memref<4x128xf32, #tpu.memory_space<vmem>>, vector<16xf32>,
    tpu.vector_store %arg7[%swap3A_255, %swap3A_256], %div3A_253 {strides = array<i32>} : memref<4x128xf32, #tpu.memory_space<vmem>>, vector<16xf32>,
    %get3A_258 = arith.constant 1 : i32
    %get3A_259 = arith.index_cast %get3A_258 : i32 to index
    %get3A_260 = arith.constant 96 : index
    %get3A_261 = tpu.vector_load %arg7[%get3A_259, %get3A_260] {strides = array<i32>} : memref<4x128xf32, #tpu.memory_space<vmem>>, vector<16xf32>,
    %neg3A_262 = arith.constant 0.000000e+00 : f32
    %neg3A_263 = vector.broadcast %neg3A_262 : f32 to vector<16xf32>
    %neg3A_264 = arith.subf %neg3A_263, %get3A_261 : vector<16xf32>
    %exp3A_265 = math.exp %neg3A_264 : vector<16xf32>
    %add3A_266 = arith.constant 1.000000e+00 : f32
    %add3A_267 = vector.broadcast %add3A_266 : f32 to vector<16xf32>
    %add3A_268 = arith.addf %add3A_267, %exp3A_265 : vector<16xf32>
    %div3A_269 = arith.constant 1.000000e+00 : f32
    %div3A_270 = vector.broadcast %div3A_269 : f32 to vector<16xf32>
    %div3A_271 = arith.divf %div3A_270, %add3A_268 : vector<16xf32>
    %swap3A_272 = arith.constant 1 : i32
    %swap3A_273 = arith.index_cast %swap3A_272 : i32 to index
    %swap3A_274 = arith.constant 96 : index
    %swap3A_275 = tpu.vector_load %arg7[%swap3A_273, %swap3A_274] {strides = array<i32>} : memref<4x128xf32, #tpu.memory_space<vmem>>, vector<16xf32>,
    tpu.vector_store %arg7[%swap3A_273, %swap3A_274], %div3A_271 {strides = array<i32>} : memref<4x128xf32, #tpu.memory_space<vmem>>, vector<16xf32>,
    %get3A_276 = arith.constant 1 : i32
    %get3A_277 = arith.index_cast %get3A_276 : i32 to index
    %get3A_278 = arith.constant 112 : index
    %get3A_279 = tpu.vector_load %arg7[%get3A_277, %get3A_278] {strides = array<i32>} : memref<4x128xf32, #tpu.memory_space<vmem>>, vector<16xf32>,
    %neg3A_280 = arith.constant 0.000000e+00 : f32
    %neg3A_281 = vector.broadcast %neg3A_280 : f32 to vector<16xf32>
    %neg3A_282 = arith.subf %neg3A_281, %get3A_279 : vector<16xf32>
    %exp3A_283 = math.exp %neg3A_282 : vector<16xf32>
    %add3A_284 = arith.constant 1.000000e+00 : f32
    %add3A_285 = vector.broadcast %add3A_284 : f32 to vector<16xf32>
    %add3A_286 = arith.addf %add3A_285, %exp3A_283 : vector<16xf32>
    %div3A_287 = arith.constant 1.000000e+00 : f32
    %div3A_288 = vector.broadcast %div3A_287 : f32 to vector<16xf32>
    %div3A_289 = arith.divf %div3A_288, %add3A_286 : vector<16xf32>
    %swap3A_290 = arith.constant 1 : i32
    %swap3A_291 = arith.index_cast %swap3A_290 : i32 to index
    %swap3A_292 = arith.constant 112 : index
    %swap3A_293 = tpu.vector_load %arg7[%swap3A_291, %swap3A_292] {strides = array<i32>} : memref<4x128xf32, #tpu.memory_space<vmem>>, vector<16xf32>,
    tpu.vector_store %arg7[%swap3A_291, %swap3A_292], %div3A_289 {strides = array<i32>} : memref<4x128xf32, #tpu.memory_space<vmem>>, vector<16xf32>,
    %get3A_294 = arith.constant 2 : i32
    %get3A_295 = arith.index_cast %get3A_294 : i32 to index
    %get3A_296 = arith.constant 0 : index
    %get3A_297 = tpu.vector_load %arg7[%get3A_295, %get3A_296] {strides = array<i32>} : memref<4x128xf32, #tpu.memory_space<vmem>>, vector<16xf32>,
    %neg3A_298 = arith.constant 0.000000e+00 : f32
    %neg3A_299 = vector.broadcast %neg3A_298 : f32 to vector<16xf32>
    %neg3A_300 = arith.subf %neg3A_299, %get3A_297 : vector<16xf32>
    %exp3A_301 = math.exp %neg3A_300 : vector<16xf32>
    %add3A_302 = arith.constant 1.000000e+00 : f32
    %add3A_303 = vector.broadcast %add3A_302 : f32 to vector<16xf32>
    %add3A_304 = arith.addf %add3A_303, %exp3A_301 : vector<16xf32>
    %div3A_305 = arith.constant 1.000000e+00 : f32
    %div3A_306 = vector.broadcast %div3A_305 : f32 to vector<16xf32>
    %div3A_307 = arith.divf %div3A_306, %add3A_304 : vector<16xf32>
    %swap3A_308 = arith.constant 2 : i32
    %swap3A_309 = arith.index_cast %swap3A_308 : i32 to index
    %swap3A_310 = arith.constant 0 : index
    %swap3A_311 = tpu.vector_load %arg7[%swap3A_309, %swap3A_310] {strides = array<i32>} : memref<4x128xf32, #tpu.memory_space<vmem>>, vector<16xf32>,
    tpu.vector_store %arg7[%swap3A_309, %swap3A_310], %div3A_307 {strides = array<i32>} : memref<4x128xf32, #tpu.memory_space<vmem>>, vector<16xf32>,
    %get3A_312 = arith.constant 2 : i32
    %get3A_313 = arith.index_cast %get3A_312 : i32 to index
    %get3A_314 = arith.constant 16 : index
    %get3A_315 = tpu.vector_load %arg7[%get3A_313, %get3A_314] {strides = array<i32>} : memref<4x128xf32, #tpu.memory_space<vmem>>, vector<16xf32>,
    %neg3A_316 = arith.constant 0.000000e+00 : f32
    %neg3A_317 = vector.broadcast %neg3A_316 : f32 to vector<16xf32>
    %neg3A_318 = arith.subf %neg3A_317, %get3A_315 : vector<16xf32>
    %exp3A_319 = math.exp %neg3A_318 : vector<16xf32>
    %add3A_320 = arith.constant 1.000000e+00 : f32
    %add3A_321 = vector.broadcast %add3A_320 : f32 to vector<16xf32>
    %add3A_322 = arith.addf %add3A_321, %exp3A_319 : vector<16xf32>
    %div3A_323 = arith.constant 1.000000e+00 : f32
    %div3A_324 = vector.broadcast %div3A_323 : f32 to vector<16xf32>
    %div3A_325 = arith.divf %div3A_324, %add3A_322 : vector<16xf32>
    %swap3A_326 = arith.constant 2 : i32
    %swap3A_327 = arith.index_cast %swap3A_326 : i32 to index
    %swap3A_328 = arith.constant 16 : index
    %swap3A_329 = tpu.vector_load %arg7[%swap3A_327, %swap3A_328] {strides = array<i32>} : memref<4x128xf32, #tpu.memory_space<vmem>>, vector<16xf32>,
    tpu.vector_store %arg7[%swap3A_327, %swap3A_328], %div3A_325 {strides = array<i32>} : memref<4x128xf32, #tpu.memory_space<vmem>>, vector<16xf32>,
    %get3A_330 = arith.constant 2 : i32
    %get3A_331 = arith.index_cast %get3A_330 : i32 to index
    %get3A_332 = arith.constant 32 : index
    %get3A_333 = tpu.vector_load %arg7[%get3A_331, %get3A_332] {strides = array<i32>} : memref<4x128xf32, #tpu.memory_space<vmem>>, vector<16xf32>,
    %neg3A_334 = arith.constant 0.000000e+00 : f32
    %neg3A_335 = vector.broadcast %neg3A_334 : f32 to vector<16xf32>
    %neg3A_336 = arith.subf %neg3A_335, %get3A_333 : vector<16xf32>
    %exp3A_337 = math.exp %neg3A_336 : vector<16xf32>
    %add3A_338 = arith.constant 1.000000e+00 : f32
    %add3A_339 = vector.broadcast %add3A_338 : f32 to vector<16xf32>
    %add3A_340 = arith.addf %add3A_339, %exp3A_337 : vector<16xf32>
    %div3A_341 = arith.constant 1.000000e+00 : f32
    %div3A_342 = vector.broadcast %div3A_341 : f32 to vector<16xf32>
    %div3A_343 = arith.divf %div3A_342, %add3A_340 : vector<16xf32>
    %swap3A_344 = arith.constant 2 : i32
    %swap3A_345 = arith.index_cast %swap3A_344 : i32 to index
    %swap3A_346 = arith.constant 32 : index
    %swap3A_347 = tpu.vector_load %arg7[%swap3A_345, %swap3A_346] {strides = array<i32>} : memref<4x128xf32, #tpu.memory_space<vmem>>, vector<16xf32>,
    tpu.vector_store %arg7[%swap3A_345, %swap3A_346], %div3A_343 {strides = array<i32>} : memref<4x128xf32, #tpu.memory_space<vmem>>, vector<16xf32>,
    %get3A_348 = arith.constant 2 : i32
    %get3A_349 = arith.index_cast %get3A_348 : i32 to index
    %get3A_350 = arith.constant 48 : index
    %get3A_351 = tpu.vector_load %arg7[%get3A_349, %get3A_350] {strides = array<i32>} : memref<4x128xf32, #tpu.memory_space<vmem>>, vector<16xf32>,
    %neg3A_352 = arith.constant 0.000000e+00 : f32
    %neg3A_353 = vector.broadcast %neg3A_352 : f32 to vector<16xf32>
    %neg3A_354 = arith.subf %neg3A_353, %get3A_351 : vector<16xf32>
    %exp3A_355 = math.exp %neg3A_354 : vector<16xf32>
    %add3A_356 = arith.constant 1.000000e+00 : f32
    %add3A_357 = vector.broadcast %add3A_356 : f32 to vector<16xf32>
    %add3A_358 = arith.addf %add3A_357, %exp3A_355 : vector<16xf32>
    %div3A_359 = arith.constant 1.000000e+00 : f32
    %div3A_360 = vector.broadcast %div3A_359 : f32 to vector<16xf32>
    %div3A_361 = arith.divf %div3A_360, %add3A_358 : vector<16xf32>
    %swap3A_362 = arith.constant 2 : i32
    %swap3A_363 = arith.index_cast %swap3A_362 : i32 to index
    %swap3A_364 = arith.constant 48 : index
    %swap3A_365 = tpu.vector_load %arg7[%swap3A_363, %swap3A_364] {strides = array<i32>} : memref<4x128xf32, #tpu.memory_space<vmem>>, vector<16xf32>,
    tpu.vector_store %arg7[%swap3A_363, %swap3A_364], %div3A_361 {strides = array<i32>} : memref<4x128xf32, #tpu.memory_space<vmem>>, vector<16xf32>,
    %get3A_366 = arith.constant 2 : i32
    %get3A_367 = arith.index_cast %get3A_366 : i32 to index
    %get3A_368 = arith.constant 64 : index
    %get3A_369 = tpu.vector_load %arg7[%get3A_367, %get3A_368] {strides = array<i32>} : memref<4x128xf32, #tpu.memory_space<vmem>>, vector<16xf32>,
    %neg3A_370 = arith.constant 0.000000e+00 : f32
    %neg3A_371 = vector.broadcast %neg3A_370 : f32 to vector<16xf32>
    %neg3A_372 = arith.subf %neg3A_371, %get3A_369 : vector<16xf32>
    %exp3A_373 = math.exp %neg3A_372 : vector<16xf32>
    %add3A_374 = arith.constant 1.000000e+00 : f32
    %add3A_375 = vector.broadcast %add3A_374 : f32 to vector<16xf32>
    %add3A_376 = arith.addf %add3A_375, %exp3A_373 : vector<16xf32>
    %div3A_377 = arith.constant 1.000000e+00 : f32
    %div3A_378 = vector.broadcast %div3A_377 : f32 to vector<16xf32>
    %div3A_379 = arith.divf %div3A_378, %add3A_376 : vector<16xf32>
    %swap3A_380 = arith.constant 2 : i32
    %swap3A_381 = arith.index_cast %swap3A_380 : i32 to index
    %swap3A_382 = arith.constant 64 : index
    %swap3A_383 = tpu.vector_load %arg7[%swap3A_381, %swap3A_382] {strides = array<i32>} : memref<4x128xf32, #tpu.memory_space<vmem>>, vector<16xf32>,
    tpu.vector_store %arg7[%swap3A_381, %swap3A_382], %div3A_379 {strides = array<i32>} : memref<4x128xf32, #tpu.memory_space<vmem>>, vector<16xf32>,
    %get3A_384 = arith.constant 2 : i32
    %get3A_385 = arith.index_cast %get3A_384 : i32 to index
    %get3A_386 = arith.constant 80 : index
    %get3A_387 = tpu.vector_load %arg7[%get3A_385, %get3A_386] {strides = array<i32>} : memref<4x128xf32, #tpu.memory_space<vmem>>, vector<16xf32>,
    %neg3A_388 = arith.constant 0.000000e+00 : f32
    %neg3A_389 = vector.broadcast %neg3A_388 : f32 to vector<16xf32>
    %neg3A_390 = arith.subf %neg3A_389, %get3A_387 : vector<16xf32>
    %exp3A_391 = math.exp %neg3A_390 : vector<16xf32>
    %add3A_392 = arith.constant 1.000000e+00 : f32
    %add3A_393 = vector.broadcast %add3A_392 : f32 to vector<16xf32>
    %add3A_394 = arith.addf %add3A_393, %exp3A_391 : vector<16xf32>
    %div3A_395 = arith.constant 1.000000e+00 : f32
    %div3A_396 = vector.broadcast %div3A_395 : f32 to vector<16xf32>
    %div3A_397 = arith.divf %div3A_396, %add3A_394 : vector<16xf32>
    %swap3A_398 = arith.constant 2 : i32
    %swap3A_399 = arith.index_cast %swap3A_398 : i32 to index
    %swap3A_400 = arith.constant 80 : index
    %swap3A_401 = tpu.vector_load %arg7[%swap3A_399, %swap3A_400] {strides = array<i32>} : memref<4x128xf32, #tpu.memory_space<vmem>>, vector<16xf32>,
    tpu.vector_store %arg7[%swap3A_399, %swap3A_400], %div3A_397 {strides = array<i32>} : memref<4x128xf32, #tpu.memory_space<vmem>>, vector<16xf32>,
    %get3A_402 = arith.constant 2 : i32
    %get3A_403 = arith.index_cast %get3A_402 : i32 to index
    %get3A_404 = arith.constant 96 : index
    %get3A_405 = tpu.vector_load %arg7[%get3A_403, %get3A_404] {strides = array<i32>} : memref<4x128xf32, #tpu.memory_space<vmem>>, vector<16xf32>,
    %neg3A_406 = arith.constant 0.000000e+00 : f32
    %neg3A_407 = vector.broadcast %neg3A_406 : f32 to vector<16xf32>
    %neg3A_408 = arith.subf %neg3A_407, %get3A_405 : vector<16xf32>
    %exp3A_409 = math.exp %neg3A_408 : vector<16xf32>
    %add3A_410 = arith.constant 1.000000e+00 : f32
    %add3A_411 = vector.broadcast %add3A_410 : f32 to vector<16xf32>
    %add3A_412 = arith.addf %add3A_411, %exp3A_409 : vector<16xf32>
    %div3A_413 = arith.constant 1.000000e+00 : f32
    %div3A_414 = vector.broadcast %div3A_413 : f32 to vector<16xf32>
    %div3A_415 = arith.divf %div3A_414, %add3A_412 : vector<16xf32>
    %swap3A_416 = arith.constant 2 : i32
    %swap3A_417 = arith.index_cast %swap3A_416 : i32 to index
    %swap3A_418 = arith.constant 96 : index
    %swap3A_419 = tpu.vector_load %arg7[%swap3A_417, %swap3A_418] {strides = array<i32>} : memref<4x128xf32, #tpu.memory_space<vmem>>, vector<16xf32>,
    tpu.vector_store %arg7[%swap3A_417, %swap3A_418], %div3A_415 {strides = array<i32>} : memref<4x128xf32, #tpu.memory_space<vmem>>, vector<16xf32>,
    %get3A_420 = arith.constant 2 : i32
    %get3A_421 = arith.index_cast %get3A_420 : i32 to index
    %get3A_422 = arith.constant 112 : index
    %get3A_423 = tpu.vector_load %arg7[%get3A_421, %get3A_422] {strides = array<i32>} : memref<4x128xf32, #tpu.memory_space<vmem>>, vector<16xf32>,
    %neg3A_424 = arith.constant 0.000000e+00 : f32
    %neg3A_425 = vector.broadcast %neg3A_424 : f32 to vector<16xf32>
    %neg3A_426 = arith.subf %neg3A_425, %get3A_423 : vector<16xf32>
    %exp3A_427 = math.exp %neg3A_426 : vector<16xf32>
    %add3A_428 = arith.constant 1.000000e+00 : f32
    %add3A_429 = vector.broadcast %add3A_428 : f32 to vector<16xf32>
    %add3A_430 = arith.addf %add3A_429, %exp3A_427 : vector<16xf32>
    %div3A_431 = arith.constant 1.000000e+00 : f32
    %div3A_432 = vector.broadcast %div3A_431 : f32 to vector<16xf32>
    %div3A_433 = arith.divf %div3A_432, %add3A_430 : vector<16xf32>
    %swap3A_434 = arith.constant 2 : i32
    %swap3A_435 = arith.index_cast %swap3A_434 : i32 to index
    %swap3A_436 = arith.constant 112 : index
    %swap3A_437 = tpu.vector_load %arg7[%swap3A_435, %swap3A_436] {strides = array<i32>} : memref<4x128xf32, #tpu.memory_space<vmem>>, vector<16xf32>,
    tpu.vector_store %arg7[%swap3A_435, %swap3A_436], %div3A_433 {strides = array<i32>} : memref<4x128xf32, #tpu.memory_space<vmem>>, vector<16xf32>,
    %get3A_438 = arith.constant 3 : i32
    %get3A_439 = arith.index_cast %get3A_438 : i32 to index
    %get3A_440 = arith.constant 0 : index
    %get3A_441 = tpu.vector_load %arg7[%get3A_439, %get3A_440] {strides = array<i32>} : memref<4x128xf32, #tpu.memory_space<vmem>>, vector<16xf32>,
    %neg3A_442 = arith.constant 0.000000e+00 : f32
    %neg3A_443 = vector.broadcast %neg3A_442 : f32 to vector<16xf32>
    %neg3A_444 = arith.subf %neg3A_443, %get3A_441 : vector<16xf32>
    %exp3A_445 = math.exp %neg3A_444 : vector<16xf32>
    %add3A_446 = arith.constant 1.000000e+00 : f32
    %add3A_447 = vector.broadcast %add3A_446 : f32 to vector<16xf32>
    %add3A_448 = arith.addf %add3A_447, %exp3A_445 : vector<16xf32>
    %div3A_449 = arith.constant 1.000000e+00 : f32
    %div3A_450 = vector.broadcast %div3A_449 : f32 to vector<16xf32>
    %div3A_451 = arith.divf %div3A_450, %add3A_448 : vector<16xf32>
    %swap3A_452 = arith.constant 3 : i32
    %swap3A_453 = arith.index_cast %swap3A_452 : i32 to index
    %swap3A_454 = arith.constant 0 : index
    %swap3A_455 = tpu.vector_load %arg7[%swap3A_453, %swap3A_454] {strides = array<i32>} : memref<4x128xf32, #tpu.memory_space<vmem>>, vector<16xf32>,
    tpu.vector_store %arg7[%swap3A_453, %swap3A_454], %div3A_451 {strides = array<i32>} : memref<4x128xf32, #tpu.memory_space<vmem>>, vector<16xf32>,
    %get3A_456 = arith.constant 3 : i32
    %get3A_457 = arith.index_cast %get3A_456 : i32 to index
    %get3A_458 = arith.constant 16 : index
    %get3A_459 = tpu.vector_load %arg7[%get3A_457, %get3A_458] {strides = array<i32>} : memref<4x128xf32, #tpu.memory_space<vmem>>, vector<16xf32>,
    %neg3A_460 = arith.constant 0.000000e+00 : f32
    %neg3A_461 = vector.broadcast %neg3A_460 : f32 to vector<16xf32>
    %neg3A_462 = arith.subf %neg3A_461, %get3A_459 : vector<16xf32>
    %exp3A_463 = math.exp %neg3A_462 : vector<16xf32>
    %add3A_464 = arith.constant 1.000000e+00 : f32
    %add3A_465 = vector.broadcast %add3A_464 : f32 to vector<16xf32>
    %add3A_466 = arith.addf %add3A_465, %exp3A_463 : vector<16xf32>
    %div3A_467 = arith.constant 1.000000e+00 : f32
    %div3A_468 = vector.broadcast %div3A_467 : f32 to vector<16xf32>
    %div3A_469 = arith.divf %div3A_468, %add3A_466 : vector<16xf32>
    %swap3A_470 = arith.constant 3 : i32
    %swap3A_471 = arith.index_cast %swap3A_470 : i32 to index
    %swap3A_472 = arith.constant 16 : index
    %swap3A_473 = tpu.vector_load %arg7[%swap3A_471, %swap3A_472] {strides = array<i32>} : memref<4x128xf32, #tpu.memory_space<vmem>>, vector<16xf32>,
    tpu.vector_store %arg7[%swap3A_471, %swap3A_472], %div3A_469 {strides = array<i32>} : memref<4x128xf32, #tpu.memory_space<vmem>>, vector<16xf32>,
    %get3A_474 = arith.constant 3 : i32
    %get3A_475 = arith.index_cast %get3A_474 : i32 to index
    %get3A_476 = arith.constant 32 : index
    %get3A_477 = tpu.vector_load %arg7[%get3A_475, %get3A_476] {strides = array<i32>} : memref<4x128xf32, #tpu.memory_space<vmem>>, vector<16xf32>,
    %neg3A_478 = arith.constant 0.000000e+00 : f32
    %neg3A_479 = vector.broadcast %neg3A_478 : f32 to vector<16xf32>
    %neg3A_480 = arith.subf %neg3A_479, %get3A_477 : vector<16xf32>
    %exp3A_481 = math.exp %neg3A_480 : vector<16xf32>
    %add3A_482 = arith.constant 1.000000e+00 : f32
    %add3A_483 = vector.broadcast %add3A_482 : f32 to vector<16xf32>
    %add3A_484 = arith.addf %add3A_483, %exp3A_481 : vector<16xf32>
    %div3A_485 = arith.constant 1.000000e+00 : f32
    %div3A_486 = vector.broadcast %div3A_485 : f32 to vector<16xf32>
    %div3A_487 = arith.divf %div3A_486, %add3A_484 : vector<16xf32>
    %swap3A_488 = arith.constant 3 : i32
    %swap3A_489 = arith.index_cast %swap3A_488 : i32 to index
    %swap3A_490 = arith.constant 32 : index
    %swap3A_491 = tpu.vector_load %arg7[%swap3A_489, %swap3A_490] {strides = array<i32>} : memref<4x128xf32, #tpu.memory_space<vmem>>, vector<16xf32>,
    tpu.vector_store %arg7[%swap3A_489, %swap3A_490], %div3A_487 {strides = array<i32>} : memref<4x128xf32, #tpu.memory_space<vmem>>, vector<16xf32>,
    %get3A_492 = arith.constant 3 : i32
    %get3A_493 = arith.index_cast %get3A_492 : i32 to index
    %get3A_494 = arith.constant 48 : index
    %get3A_495 = tpu.vector_load %arg7[%get3A_493, %get3A_494] {strides = array<i32>} : memref<4x128xf32, #tpu.memory_space<vmem>>, vector<16xf32>,
    %neg3A_496 = arith.constant 0.000000e+00 : f32
    %neg3A_497 = vector.broadcast %neg3A_496 : f32 to vector<16xf32>
    %neg3A_498 = arith.subf %neg3A_497, %get3A_495 : vector<16xf32>
    %exp3A_499 = math.exp %neg3A_498 : vector<16xf32>
    %add3A_500 = arith.constant 1.000000e+00 : f32
    %add3A_501 = vector.broadcast %add3A_500 : f32 to vector<16xf32>
    %add3A_502 = arith.addf %add3A_501, %exp3A_499 : vector<16xf32>
    %div3A_503 = arith.constant 1.000000e+00 : f32
    %div3A_504 = vector.broadcast %div3A_503 : f32 to vector<16xf32>
    %div3A_505 = arith.divf %div3A_504, %add3A_502 : vector<16xf32>
    %swap3A_506 = arith.constant 3 : i32
    %swap3A_507 = arith.index_cast %swap3A_506 : i32 to index
    %swap3A_508 = arith.constant 48 : index
    %swap3A_509 = tpu.vector_load %arg7[%swap3A_507, %swap3A_508] {strides = array<i32>} : memref<4x128xf32, #tpu.memory_space<vmem>>, vector<16xf32>,
    tpu.vector_store %arg7[%swap3A_507, %swap3A_508], %div3A_505 {strides = array<i32>} : memref<4x128xf32, #tpu.memory_space<vmem>>, vector<16xf32>,
    %get3A_510 = arith.constant 3 : i32
    %get3A_511 = arith.index_cast %get3A_510 : i32 to index
    %get3A_512 = arith.constant 64 : index
    %get3A_513 = tpu.vector_load %arg7[%get3A_511, %get3A_512] {strides = array<i32>} : memref<4x128xf32, #tpu.memory_space<vmem>>, vector<16xf32>,
    %neg3A_514 = arith.constant 0.000000e+00 : f32
    %neg3A_515 = vector.broadcast %neg3A_514 : f32 to vector<16xf32>
    %neg3A_516 = arith.subf %neg3A_515, %get3A_513 : vector<16xf32>
    %exp3A_517 = math.exp %neg3A_516 : vector<16xf32>
    %add3A_518 = arith.constant 1.000000e+00 : f32
    %add3A_519 = vector.broadcast %add3A_518 : f32 to vector<16xf32>
    %add3A_520 = arith.addf %add3A_519, %exp3A_517 : vector<16xf32>
    %div3A_521 = arith.constant 1.000000e+00 : f32
    %div3A_522 = vector.broadcast %div3A_521 : f32 to vector<16xf32>
    %div3A_523 = arith.divf %div3A_522, %add3A_520 : vector<16xf32>
    %swap3A_524 = arith.constant 3 : i32
    %swap3A_525 = arith.index_cast %swap3A_524 : i32 to index
    %swap3A_526 = arith.constant 64 : index
    %swap3A_527 = tpu.vector_load %arg7[%swap3A_525, %swap3A_526] {strides = array<i32>} : memref<4x128xf32, #tpu.memory_space<vmem>>, vector<16xf32>,
    tpu.vector_store %arg7[%swap3A_525, %swap3A_526], %div3A_523 {strides = array<i32>} : memref<4x128xf32, #tpu.memory_space<vmem>>, vector<16xf32>,
    %get3A_528 = arith.constant 3 : i32
    %get3A_529 = arith.index_cast %get3A_528 : i32 to index
    %get3A_530 = arith.constant 80 : index
    %get3A_531 = tpu.vector_load %arg7[%get3A_529, %get3A_530] {strides = array<i32>} : memref<4x128xf32, #tpu.memory_space<vmem>>, vector<16xf32>,
    %neg3A_532 = arith.constant 0.000000e+00 : f32
    %neg3A_533 = vector.broadcast %neg3A_532 : f32 to vector<16xf32>
    %neg3A_534 = arith.subf %neg3A_533, %get3A_531 : vector<16xf32>
    %exp3A_535 = math.exp %neg3A_534 : vector<16xf32>
    %add3A_536 = arith.constant 1.000000e+00 : f32
    %add3A_537 = vector.broadcast %add3A_536 : f32 to vector<16xf32>
    %add3A_538 = arith.addf %add3A_537, %exp3A_535 : vector<16xf32>
    %div3A_539 = arith.constant 1.000000e+00 : f32
    %div3A_540 = vector.broadcast %div3A_539 : f32 to vector<16xf32>
    %div3A_541 = arith.divf %div3A_540, %add3A_538 : vector<16xf32>
    %swap3A_542 = arith.constant 3 : i32
    %swap3A_543 = arith.index_cast %swap3A_542 : i32 to index
    %swap3A_544 = arith.constant 80 : index
    %swap3A_545 = tpu.vector_load %arg7[%swap3A_543, %swap3A_544] {strides = array<i32>} : memref<4x128xf32, #tpu.memory_space<vmem>>, vector<16xf32>,
    tpu.vector_store %arg7[%swap3A_543, %swap3A_544], %div3A_541 {strides = array<i32>} : memref<4x128xf32, #tpu.memory_space<vmem>>, vector<16xf32>,
    %get3A_546 = arith.constant 3 : i32
    %get3A_547 = arith.index_cast %get3A_546 : i32 to index
    %get3A_548 = arith.constant 96 : index
    %get3A_549 = tpu.vector_load %arg7[%get3A_547, %get3A_548] {strides = array<i32>} : memref<4x128xf32, #tpu.memory_space<vmem>>, vector<16xf32>,
    %neg3A_550 = arith.constant 0.000000e+00 : f32
    %neg3A_551 = vector.broadcast %neg3A_550 : f32 to vector<16xf32>
    %neg3A_552 = arith.subf %neg3A_551, %get3A_549 : vector<16xf32>
    %exp3A_553 = math.exp %neg3A_552 : vector<16xf32>
    %add3A_554 = arith.constant 1.000000e+00 : f32
    %add3A_555 = vector.broadcast %add3A_554 : f32 to vector<16xf32>
    %add3A_556 = arith.addf %add3A_555, %exp3A_553 : vector<16xf32>
    %div3A_557 = arith.constant 1.000000e+00 : f32
    %div3A_558 = vector.broadcast %div3A_557 : f32 to vector<16xf32>
    %div3A_559 = arith.divf %div3A_558, %add3A_556 : vector<16xf32>
    %swap3A_560 = arith.constant 3 : i32
    %swap3A_561 = arith.index_cast %swap3A_560 : i32 to index
    %swap3A_562 = arith.constant 96 : index
    %swap3A_563 = tpu.vector_load %arg7[%swap3A_561, %swap3A_562] {strides = array<i32>} : memref<4x128xf32, #tpu.memory_space<vmem>>, vector<16xf32>,
    tpu.vector_store %arg7[%swap3A_561, %swap3A_562], %div3A_559 {strides = array<i32>} : memref<4x128xf32, #tpu.memory_space<vmem>>, vector<16xf32>,
    %get3A_564 = arith.constant 3 : i32
    %get3A_565 = arith.index_cast %get3A_564 : i32 to index
    %get3A_566 = arith.constant 112 : index
    %get3A_567 = tpu.vector_load %arg7[%get3A_565, %get3A_566] {strides = array<i32>} : memref<4x128xf32, #tpu.memory_space<vmem>>, vector<16xf32>,
    %neg3A_568 = arith.constant 0.000000e+00 : f32
    %neg3A_569 = vector.broadcast %neg3A_568 : f32 to vector<16xf32>
    %neg3A_570 = arith.subf %neg3A_569, %get3A_567 : vector<16xf32>
    %exp3A_571 = math.exp %neg3A_570 : vector<16xf32>
    %add3A_572 = arith.constant 1.000000e+00 : f32
    %add3A_573 = vector.broadcast %add3A_572 : f32 to vector<16xf32>
    %add3A_574 = arith.addf %add3A_573, %exp3A_571 : vector<16xf32>
    %div3A_575 = arith.constant 1.000000e+00 : f32
    %div3A_576 = vector.broadcast %div3A_575 : f32 to vector<16xf32>
    %div3A_577 = arith.divf %div3A_576, %add3A_574 : vector<16xf32>
    %swap3A_578 = arith.constant 3 : i32
    %swap3A_579 = arith.index_cast %swap3A_578 : i32 to index
    %swap3A_580 = arith.constant 112 : index
    %swap3A_581 = tpu.vector_load %arg7[%swap3A_579, %swap3A_580] {strides = array<i32>} : memref<4x128xf32, #tpu.memory_space<vmem>>, vector<16xf32>,
    tpu.vector_store %arg7[%swap3A_579, %swap3A_580], %div3A_577 {strides = array<i32>} : memref<4x128xf32, #tpu.memory_space<vmem>>, vector<16xf32>,
    %iota3A = tpu.iota {dimensions = array<i32: 0>} : vector<16xi32>
    %scan3A = arith.constant 0 : i32
    %scan3A_582 = arith.constant 0 : i32
    %scan3A_583 = arith.constant 100 : i32
    %scan3A_584 = arith.addi %scan3A_582, %scan3A_583 : i32
    %scan3A_585 = arith.constant 1 : i32
    scf.for %scan3A_742 = %scan3A_582 to %scan3A_584 step %scan3A_585  : i32 {
      %mul3A_743 = arith.constant 2 : i32
      %mul3A_744 = arith.muli %mul3A_743, %scan3A_742 : i32
      %shift_right_arithmetic3A = arith.constant 3 : i32
      %shift_right_arithmetic3A_745 = vector.broadcast %shift_right_arithmetic3A : i32 to vector<16xi32>
      %shift_right_arithmetic3A_746 = arith.shrsi %iota3A, %shift_right_arithmetic3A_745 : vector<16xi32>
      %add3A_747 = vector.broadcast %mul3A_744 : i32 to vector<16xi32>
      %add3A_748 = arith.addi %add3A_747, %shift_right_arithmetic3A_746 : vector<16xi32>
      %add3A_749 = vector.broadcast %mul3A_2 : i32 to vector<16xi32>
      %add3A_750 = arith.addi %add3A_749, %add3A_748 : vector<16xi32>
      %div3A_751 = arith.constant 128 : i32
      %div3A_752 = vector.broadcast %div3A_751 : i32 to vector<16xi32>
      %div3A_753 = arith.divsi %add3A_750, %div3A_752 : vector<16xi32>
      %mul3A_754 = arith.constant 128 : i32
      %mul3A_755 = vector.broadcast %mul3A_754 : i32 to vector<16xi32>
      %mul3A_756 = arith.muli %div3A_753, %mul3A_755 : vector<16xi32>
      %sub3A = arith.subi %add3A_750, %mul3A_756 : vector<16xi32>
      %mul3A_757 = arith.constant 8 : i32
      %mul3A_758 = vector.broadcast %mul3A_757 : i32 to vector<16xi32>
      %mul3A_759 = arith.muli %sub3A, %mul3A_758 : vector<16xi32>
      %and3A = arith.constant 7 : i32
      %and3A_760 = vector.broadcast %and3A : i32 to vector<16xi32>
      %and3A_761 = arith.andi %iota3A, %and3A_760 : vector<16xi32>
      %add3A_762 = arith.addi %mul3A_759, %and3A_761 : vector<16xi32>
      %mul3A_763 = arith.constant 8 : i32
      %mul3A_764 = vector.broadcast %mul3A_763 : i32 to vector<16xi32>
      %mul3A_765 = arith.muli %add3A_748, %mul3A_764 : vector<16xi32>
      %and3A_766 = arith.constant 7 : i32
      %and3A_767 = vector.broadcast %and3A_766 : i32 to vector<16xi32>
      %and3A_768 = arith.andi %iota3A, %and3A_767 : vector<16xi32>
      %add3A_769 = arith.addi %mul3A_765, %and3A_768 : vector<16xi32>
      %add3A_770 = arith.constant 50 : i32
      %add3A_771 = vector.broadcast %add3A_770 : i32 to vector<16xi32>
      %add3A_772 = arith.addi %div3A_753, %add3A_771 : vector<16xi32>
      %sub3A_773 = vector.broadcast %multiple_of3A : i32 to vector<16xi32>
      %sub3A_774 = arith.subi %add3A_772, %sub3A_773 : vector<16xi32>
      %gather3A = tpu.vector_load_idx %arg6[%sub3A_774, %add3A_762] : memref<16x1024xi32, #tpu.memory_space<vmem>>[vector<16xi32>, vector<16xi32>], vector<16xi32>,
      %add3A_775 = arith.constant 49 : i32
      %add3A_776 = vector.broadcast %add3A_775 : i32 to vector<16xi32>
      %add3A_777 = arith.addi %div3A_753, %add3A_776 : vector<16xi32>
      %sub3A_778 = vector.broadcast %multiple_of3A : i32 to vector<16xi32>
      %sub3A_779 = arith.subi %add3A_777, %sub3A_778 : vector<16xi32>
      %gather3A_780 = tpu.vector_load_idx %arg6[%sub3A_779, %add3A_762] : memref<16x1024xi32, #tpu.memory_space<vmem>>[vector<16xi32>, vector<16xi32>], vector<16xi32>,
      %add3A_781 = arith.constant 48 : i32
      %add3A_782 = vector.broadcast %add3A_781 : i32 to vector<16xi32>
      %add3A_783 = arith.addi %div3A_753, %add3A_782 : vector<16xi32>
      %sub3A_784 = vector.broadcast %multiple_of3A : i32 to vector<16xi32>
      %sub3A_785 = arith.subi %add3A_783, %sub3A_784 : vector<16xi32>
      %gather3A_786 = tpu.vector_load_idx %arg6[%sub3A_785, %add3A_762] : memref<16x1024xi32, #tpu.memory_space<vmem>>[vector<16xi32>, vector<16xi32>], vector<16xi32>,
      %add3A_787 = arith.constant 47 : i32
      %add3A_788 = vector.broadcast %add3A_787 : i32 to vector<16xi32>
      %add3A_789 = arith.addi %div3A_753, %add3A_788 : vector<16xi32>
      %sub3A_790 = vector.broadcast %multiple_of3A : i32 to vector<16xi32>
      %sub3A_791 = arith.subi %add3A_789, %sub3A_790 : vector<16xi32>
      %gather3A_792 = tpu.vector_load_idx %arg6[%sub3A_791, %add3A_762] : memref<16x1024xi32, #tpu.memory_space<vmem>>[vector<16xi32>, vector<16xi32>], vector<16xi32>,
      %mul3A_793 = arith.constant 4 : i32
      %mul3A_794 = vector.broadcast %mul3A_793 : i32 to vector<16xi32>
      %mul3A_795 = arith.muli %add3A_769, %mul3A_794 : vector<16xi32>
      %mul3A_796 = arith.constant 131 : i32
      %mul3A_797 = vector.broadcast %mul3A_796 : i32 to vector<16xi32>
      %mul3A_798 = arith.muli %gather3A, %mul3A_797 : vector<16xi32>
      %mul3A_799 = arith.constant 1140 : i32
      %mul3A_800 = vector.broadcast %mul3A_799 : i32 to vector<16xi32>
      %mul3A_801 = arith.muli %gather3A_780, %mul3A_800 : vector<16xi32>
      %add3A_802 = arith.addi %mul3A_798, %mul3A_801 : vector<16xi32>
      %mul3A_803 = arith.constant 2149 : i32
      %mul3A_804 = vector.broadcast %mul3A_803 : i32 to vector<16xi32>
      %mul3A_805 = arith.muli %gather3A_786, %mul3A_804 : vector<16xi32>
      %add3A_806 = arith.addi %add3A_802, %mul3A_805 : vector<16xi32>
      %mul3A_807 = arith.constant 3158 : i32
      %mul3A_808 = vector.broadcast %mul3A_807 : i32 to vector<16xi32>
      %mul3A_809 = arith.muli %gather3A_792, %mul3A_808 : vector<16xi32>
      %add3A_810 = arith.addi %add3A_806, %mul3A_809 : vector<16xi32>
      %rem3A = arith.constant 100000 : i32
      %rem3A_811 = vector.broadcast %rem3A : i32 to vector<16xi32>
      %rem3A_812 = arith.remsi %add3A_810, %rem3A_811 : vector<16xi32>
      %lt3A = arith.constant 0 : i32
      %lt3A_813 = vector.broadcast %lt3A : i32 to vector<16xi32>
      %lt3A_814 = arith.cmpi slt, %rem3A_812, %lt3A_813 : vector<16xi32>
      %add3A_815 = arith.constant 100000 : i32
      %add3A_816 = vector.broadcast %add3A_815 : i32 to vector<16xi32>
      %add3A_817 = arith.addi %rem3A_812, %add3A_816 : vector<16xi32>
      %select_n3A = arith.select %lt3A_814, %add3A_817, %rem3A_812 : vector<16xi1>, vector<16xi32>
      %lt3A_818 = arith.constant 0 : i32
      %lt3A_819 = vector.broadcast %lt3A_818 : i32 to vector<16xi32>
      %lt3A_820 = arith.cmpi slt, %add3A_810, %lt3A_819 : vector<16xi32>
      %add3A_821 = arith.constant 67296 : i32
      %add3A_822 = vector.broadcast %add3A_821 : i32 to vector<16xi32>
      %add3A_823 = arith.addi %select_n3A, %add3A_822 : vector<16xi32>
      %select_n3A_824 = arith.select %lt3A_820, %add3A_823, %select_n3A : vector<16xi1>, vector<16xi32>
      %ge3A = arith.constant 100000 : i32
      %ge3A_825 = vector.broadcast %ge3A : i32 to vector<16xi32>
      %ge3A_826 = arith.cmpi sge, %select_n3A_824, %ge3A_825 : vector<16xi32>
      %sub3A_827 = arith.constant 100000 : i32
      %sub3A_828 = vector.broadcast %sub3A_827 : i32 to vector<16xi32>
      %sub3A_829 = arith.subi %select_n3A_824, %sub3A_828 : vector<16xi32>
      %select_n3A_830 = arith.select %ge3A_826, %sub3A_829, %select_n3A_824 : vector<16xi1>, vector<16xi32>
      %mul3A_831 = arith.constant 4 : i32
      %mul3A_832 = vector.broadcast %mul3A_831 : i32 to vector<16xi32>
      %mul3A_833 = arith.muli %select_n3A_830, %mul3A_832 : vector<16xi32>
      %add3A_834 = arith.constant 0 : i32
      %add3A_835 = vector.broadcast %add3A_834 : i32 to vector<16xi32>
      %add3A_836 = arith.addi %mul3A_833, %add3A_835 : vector<16xi32>
      %add3A_837 = arith.constant 0 : i32
      %add3A_838 = vector.broadcast %add3A_837 : i32 to vector<16xi32>
      %add3A_839 = arith.addi %mul3A_795, %add3A_838 : vector<16xi32>
      %shift_right_arithmetic3A_840 = arith.constant 7 : i32
      %shift_right_arithmetic3A_841 = vector.broadcast %shift_right_arithmetic3A_840 : i32 to vector<16xi32>
      %shift_right_arithmetic3A_842 = arith.shrsi %add3A_839, %shift_right_arithmetic3A_841 : vector<16xi32>
      %and3A_843 = arith.constant 127 : i32
      %and3A_844 = vector.broadcast %and3A_843 : i32 to vector<16xi32>
      %and3A_845 = arith.andi %add3A_839, %and3A_844 : vector<16xi32>
      tpu.vector_store_idx %arg8[%shift_right_arithmetic3A_842, %and3A_845], %add3A_836 : memref<50x128xi32, #tpu.memory_space<vmem>>[vector<16xi32>, vector<16xi32>], vector<16xi32>,
      %mul3A_846 = arith.constant 4062 : i32
      %mul3A_847 = vector.broadcast %mul3A_846 : i32 to vector<16xi32>
      %mul3A_848 = arith.muli %gather3A, %mul3A_847 : vector<16xi32>
      %mul3A_849 = arith.constant 35341 : i32
      %mul3A_850 = vector.broadcast %mul3A_849 : i32 to vector<16xi32>
      %mul3A_851 = arith.muli %gather3A_780, %mul3A_850 : vector<16xi32>
      %add3A_852 = arith.addi %mul3A_848, %mul3A_851 : vector<16xi32>
      %mul3A_853 = arith.constant 66620 : i32
      %mul3A_854 = vector.broadcast %mul3A_853 : i32 to vector<16xi32>
      %mul3A_855 = arith.muli %gather3A_786, %mul3A_854 : vector<16xi32>
      %add3A_856 = arith.addi %add3A_852, %mul3A_855 : vector<16xi32>
      %mul3A_857 = arith.constant 97899 : i32
      %mul3A_858 = vector.broadcast %mul3A_857 : i32 to vector<16xi32>
      %mul3A_859 = arith.muli %gather3A_792, %mul3A_858 : vector<16xi32>
      %add3A_860 = arith.addi %add3A_856, %mul3A_859 : vector<16xi32>
      %rem3A_861 = arith.constant 100000 : i32
      %rem3A_862 = vector.broadcast %rem3A_861 : i32 to vector<16xi32>
      %rem3A_863 = arith.remsi %add3A_860, %rem3A_862 : vector<16xi32>
      %lt3A_864 = arith.constant 0 : i32
      %lt3A_865 = vector.broadcast %lt3A_864 : i32 to vector<16xi32>
      %lt3A_866 = arith.cmpi slt, %rem3A_863, %lt3A_865 : vector<16xi32>
      %add3A_867 = arith.constant 100000 : i32
      %add3A_868 = vector.broadcast %add3A_867 : i32 to vector<16xi32>
      %add3A_869 = arith.addi %rem3A_863, %add3A_868 : vector<16xi32>
      %select_n3A_870 = arith.select %lt3A_866, %add3A_869, %rem3A_863 : vector<16xi1>, vector<16xi32>
      %lt3A_871 = arith.constant 0 : i32
      %lt3A_872 = vector.broadcast %lt3A_871 : i32 to vector<16xi32>
      %lt3A_873 = arith.cmpi slt, %add3A_860, %lt3A_872 : vector<16xi32>
      %add3A_874 = arith.constant 67296 : i32
      %add3A_875 = vector.broadcast %add3A_874 : i32 to vector<16xi32>
      %add3A_876 = arith.addi %select_n3A_870, %add3A_875 : vector<16xi32>
      %select_n3A_877 = arith.select %lt3A_873, %add3A_876, %select_n3A_870 : vector<16xi1>, vector<16xi32>
      %ge3A_878 = arith.constant 100000 : i32
      %ge3A_879 = vector.broadcast %ge3A_878 : i32 to vector<16xi32>
      %ge3A_880 = arith.cmpi sge, %select_n3A_877, %ge3A_879 : vector<16xi32>
      %sub3A_881 = arith.constant 100000 : i32
      %sub3A_882 = vector.broadcast %sub3A_881 : i32 to vector<16xi32>
      %sub3A_883 = arith.subi %select_n3A_877, %sub3A_882 : vector<16xi32>
      %select_n3A_884 = arith.select %ge3A_880, %sub3A_883, %select_n3A_877 : vector<16xi1>, vector<16xi32>
      %mul3A_885 = arith.constant 4 : i32
      %mul3A_886 = vector.broadcast %mul3A_885 : i32 to vector<16xi32>
      %mul3A_887 = arith.muli %select_n3A_884, %mul3A_886 : vector<16xi32>
      %add3A_888 = arith.constant 1 : i32
      %add3A_889 = vector.broadcast %add3A_888 : i32 to vector<16xi32>
      %add3A_890 = arith.addi %mul3A_887, %add3A_889 : vector<16xi32>
      %add3A_891 = arith.constant 1 : i32
      %add3A_892 = vector.broadcast %add3A_891 : i32 to vector<16xi32>
      %add3A_893 = arith.addi %mul3A_795, %add3A_892 : vector<16xi32>
      %shift_right_arithmetic3A_894 = arith.constant 7 : i32
      %shift_right_arithmetic3A_895 = vector.broadcast %shift_right_arithmetic3A_894 : i32 to vector<16xi32>
      %shift_right_arithmetic3A_896 = arith.shrsi %add3A_893, %shift_right_arithmetic3A_895 : vector<16xi32>
      %and3A_897 = arith.constant 127 : i32
      %and3A_898 = vector.broadcast %and3A_897 : i32 to vector<16xi32>
      %and3A_899 = arith.andi %add3A_893, %and3A_898 : vector<16xi32>
      tpu.vector_store_idx %arg8[%shift_right_arithmetic3A_896, %and3A_899], %add3A_890 : memref<50x128xi32, #tpu.memory_space<vmem>>[vector<16xi32>, vector<16xi32>], vector<16xi32>,
      %mul3A_900 = arith.constant 125923 : i32
      %mul3A_901 = vector.broadcast %mul3A_900 : i32 to vector<16xi32>
      %mul3A_902 = arith.muli %gather3A, %mul3A_901 : vector<16xi32>
      %mul3A_903 = arith.constant 1095572 : i32
      %mul3A_904 = vector.broadcast %mul3A_903 : i32 to vector<16xi32>
      %mul3A_905 = arith.muli %gather3A_780, %mul3A_904 : vector<16xi32>
      %add3A_906 = arith.addi %mul3A_902, %mul3A_905 : vector<16xi32>
      %mul3A_907 = arith.constant 2065221 : i32
      %mul3A_908 = vector.broadcast %mul3A_907 : i32 to vector<16xi32>
      %mul3A_909 = arith.muli %gather3A_786, %mul3A_908 : vector<16xi32>
      %add3A_910 = arith.addi %add3A_906, %mul3A_909 : vector<16xi32>
      %mul3A_911 = arith.constant 3034870 : i32
      %mul3A_912 = vector.broadcast %mul3A_911 : i32 to vector<16xi32>
      %mul3A_913 = arith.muli %gather3A_792, %mul3A_912 : vector<16xi32>
      %add3A_914 = arith.addi %add3A_910, %mul3A_913 : vector<16xi32>
      %rem3A_915 = arith.constant 100000 : i32
      %rem3A_916 = vector.broadcast %rem3A_915 : i32 to vector<16xi32>
      %rem3A_917 = arith.remsi %add3A_914, %rem3A_916 : vector<16xi32>
      %lt3A_918 = arith.constant 0 : i32
      %lt3A_919 = vector.broadcast %lt3A_918 : i32 to vector<16xi32>
      %lt3A_920 = arith.cmpi slt, %rem3A_917, %lt3A_919 : vector<16xi32>
      %add3A_921 = arith.constant 100000 : i32
      %add3A_922 = vector.broadcast %add3A_921 : i32 to vector<16xi32>
      %add3A_923 = arith.addi %rem3A_917, %add3A_922 : vector<16xi32>
      %select_n3A_924 = arith.select %lt3A_920, %add3A_923, %rem3A_917 : vector<16xi1>, vector<16xi32>
      %lt3A_925 = arith.constant 0 : i32
      %lt3A_926 = vector.broadcast %lt3A_925 : i32 to vector<16xi32>
      %lt3A_927 = arith.cmpi slt, %add3A_914, %lt3A_926 : vector<16xi32>
      %add3A_928 = arith.constant 67296 : i32
      %add3A_929 = vector.broadcast %add3A_928 : i32 to vector<16xi32>
      %add3A_930 = arith.addi %select_n3A_924, %add3A_929 : vector<16xi32>
      %select_n3A_931 = arith.select %lt3A_927, %add3A_930, %select_n3A_924 : vector<16xi1>, vector<16xi32>
      %ge3A_932 = arith.constant 100000 : i32
      %ge3A_933 = vector.broadcast %ge3A_932 : i32 to vector<16xi32>
      %ge3A_934 = arith.cmpi sge, %select_n3A_931, %ge3A_933 : vector<16xi32>
      %sub3A_935 = arith.constant 100000 : i32
      %sub3A_936 = vector.broadcast %sub3A_935 : i32 to vector<16xi32>
      %sub3A_937 = arith.subi %select_n3A_931, %sub3A_936 : vector<16xi32>
      %select_n3A_938 = arith.select %ge3A_934, %sub3A_937, %select_n3A_931 : vector<16xi1>, vector<16xi32>
      %mul3A_939 = arith.constant 4 : i32
      %mul3A_940 = vector.broadcast %mul3A_939 : i32 to vector<16xi32>
      %mul3A_941 = arith.muli %select_n3A_938, %mul3A_940 : vector<16xi32>
      %add3A_942 = arith.constant 2 : i32
      %add3A_943 = vector.broadcast %add3A_942 : i32 to vector<16xi32>
      %add3A_944 = arith.addi %mul3A_941, %add3A_943 : vector<16xi32>
      %add3A_945 = arith.constant 2 : i32
      %add3A_946 = vector.broadcast %add3A_945 : i32 to vector<16xi32>
      %add3A_947 = arith.addi %mul3A_795, %add3A_946 : vector<16xi32>
      %shift_right_arithmetic3A_948 = arith.constant 7 : i32
      %shift_right_arithmetic3A_949 = vector.broadcast %shift_right_arithmetic3A_948 : i32 to vector<16xi32>
      %shift_right_arithmetic3A_950 = arith.shrsi %add3A_947, %shift_right_arithmetic3A_949 : vector<16xi32>
      %and3A_951 = arith.constant 127 : i32
      %and3A_952 = vector.broadcast %and3A_951 : i32 to vector<16xi32>
      %and3A_953 = arith.andi %add3A_947, %and3A_952 : vector<16xi32>
      tpu.vector_store_idx %arg8[%shift_right_arithmetic3A_950, %and3A_953], %add3A_944 : memref<50x128xi32, #tpu.memory_space<vmem>>[vector<16xi32>, vector<16xi32>], vector<16xi32>,
      %mul3A_954 = arith.constant 3903614 : i32
      %mul3A_955 = vector.broadcast %mul3A_954 : i32 to vector<16xi32>
      %mul3A_956 = arith.muli %gather3A, %mul3A_955 : vector<16xi32>
      %mul3A_957 = arith.constant 33962733 : i32
      %mul3A_958 = vector.broadcast %mul3A_957 : i32 to vector<16xi32>
      %mul3A_959 = arith.muli %gather3A_780, %mul3A_958 : vector<16xi32>
      %add3A_960 = arith.addi %mul3A_956, %mul3A_959 : vector<16xi32>
      %mul3A_961 = arith.constant 64021852 : i32
      %mul3A_962 = vector.broadcast %mul3A_961 : i32 to vector<16xi32>
      %mul3A_963 = arith.muli %gather3A_786, %mul3A_962 : vector<16xi32>
      %add3A_964 = arith.addi %add3A_960, %mul3A_963 : vector<16xi32>
      %mul3A_965 = arith.constant 94080971 : i32
      %mul3A_966 = vector.broadcast %mul3A_965 : i32 to vector<16xi32>
      %mul3A_967 = arith.muli %gather3A_792, %mul3A_966 : vector<16xi32>
      %add3A_968 = arith.addi %add3A_964, %mul3A_967 : vector<16xi32>
      %rem3A_969 = arith.constant 100000 : i32
      %rem3A_970 = vector.broadcast %rem3A_969 : i32 to vector<16xi32>
      %rem3A_971 = arith.remsi %add3A_968, %rem3A_970 : vector<16xi32>
      %lt3A_972 = arith.constant 0 : i32
      %lt3A_973 = vector.broadcast %lt3A_972 : i32 to vector<16xi32>
      %lt3A_974 = arith.cmpi slt, %rem3A_971, %lt3A_973 : vector<16xi32>
      %add3A_975 = arith.constant 100000 : i32
      %add3A_976 = vector.broadcast %add3A_975 : i32 to vector<16xi32>
      %add3A_977 = arith.addi %rem3A_971, %add3A_976 : vector<16xi32>
      %select_n3A_978 = arith.select %lt3A_974, %add3A_977, %rem3A_971 : vector<16xi1>, vector<16xi32>
      %lt3A_979 = arith.constant 0 : i32
      %lt3A_980 = vector.broadcast %lt3A_979 : i32 to vector<16xi32>
      %lt3A_981 = arith.cmpi slt, %add3A_968, %lt3A_980 : vector<16xi32>
      %add3A_982 = arith.constant 67296 : i32
      %add3A_983 = vector.broadcast %add3A_982 : i32 to vector<16xi32>
      %add3A_984 = arith.addi %select_n3A_978, %add3A_983 : vector<16xi32>
      %select_n3A_985 = arith.select %lt3A_981, %add3A_984, %select_n3A_978 : vector<16xi1>, vector<16xi32>
      %ge3A_986 = arith.constant 100000 : i32
      %ge3A_987 = vector.broadcast %ge3A_986 : i32 to vector<16xi32>
      %ge3A_988 = arith.cmpi sge, %select_n3A_985, %ge3A_987 : vector<16xi32>
      %sub3A_989 = arith.constant 100000 : i32
      %sub3A_990 = vector.broadcast %sub3A_989 : i32 to vector<16xi32>
      %sub3A_991 = arith.subi %select_n3A_985, %sub3A_990 : vector<16xi32>
      %select_n3A_992 = arith.select %ge3A_988, %sub3A_991, %select_n3A_985 : vector<16xi1>, vector<16xi32>
      %mul3A_993 = arith.constant 4 : i32
      %mul3A_994 = vector.broadcast %mul3A_993 : i32 to vector<16xi32>
      %mul3A_995 = arith.muli %select_n3A_992, %mul3A_994 : vector<16xi32>
      %add3A_996 = arith.constant 3 : i32
      %add3A_997 = vector.broadcast %add3A_996 : i32 to vector<16xi32>
      %add3A_998 = arith.addi %mul3A_995, %add3A_997 : vector<16xi32>
      %add3A_999 = arith.constant 3 : i32
      %add3A_1000 = vector.broadcast %add3A_999 : i32 to vector<16xi32>
      %add3A_1001 = arith.addi %mul3A_795, %add3A_1000 : vector<16xi32>
      %shift_right_arithmetic3A_1002 = arith.constant 7 : i32
      %shift_right_arithmetic3A_1003 = vector.broadcast %shift_right_arithmetic3A_1002 : i32 to vector<16xi32>
      %shift_right_arithmetic3A_1004 = arith.shrsi %add3A_1001, %shift_right_arithmetic3A_1003 : vector<16xi32>
      %and3A_1005 = arith.constant 127 : i32
      %and3A_1006 = vector.broadcast %and3A_1005 : i32 to vector<16xi32>
      %and3A_1007 = arith.andi %add3A_1001, %and3A_1006 : vector<16xi32>
      tpu.vector_store_idx %arg8[%shift_right_arithmetic3A_1004, %and3A_1007], %add3A_998 : memref<50x128xi32, #tpu.memory_space<vmem>>[vector<16xi32>, vector<16xi32>], vector<16xi32>,
    }
    %scan3A_586 = arith.constant 100 : i32
    %get3A_587 = arith.constant 0 : i32
    %get3A_588 = arith.index_cast %get3A_587 : i32 to index
    %get3A_589 = arith.constant 0 : index
    %get3A_590 = tpu.vector_load %arg7[%get3A_588, %get3A_589] {strides = array<i32>} : memref<4x128xf32, #tpu.memory_space<vmem>>, vector<16xf32>,
    %get3A_591 = arith.constant 0 : i32
    %get3A_592 = arith.index_cast %get3A_591 : i32 to index
    %get3A_593 = arith.constant 16 : index
    %get3A_594 = tpu.vector_load %arg7[%get3A_592, %get3A_593] {strides = array<i32>} : memref<4x128xf32, #tpu.memory_space<vmem>>, vector<16xf32>,
    %get3A_595 = arith.constant 0 : i32
    %get3A_596 = arith.index_cast %get3A_595 : i32 to index
    %get3A_597 = arith.constant 32 : index
    %get3A_598 = tpu.vector_load %arg7[%get3A_596, %get3A_597] {strides = array<i32>} : memref<4x128xf32, #tpu.memory_space<vmem>>, vector<16xf32>,
    %get3A_599 = arith.constant 0 : i32
    %get3A_600 = arith.index_cast %get3A_599 : i32 to index
    %get3A_601 = arith.constant 48 : index
    %get3A_602 = tpu.vector_load %arg7[%get3A_600, %get3A_601] {strides = array<i32>} : memref<4x128xf32, #tpu.memory_space<vmem>>, vector<16xf32>,
    %get3A_603 = arith.constant 0 : i32
    %get3A_604 = arith.index_cast %get3A_603 : i32 to index
    %get3A_605 = arith.constant 64 : index
    %get3A_606 = tpu.vector_load %arg7[%get3A_604, %get3A_605] {strides = array<i32>} : memref<4x128xf32, #tpu.memory_space<vmem>>, vector<16xf32>,
    %get3A_607 = arith.constant 0 : i32
    %get3A_608 = arith.index_cast %get3A_607 : i32 to index
    %get3A_609 = arith.constant 80 : index
    %get3A_610 = tpu.vector_load %arg7[%get3A_608, %get3A_609] {strides = array<i32>} : memref<4x128xf32, #tpu.memory_space<vmem>>, vector<16xf32>,
    %get3A_611 = arith.constant 0 : i32
    %get3A_612 = arith.index_cast %get3A_611 : i32 to index
    %get3A_613 = arith.constant 96 : index
    %get3A_614 = tpu.vector_load %arg7[%get3A_612, %get3A_613] {strides = array<i32>} : memref<4x128xf32, #tpu.memory_space<vmem>>, vector<16xf32>,
    %get3A_615 = arith.constant 0 : i32
    %get3A_616 = arith.index_cast %get3A_615 : i32 to index
    %get3A_617 = arith.constant 112 : index
    %get3A_618 = tpu.vector_load %arg7[%get3A_616, %get3A_617] {strides = array<i32>} : memref<4x128xf32, #tpu.memory_space<vmem>>, vector<16xf32>,
    %get3A_619 = arith.constant 1 : i32
    %get3A_620 = arith.index_cast %get3A_619 : i32 to index
    %get3A_621 = arith.constant 0 : index
    %get3A_622 = tpu.vector_load %arg7[%get3A_620, %get3A_621] {strides = array<i32>} : memref<4x128xf32, #tpu.memory_space<vmem>>, vector<16xf32>,
    %get3A_623 = arith.constant 1 : i32
    %get3A_624 = arith.index_cast %get3A_623 : i32 to index
    %get3A_625 = arith.constant 16 : index
    %get3A_626 = tpu.vector_load %arg7[%get3A_624, %get3A_625] {strides = array<i32>} : memref<4x128xf32, #tpu.memory_space<vmem>>, vector<16xf32>,
    %get3A_627 = arith.constant 1 : i32
    %get3A_628 = arith.index_cast %get3A_627 : i32 to index
    %get3A_629 = arith.constant 32 : index
    %get3A_630 = tpu.vector_load %arg7[%get3A_628, %get3A_629] {strides = array<i32>} : memref<4x128xf32, #tpu.memory_space<vmem>>, vector<16xf32>,
    %get3A_631 = arith.constant 1 : i32
    %get3A_632 = arith.index_cast %get3A_631 : i32 to index
    %get3A_633 = arith.constant 48 : index
    %get3A_634 = tpu.vector_load %arg7[%get3A_632, %get3A_633] {strides = array<i32>} : memref<4x128xf32, #tpu.memory_space<vmem>>, vector<16xf32>,
    %get3A_635 = arith.constant 1 : i32
    %get3A_636 = arith.index_cast %get3A_635 : i32 to index
    %get3A_637 = arith.constant 64 : index
    %get3A_638 = tpu.vector_load %arg7[%get3A_636, %get3A_637] {strides = array<i32>} : memref<4x128xf32, #tpu.memory_space<vmem>>, vector<16xf32>,
    %get3A_639 = arith.constant 1 : i32
    %get3A_640 = arith.index_cast %get3A_639 : i32 to index
    %get3A_641 = arith.constant 80 : index
    %get3A_642 = tpu.vector_load %arg7[%get3A_640, %get3A_641] {strides = array<i32>} : memref<4x128xf32, #tpu.memory_space<vmem>>, vector<16xf32>,
    %get3A_643 = arith.constant 1 : i32
    %get3A_644 = arith.index_cast %get3A_643 : i32 to index
    %get3A_645 = arith.constant 96 : index
    %get3A_646 = tpu.vector_load %arg7[%get3A_644, %get3A_645] {strides = array<i32>} : memref<4x128xf32, #tpu.memory_space<vmem>>, vector<16xf32>,
    %get3A_647 = arith.constant 1 : i32
    %get3A_648 = arith.index_cast %get3A_647 : i32 to index
    %get3A_649 = arith.constant 112 : index
    %get3A_650 = tpu.vector_load %arg7[%get3A_648, %get3A_649] {strides = array<i32>} : memref<4x128xf32, #tpu.memory_space<vmem>>, vector<16xf32>,
    %get3A_651 = arith.constant 2 : i32
    %get3A_652 = arith.index_cast %get3A_651 : i32 to index
    %get3A_653 = arith.constant 0 : index
    %get3A_654 = tpu.vector_load %arg7[%get3A_652, %get3A_653] {strides = array<i32>} : memref<4x128xf32, #tpu.memory_space<vmem>>, vector<16xf32>,
    %get3A_655 = arith.constant 2 : i32
    %get3A_656 = arith.index_cast %get3A_655 : i32 to index
    %get3A_657 = arith.constant 16 : index
    %get3A_658 = tpu.vector_load %arg7[%get3A_656, %get3A_657] {strides = array<i32>} : memref<4x128xf32, #tpu.memory_space<vmem>>, vector<16xf32>,
    %get3A_659 = arith.constant 2 : i32
    %get3A_660 = arith.index_cast %get3A_659 : i32 to index
    %get3A_661 = arith.constant 32 : index
    %get3A_662 = tpu.vector_load %arg7[%get3A_660, %get3A_661] {strides = array<i32>} : memref<4x128xf32, #tpu.memory_space<vmem>>, vector<16xf32>,
    %get3A_663 = arith.constant 2 : i32
    %get3A_664 = arith.index_cast %get3A_663 : i32 to index
    %get3A_665 = arith.constant 48 : index
    %get3A_666 = tpu.vector_load %arg7[%get3A_664, %get3A_665] {strides = array<i32>} : memref<4x128xf32, #tpu.memory_space<vmem>>, vector<16xf32>,
    %get3A_667 = arith.constant 2 : i32
    %get3A_668 = arith.index_cast %get3A_667 : i32 to index
    %get3A_669 = arith.constant 64 : index
    %get3A_670 = tpu.vector_load %arg7[%get3A_668, %get3A_669] {strides = array<i32>} : memref<4x128xf32, #tpu.memory_space<vmem>>, vector<16xf32>,
    %get3A_671 = arith.constant 2 : i32
    %get3A_672 = arith.index_cast %get3A_671 : i32 to index
    %get3A_673 = arith.constant 80 : index
    %get3A_674 = tpu.vector_load %arg7[%get3A_672, %get3A_673] {strides = array<i32>} : memref<4x128xf32, #tpu.memory_space<vmem>>, vector<16xf32>,
    %get3A_675 = arith.constant 2 : i32
    %get3A_676 = arith.index_cast %get3A_675 : i32 to index
    %get3A_677 = arith.constant 96 : index
    %get3A_678 = tpu.vector_load %arg7[%get3A_676, %get3A_677] {strides = array<i32>} : memref<4x128xf32, #tpu.memory_space<vmem>>, vector<16xf32>,
    %get3A_679 = arith.constant 2 : i32
    %get3A_680 = arith.index_cast %get3A_679 : i32 to index
    %get3A_681 = arith.constant 112 : index
    %get3A_682 = tpu.vector_load %arg7[%get3A_680, %get3A_681] {strides = array<i32>} : memref<4x128xf32, #tpu.memory_space<vmem>>, vector<16xf32>,
    %get3A_683 = arith.constant 3 : i32
    %get3A_684 = arith.index_cast %get3A_683 : i32 to index
    %get3A_685 = arith.constant 0 : index
    %get3A_686 = tpu.vector_load %arg7[%get3A_684, %get3A_685] {strides = array<i32>} : memref<4x128xf32, #tpu.memory_space<vmem>>, vector<16xf32>,
    %get3A_687 = arith.constant 3 : i32
    %get3A_688 = arith.index_cast %get3A_687 : i32 to index
    %get3A_689 = arith.constant 16 : index
    %get3A_690 = tpu.vector_load %arg7[%get3A_688, %get3A_689] {strides = array<i32>} : memref<4x128xf32, #tpu.memory_space<vmem>>, vector<16xf32>,
    %get3A_691 = arith.constant 3 : i32
    %get3A_692 = arith.index_cast %get3A_691 : i32 to index
    %get3A_693 = arith.constant 32 : index
    %get3A_694 = tpu.vector_load %arg7[%get3A_692, %get3A_693] {strides = array<i32>} : memref<4x128xf32, #tpu.memory_space<vmem>>, vector<16xf32>,
    %get3A_695 = arith.constant 3 : i32
    %get3A_696 = arith.index_cast %get3A_695 : i32 to index
    %get3A_697 = arith.constant 48 : index
    %get3A_698 = tpu.vector_load %arg7[%get3A_696, %get3A_697] {strides = array<i32>} : memref<4x128xf32, #tpu.memory_space<vmem>>, vector<16xf32>,
    %get3A_699 = arith.constant 3 : i32
    %get3A_700 = arith.index_cast %get3A_699 : i32 to index
    %get3A_701 = arith.constant 64 : index
    %get3A_702 = tpu.vector_load %arg7[%get3A_700, %get3A_701] {strides = array<i32>} : memref<4x128xf32, #tpu.memory_space<vmem>>, vector<16xf32>,
    %get3A_703 = arith.constant 3 : i32
    %get3A_704 = arith.index_cast %get3A_703 : i32 to index
    %get3A_705 = arith.constant 80 : index
    %get3A_706 = tpu.vector_load %arg7[%get3A_704, %get3A_705] {strides = array<i32>} : memref<4x128xf32, #tpu.memory_space<vmem>>, vector<16xf32>,
    %get3A_707 = arith.constant 3 : i32
    %get3A_708 = arith.index_cast %get3A_707 : i32 to index
    %get3A_709 = arith.constant 96 : index
    %get3A_710 = tpu.vector_load %arg7[%get3A_708, %get3A_709] {strides = array<i32>} : memref<4x128xf32, #tpu.memory_space<vmem>>, vector<16xf32>,
    %get3A_711 = arith.constant 3 : i32
    %get3A_712 = arith.index_cast %get3A_711 : i32 to index
    %get3A_713 = arith.constant 112 : index
    %get3A_714 = tpu.vector_load %arg7[%get3A_712, %get3A_713] {strides = array<i32>} : memref<4x128xf32, #tpu.memory_space<vmem>>, vector<16xf32>,
    %dma_start3A = arith.constant 0 : i32
    %dma_start3A_715 = arith.constant 0 : i32
    %dma_start3A_716 = tpu.memref_slice %arg8[%dma_start3A, %dma_start3A_715] : memref<50x128xi32, #tpu.memory_space<vmem>> -> memref<1x128xi32, #tpu.memory_space<vmem>>
    %dma_start3A_717 = tpu.memref_squeeze %dma_start3A_716 : memref<1x128xi32, #tpu.memory_space<vmem>> -> memref<128xi32, #tpu.memory_space<vmem>>
    %dma_start3A_718 = arith.constant 0 : i32
    %dma_start3A_719 = arith.constant 0 : i32
    %dma_start3A_720 = tpu.memref_slice %arg3[%dma_start3A_718, %dma_start3A_719] : memref<400000x128xf32, #tpu.memory_space<hbm>> -> memref<400000x128xf32, #tpu.memory_space<hbm>>
    tpu.enqueue_indirect_dma source(%dma_start3A_720 : memref<400000x128xf32, #tpu.memory_space<hbm>>) target(%arg9 : memref<128x128xf32, #tpu.memory_space<vmem>>) offsets(%dma_start3A_717 : memref<128xi32, #tpu.memory_space<vmem>>) semaphore(%arg13 : memref<!tpu.dma_semaphore, #tpu.memory_space<semaphore_mem>>)
    %scan3A_721 = arith.constant 0 : i32
    %scan3A_722 = arith.constant 0 : i32
    %scan3A_723 = arith.constant 25 : i32
    %scan3A_724 = arith.addi %scan3A_722, %scan3A_723 : i32
    %scan3A_725 = arith.constant 1 : i32
    scf.for %scan3A_742 = %scan3A_722 to %scan3A_724 step %scan3A_725  : i32 {
      %mul3A_743 = arith.constant 2 : i32
      %mul3A_744 = arith.muli %scan3A_742, %mul3A_743 : i32
      %add3A_745 = arith.constant 0 : i32
      %add3A_746 = arith.addi %mul3A_744, %add3A_745 : i32
      %add3A_747 = arith.constant 1 : i32
      %add3A_748 = arith.addi %add3A_746, %add3A_747 : i32
      %lt3A = arith.constant 50 : i32
      %lt3A_749 = arith.cmpi slt, %add3A_748, %lt3A : i32
      %convert_element_type3A = arith.extui %lt3A_749 : i1 to i32
      %cond3A = arith.constant 0 : i32
      %cond3A_750 = arith.cmpi ne, %convert_element_type3A, %cond3A : i32
      scf.if %cond3A_750 {
        %add3A_822 = arith.constant 1 : i32
        %add3A_823 = arith.addi %add3A_746, %add3A_822 : i32
        %dma_start3A_824 = arith.constant 0 : i32
        %dma_start3A_825 = tpu.memref_slice %arg8[%add3A_823, %dma_start3A_824] : memref<50x128xi32, #tpu.memory_space<vmem>> -> memref<1x128xi32, #tpu.memory_space<vmem>>
        %dma_start3A_826 = tpu.memref_squeeze %dma_start3A_825 : memref<1x128xi32, #tpu.memory_space<vmem>> -> memref<128xi32, #tpu.memory_space<vmem>>
        %dma_start3A_827 = arith.constant 0 : i32
        %dma_start3A_828 = arith.constant 0 : i32
        %dma_start3A_829 = tpu.memref_slice %arg3[%dma_start3A_827, %dma_start3A_828] : memref<400000x128xf32, #tpu.memory_space<hbm>> -> memref<400000x128xf32, #tpu.memory_space<hbm>>
        tpu.enqueue_indirect_dma source(%dma_start3A_829 : memref<400000x128xf32, #tpu.memory_space<hbm>>) target(%arg10 : memref<128x128xf32, #tpu.memory_space<vmem>>) offsets(%dma_start3A_826 : memref<128xi32, #tpu.memory_space<vmem>>) semaphore(%arg14 : memref<!tpu.dma_semaphore, #tpu.memory_space<semaphore_mem>>)
      } else {
      }
      %dma_wait3A_751 = arith.constant 0 : i32
      %dma_wait3A_752 = arith.constant 0 : i32
      %dma_wait3A_753 = tpu.memref_slice %arg3[%dma_wait3A_751, %dma_wait3A_752] : memref<400000x128xf32, #tpu.memory_space<hbm>> -> memref<128x128xf32, #tpu.memory_space<hbm>>
      %dma_wait3A_754 = arith.constant 0 : i32
      %dma_wait3A_755 = arith.constant 0 : i32
      %dma_wait3A_756 = tpu.memref_slice %arg3[%dma_wait3A_754, %dma_wait3A_755] : memref<400000x128xf32, #tpu.memory_space<hbm>> -> memref<128x128xf32, #tpu.memory_space<hbm>>
      tpu.wait_dma2 semaphore(%arg13 : memref<!tpu.dma_semaphore, #tpu.memory_space<semaphore_mem>>) src(%dma_wait3A_756 : memref<128x128xf32, #tpu.memory_space<hbm>>) dst(%arg9 : memref<128x128xf32, #tpu.memory_space<vmem>>)
      %ge3A = arith.constant 2 : i32
      %ge3A_757 = arith.cmpi sge, %add3A_746, %ge3A : i32
      %convert_element_type3A_758 = arith.extui %ge3A_757 : i1 to i32
      %cond3A_759 = arith.constant 0 : i32
      %cond3A_760 = arith.cmpi ne, %convert_element_type3A_758, %cond3A_759 : i32
      scf.if %cond3A_760 {
        %dma_wait3A_822 = arith.constant 0 : i32
        %dma_wait3A_823 = arith.constant 0 : i32
        %dma_wait3A_824 = arith.constant 0 : i32
        %dma_wait3A_825 = tpu.memref_slice %arg5[%dma_wait3A_822, %dma_wait3A_823, %dma_wait3A_824] : memref<1024x50x512xf32, #tpu.memory_space<hbm>> -> memref<32x1x512xf32, #tpu.memory_space<hbm>>
        %dma_wait3A_826 = arith.constant 0 : i32
        %dma_wait3A_827 = arith.constant 0 : i32
        %dma_wait3A_828 = arith.constant 0 : i32
        %dma_wait3A_829 = tpu.memref_slice %arg5[%dma_wait3A_826, %dma_wait3A_827, %dma_wait3A_828] : memref<1024x50x512xf32, #tpu.memory_space<hbm>> -> memref<32x1x512xf32, #tpu.memory_space<hbm>>
        tpu.wait_dma2 semaphore(%arg15 : memref<!tpu.dma_semaphore, #tpu.memory_space<semaphore_mem>>) src(%arg11 : memref<32x1x512xf32, #tpu.memory_space<vmem>>) dst(%dma_wait3A_829 : memref<32x1x512xf32, #tpu.memory_space<hbm>>)
      } else {
      }
      %scan3A_761 = arith.constant 0 : i32
      %scan3A_762 = arith.constant 0 : i32
      %scan3A_763 = arith.constant 32 : i32
      %scan3A_764 = arith.addi %scan3A_762, %scan3A_763 : i32
      %scan3A_765 = arith.constant 1 : i32
      scf.for %scan3A_822 = %scan3A_762 to %scan3A_764 step %scan3A_765  : i32 {
        %mul3A_823 = arith.constant 4 : i32
        %mul3A_824 = arith.muli %scan3A_822, %mul3A_823 : i32
        %add3A_825 = arith.constant 0 : i32
        %add3A_826 = arith.addi %mul3A_824, %add3A_825 : i32
        %get3A_827 = arith.index_cast %add3A_826 : i32 to index
        %get3A_828 = arith.constant 0 : index
        %get3A_829 = tpu.vector_load %arg9[%get3A_827, %get3A_828] {strides = array<i32>} : memref<128x128xf32, #tpu.memory_space<vmem>>, vector<16xf32>,
        %mul3A_830 = arith.mulf %get3A_829, %get3A_590 : vector<16xf32>
        %swap3A_831 = arith.constant 0 : i32
        %swap3A_832 = arith.index_cast %scan3A_822 : i32 to index
        %swap3A_833 = arith.index_cast %swap3A_831 : i32 to index
        %swap3A_834 = arith.constant 0 : index
        %swap3A_835 = tpu.vector_load %arg11[%swap3A_832, %swap3A_833, %swap3A_834] {strides = array<i32>} : memref<32x1x512xf32, #tpu.memory_space<vmem>>, vector<16xf32>,
        tpu.vector_store %arg11[%swap3A_832, %swap3A_833, %swap3A_834], %mul3A_830 {strides = array<i32>} : memref<32x1x512xf32, #tpu.memory_space<vmem>>, vector<16xf32>,
        %add3A_836 = arith.constant 0 : i32
        %add3A_837 = arith.addi %mul3A_824, %add3A_836 : i32
        %get3A_838 = arith.index_cast %add3A_837 : i32 to index
        %get3A_839 = arith.constant 16 : index
        %get3A_840 = tpu.vector_load %arg9[%get3A_838, %get3A_839] {strides = array<i32>} : memref<128x128xf32, #tpu.memory_space<vmem>>, vector<16xf32>,
        %mul3A_841 = arith.mulf %get3A_840, %get3A_594 : vector<16xf32>
        %swap3A_842 = arith.constant 0 : i32
        %swap3A_843 = arith.index_cast %scan3A_822 : i32 to index
        %swap3A_844 = arith.index_cast %swap3A_842 : i32 to index
        %swap3A_845 = arith.constant 16 : index
        %swap3A_846 = tpu.vector_load %arg11[%swap3A_843, %swap3A_844, %swap3A_845] {strides = array<i32>} : memref<32x1x512xf32, #tpu.memory_space<vmem>>, vector<16xf32>,
        tpu.vector_store %arg11[%swap3A_843, %swap3A_844, %swap3A_845], %mul3A_841 {strides = array<i32>} : memref<32x1x512xf32, #tpu.memory_space<vmem>>, vector<16xf32>,
        %add3A_847 = arith.constant 0 : i32
        %add3A_848 = arith.addi %mul3A_824, %add3A_847 : i32
        %get3A_849 = arith.index_cast %add3A_848 : i32 to index
        %get3A_850 = arith.constant 32 : index
        %get3A_851 = tpu.vector_load %arg9[%get3A_849, %get3A_850] {strides = array<i32>} : memref<128x128xf32, #tpu.memory_space<vmem>>, vector<16xf32>,
        %mul3A_852 = arith.mulf %get3A_851, %get3A_598 : vector<16xf32>
        %swap3A_853 = arith.constant 0 : i32
        %swap3A_854 = arith.index_cast %scan3A_822 : i32 to index
        %swap3A_855 = arith.index_cast %swap3A_853 : i32 to index
        %swap3A_856 = arith.constant 32 : index
        %swap3A_857 = tpu.vector_load %arg11[%swap3A_854, %swap3A_855, %swap3A_856] {strides = array<i32>} : memref<32x1x512xf32, #tpu.memory_space<vmem>>, vector<16xf32>,
        tpu.vector_store %arg11[%swap3A_854, %swap3A_855, %swap3A_856], %mul3A_852 {strides = array<i32>} : memref<32x1x512xf32, #tpu.memory_space<vmem>>, vector<16xf32>,
        %add3A_858 = arith.constant 0 : i32
        %add3A_859 = arith.addi %mul3A_824, %add3A_858 : i32
        %get3A_860 = arith.index_cast %add3A_859 : i32 to index
        %get3A_861 = arith.constant 48 : index
        %get3A_862 = tpu.vector_load %arg9[%get3A_860, %get3A_861] {strides = array<i32>} : memref<128x128xf32, #tpu.memory_space<vmem>>, vector<16xf32>,
        %mul3A_863 = arith.mulf %get3A_862, %get3A_602 : vector<16xf32>
        %swap3A_864 = arith.constant 0 : i32
        %swap3A_865 = arith.index_cast %scan3A_822 : i32 to index
        %swap3A_866 = arith.index_cast %swap3A_864 : i32 to index
        %swap3A_867 = arith.constant 48 : index
        %swap3A_868 = tpu.vector_load %arg11[%swap3A_865, %swap3A_866, %swap3A_867] {strides = array<i32>} : memref<32x1x512xf32, #tpu.memory_space<vmem>>, vector<16xf32>,
        tpu.vector_store %arg11[%swap3A_865, %swap3A_866, %swap3A_867], %mul3A_863 {strides = array<i32>} : memref<32x1x512xf32, #tpu.memory_space<vmem>>, vector<16xf32>,
        %add3A_869 = arith.constant 0 : i32
        %add3A_870 = arith.addi %mul3A_824, %add3A_869 : i32
        %get3A_871 = arith.index_cast %add3A_870 : i32 to index
        %get3A_872 = arith.constant 64 : index
        %get3A_873 = tpu.vector_load %arg9[%get3A_871, %get3A_872] {strides = array<i32>} : memref<128x128xf32, #tpu.memory_space<vmem>>, vector<16xf32>,
        %mul3A_874 = arith.mulf %get3A_873, %get3A_606 : vector<16xf32>
        %swap3A_875 = arith.constant 0 : i32
        %swap3A_876 = arith.index_cast %scan3A_822 : i32 to index
        %swap3A_877 = arith.index_cast %swap3A_875 : i32 to index
        %swap3A_878 = arith.constant 64 : index
        %swap3A_879 = tpu.vector_load %arg11[%swap3A_876, %swap3A_877, %swap3A_878] {strides = array<i32>} : memref<32x1x512xf32, #tpu.memory_space<vmem>>, vector<16xf32>,
        tpu.vector_store %arg11[%swap3A_876, %swap3A_877, %swap3A_878], %mul3A_874 {strides = array<i32>} : memref<32x1x512xf32, #tpu.memory_space<vmem>>, vector<16xf32>,
        %add3A_880 = arith.constant 0 : i32
        %add3A_881 = arith.addi %mul3A_824, %add3A_880 : i32
        %get3A_882 = arith.index_cast %add3A_881 : i32 to index
        %get3A_883 = arith.constant 80 : index
        %get3A_884 = tpu.vector_load %arg9[%get3A_882, %get3A_883] {strides = array<i32>} : memref<128x128xf32, #tpu.memory_space<vmem>>, vector<16xf32>,
        %mul3A_885 = arith.mulf %get3A_884, %get3A_610 : vector<16xf32>
        %swap3A_886 = arith.constant 0 : i32
        %swap3A_887 = arith.index_cast %scan3A_822 : i32 to index
        %swap3A_888 = arith.index_cast %swap3A_886 : i32 to index
        %swap3A_889 = arith.constant 80 : index
        %swap3A_890 = tpu.vector_load %arg11[%swap3A_887, %swap3A_888, %swap3A_889] {strides = array<i32>} : memref<32x1x512xf32, #tpu.memory_space<vmem>>, vector<16xf32>,
        tpu.vector_store %arg11[%swap3A_887, %swap3A_888, %swap3A_889], %mul3A_885 {strides = array<i32>} : memref<32x1x512xf32, #tpu.memory_space<vmem>>, vector<16xf32>,
        %add3A_891 = arith.constant 0 : i32
        %add3A_892 = arith.addi %mul3A_824, %add3A_891 : i32
        %get3A_893 = arith.index_cast %add3A_892 : i32 to index
        %get3A_894 = arith.constant 96 : index
        %get3A_895 = tpu.vector_load %arg9[%get3A_893, %get3A_894] {strides = array<i32>} : memref<128x128xf32, #tpu.memory_space<vmem>>, vector<16xf32>,
        %mul3A_896 = arith.mulf %get3A_895, %get3A_614 : vector<16xf32>
        %swap3A_897 = arith.constant 0 : i32
        %swap3A_898 = arith.index_cast %scan3A_822 : i32 to index
        %swap3A_899 = arith.index_cast %swap3A_897 : i32 to index
        %swap3A_900 = arith.constant 96 : index
        %swap3A_901 = tpu.vector_load %arg11[%swap3A_898, %swap3A_899, %swap3A_900] {strides = array<i32>} : memref<32x1x512xf32, #tpu.memory_space<vmem>>, vector<16xf32>,
        tpu.vector_store %arg11[%swap3A_898, %swap3A_899, %swap3A_900], %mul3A_896 {strides = array<i32>} : memref<32x1x512xf32, #tpu.memory_space<vmem>>, vector<16xf32>,
        %add3A_902 = arith.constant 0 : i32
        %add3A_903 = arith.addi %mul3A_824, %add3A_902 : i32
        %get3A_904 = arith.index_cast %add3A_903 : i32 to index
        %get3A_905 = arith.constant 112 : index
        %get3A_906 = tpu.vector_load %arg9[%get3A_904, %get3A_905] {strides = array<i32>} : memref<128x128xf32, #tpu.memory_space<vmem>>, vector<16xf32>,
        %mul3A_907 = arith.mulf %get3A_906, %get3A_618 : vector<16xf32>
        %swap3A_908 = arith.constant 0 : i32
        %swap3A_909 = arith.index_cast %scan3A_822 : i32 to index
        %swap3A_910 = arith.index_cast %swap3A_908 : i32 to index
        %swap3A_911 = arith.constant 112 : index
        %swap3A_912 = tpu.vector_load %arg11[%swap3A_909, %swap3A_910, %swap3A_911] {strides = array<i32>} : memref<32x1x512xf32, #tpu.memory_space<vmem>>, vector<16xf32>,
        tpu.vector_store %arg11[%swap3A_909, %swap3A_910, %swap3A_911], %mul3A_907 {strides = array<i32>} : memref<32x1x512xf32, #tpu.memory_space<vmem>>, vector<16xf32>,
        %add3A_913 = arith.constant 1 : i32
        %add3A_914 = arith.addi %mul3A_824, %add3A_913 : i32
        %get3A_915 = arith.index_cast %add3A_914 : i32 to index
        %get3A_916 = arith.constant 0 : index
        %get3A_917 = tpu.vector_load %arg9[%get3A_915, %get3A_916] {strides = array<i32>} : memref<128x128xf32, #tpu.memory_space<vmem>>, vector<16xf32>,
        %mul3A_918 = arith.mulf %get3A_917, %get3A_622 : vector<16xf32>
        %swap3A_919 = arith.constant 0 : i32
        %swap3A_920 = arith.index_cast %scan3A_822 : i32 to index
        %swap3A_921 = arith.index_cast %swap3A_919 : i32 to index
        %swap3A_922 = arith.constant 128 : index
        %swap3A_923 = tpu.vector_load %arg11[%swap3A_920, %swap3A_921, %swap3A_922] {strides = array<i32>} : memref<32x1x512xf32, #tpu.memory_space<vmem>>, vector<16xf32>,
        tpu.vector_store %arg11[%swap3A_920, %swap3A_921, %swap3A_922], %mul3A_918 {strides = array<i32>} : memref<32x1x512xf32, #tpu.memory_space<vmem>>, vector<16xf32>,
        %add3A_924 = arith.constant 1 : i32
        %add3A_925 = arith.addi %mul3A_824, %add3A_924 : i32
        %get3A_926 = arith.index_cast %add3A_925 : i32 to index
        %get3A_927 = arith.constant 16 : index
        %get3A_928 = tpu.vector_load %arg9[%get3A_926, %get3A_927] {strides = array<i32>} : memref<128x128xf32, #tpu.memory_space<vmem>>, vector<16xf32>,
        %mul3A_929 = arith.mulf %get3A_928, %get3A_626 : vector<16xf32>
        %swap3A_930 = arith.constant 0 : i32
        %swap3A_931 = arith.index_cast %scan3A_822 : i32 to index
        %swap3A_932 = arith.index_cast %swap3A_930 : i32 to index
        %swap3A_933 = arith.constant 144 : index
        %swap3A_934 = tpu.vector_load %arg11[%swap3A_931, %swap3A_932, %swap3A_933] {strides = array<i32>} : memref<32x1x512xf32, #tpu.memory_space<vmem>>, vector<16xf32>,
        tpu.vector_store %arg11[%swap3A_931, %swap3A_932, %swap3A_933], %mul3A_929 {strides = array<i32>} : memref<32x1x512xf32, #tpu.memory_space<vmem>>, vector<16xf32>,
        %add3A_935 = arith.constant 1 : i32
        %add3A_936 = arith.addi %mul3A_824, %add3A_935 : i32
        %get3A_937 = arith.index_cast %add3A_936 : i32 to index
        %get3A_938 = arith.constant 32 : index
        %get3A_939 = tpu.vector_load %arg9[%get3A_937, %get3A_938] {strides = array<i32>} : memref<128x128xf32, #tpu.memory_space<vmem>>, vector<16xf32>,
        %mul3A_940 = arith.mulf %get3A_939, %get3A_630 : vector<16xf32>
        %swap3A_941 = arith.constant 0 : i32
        %swap3A_942 = arith.index_cast %scan3A_822 : i32 to index
        %swap3A_943 = arith.index_cast %swap3A_941 : i32 to index
        %swap3A_944 = arith.constant 160 : index
        %swap3A_945 = tpu.vector_load %arg11[%swap3A_942, %swap3A_943, %swap3A_944] {strides = array<i32>} : memref<32x1x512xf32, #tpu.memory_space<vmem>>, vector<16xf32>,
        tpu.vector_store %arg11[%swap3A_942, %swap3A_943, %swap3A_944], %mul3A_940 {strides = array<i32>} : memref<32x1x512xf32, #tpu.memory_space<vmem>>, vector<16xf32>,
        %add3A_946 = arith.constant 1 : i32
        %add3A_947 = arith.addi %mul3A_824, %add3A_946 : i32
        %get3A_948 = arith.index_cast %add3A_947 : i32 to index
        %get3A_949 = arith.constant 48 : index
        %get3A_950 = tpu.vector_load %arg9[%get3A_948, %get3A_949] {strides = array<i32>} : memref<128x128xf32, #tpu.memory_space<vmem>>, vector<16xf32>,
        %mul3A_951 = arith.mulf %get3A_950, %get3A_634 : vector<16xf32>
        %swap3A_952 = arith.constant 0 : i32
        %swap3A_953 = arith.index_cast %scan3A_822 : i32 to index
        %swap3A_954 = arith.index_cast %swap3A_952 : i32 to index
        %swap3A_955 = arith.constant 176 : index
        %swap3A_956 = tpu.vector_load %arg11[%swap3A_953, %swap3A_954, %swap3A_955] {strides = array<i32>} : memref<32x1x512xf32, #tpu.memory_space<vmem>>, vector<16xf32>,
        tpu.vector_store %arg11[%swap3A_953, %swap3A_954, %swap3A_955], %mul3A_951 {strides = array<i32>} : memref<32x1x512xf32, #tpu.memory_space<vmem>>, vector<16xf32>,
        %add3A_957 = arith.constant 1 : i32
        %add3A_958 = arith.addi %mul3A_824, %add3A_957 : i32
        %get3A_959 = arith.index_cast %add3A_958 : i32 to index
        %get3A_960 = arith.constant 64 : index
        %get3A_961 = tpu.vector_load %arg9[%get3A_959, %get3A_960] {strides = array<i32>} : memref<128x128xf32, #tpu.memory_space<vmem>>, vector<16xf32>,
        %mul3A_962 = arith.mulf %get3A_961, %get3A_638 : vector<16xf32>
        %swap3A_963 = arith.constant 0 : i32
        %swap3A_964 = arith.index_cast %scan3A_822 : i32 to index
        %swap3A_965 = arith.index_cast %swap3A_963 : i32 to index
        %swap3A_966 = arith.constant 192 : index
        %swap3A_967 = tpu.vector_load %arg11[%swap3A_964, %swap3A_965, %swap3A_966] {strides = array<i32>} : memref<32x1x512xf32, #tpu.memory_space<vmem>>, vector<16xf32>,
        tpu.vector_store %arg11[%swap3A_964, %swap3A_965, %swap3A_966], %mul3A_962 {strides = array<i32>} : memref<32x1x512xf32, #tpu.memory_space<vmem>>, vector<16xf32>,
        %add3A_968 = arith.constant 1 : i32
        %add3A_969 = arith.addi %mul3A_824, %add3A_968 : i32
        %get3A_970 = arith.index_cast %add3A_969 : i32 to index
        %get3A_971 = arith.constant 80 : index
        %get3A_972 = tpu.vector_load %arg9[%get3A_970, %get3A_971] {strides = array<i32>} : memref<128x128xf32, #tpu.memory_space<vmem>>, vector<16xf32>,
        %mul3A_973 = arith.mulf %get3A_972, %get3A_642 : vector<16xf32>
        %swap3A_974 = arith.constant 0 : i32
        %swap3A_975 = arith.index_cast %scan3A_822 : i32 to index
        %swap3A_976 = arith.index_cast %swap3A_974 : i32 to index
        %swap3A_977 = arith.constant 208 : index
        %swap3A_978 = tpu.vector_load %arg11[%swap3A_975, %swap3A_976, %swap3A_977] {strides = array<i32>} : memref<32x1x512xf32, #tpu.memory_space<vmem>>, vector<16xf32>,
        tpu.vector_store %arg11[%swap3A_975, %swap3A_976, %swap3A_977], %mul3A_973 {strides = array<i32>} : memref<32x1x512xf32, #tpu.memory_space<vmem>>, vector<16xf32>,
        %add3A_979 = arith.constant 1 : i32
        %add3A_980 = arith.addi %mul3A_824, %add3A_979 : i32
        %get3A_981 = arith.index_cast %add3A_980 : i32 to index
        %get3A_982 = arith.constant 96 : index
        %get3A_983 = tpu.vector_load %arg9[%get3A_981, %get3A_982] {strides = array<i32>} : memref<128x128xf32, #tpu.memory_space<vmem>>, vector<16xf32>,
        %mul3A_984 = arith.mulf %get3A_983, %get3A_646 : vector<16xf32>
        %swap3A_985 = arith.constant 0 : i32
        %swap3A_986 = arith.index_cast %scan3A_822 : i32 to index
        %swap3A_987 = arith.index_cast %swap3A_985 : i32 to index
        %swap3A_988 = arith.constant 224 : index
        %swap3A_989 = tpu.vector_load %arg11[%swap3A_986, %swap3A_987, %swap3A_988] {strides = array<i32>} : memref<32x1x512xf32, #tpu.memory_space<vmem>>, vector<16xf32>,
        tpu.vector_store %arg11[%swap3A_986, %swap3A_987, %swap3A_988], %mul3A_984 {strides = array<i32>} : memref<32x1x512xf32, #tpu.memory_space<vmem>>, vector<16xf32>,
        %add3A_990 = arith.constant 1 : i32
        %add3A_991 = arith.addi %mul3A_824, %add3A_990 : i32
        %get3A_992 = arith.index_cast %add3A_991 : i32 to index
        %get3A_993 = arith.constant 112 : index
        %get3A_994 = tpu.vector_load %arg9[%get3A_992, %get3A_993] {strides = array<i32>} : memref<128x128xf32, #tpu.memory_space<vmem>>, vector<16xf32>,
        %mul3A_995 = arith.mulf %get3A_994, %get3A_650 : vector<16xf32>
        %swap3A_996 = arith.constant 0 : i32
        %swap3A_997 = arith.index_cast %scan3A_822 : i32 to index
        %swap3A_998 = arith.index_cast %swap3A_996 : i32 to index
        %swap3A_999 = arith.constant 240 : index
        %swap3A_1000 = tpu.vector_load %arg11[%swap3A_997, %swap3A_998, %swap3A_999] {strides = array<i32>} : memref<32x1x512xf32, #tpu.memory_space<vmem>>, vector<16xf32>,
        tpu.vector_store %arg11[%swap3A_997, %swap3A_998, %swap3A_999], %mul3A_995 {strides = array<i32>} : memref<32x1x512xf32, #tpu.memory_space<vmem>>, vector<16xf32>,
        %add3A_1001 = arith.constant 2 : i32
        %add3A_1002 = arith.addi %mul3A_824, %add3A_1001 : i32
        %get3A_1003 = arith.index_cast %add3A_1002 : i32 to index
        %get3A_1004 = arith.constant 0 : index
        %get3A_1005 = tpu.vector_load %arg9[%get3A_1003, %get3A_1004] {strides = array<i32>} : memref<128x128xf32, #tpu.memory_space<vmem>>, vector<16xf32>,
        %mul3A_1006 = arith.mulf %get3A_1005, %get3A_654 : vector<16xf32>
        %swap3A_1007 = arith.constant 0 : i32
        %swap3A_1008 = arith.index_cast %scan3A_822 : i32 to index
        %swap3A_1009 = arith.index_cast %swap3A_1007 : i32 to index
        %swap3A_1010 = arith.constant 256 : index
        %swap3A_1011 = tpu.vector_load %arg11[%swap3A_1008, %swap3A_1009, %swap3A_1010] {strides = array<i32>} : memref<32x1x512xf32, #tpu.memory_space<vmem>>, vector<16xf32>,
        tpu.vector_store %arg11[%swap3A_1008, %swap3A_1009, %swap3A_1010], %mul3A_1006 {strides = array<i32>} : memref<32x1x512xf32, #tpu.memory_space<vmem>>, vector<16xf32>,
        %add3A_1012 = arith.constant 2 : i32
        %add3A_1013 = arith.addi %mul3A_824, %add3A_1012 : i32
        %get3A_1014 = arith.index_cast %add3A_1013 : i32 to index
        %get3A_1015 = arith.constant 16 : index
        %get3A_1016 = tpu.vector_load %arg9[%get3A_1014, %get3A_1015] {strides = array<i32>} : memref<128x128xf32, #tpu.memory_space<vmem>>, vector<16xf32>,
        %mul3A_1017 = arith.mulf %get3A_1016, %get3A_658 : vector<16xf32>
        %swap3A_1018 = arith.constant 0 : i32
        %swap3A_1019 = arith.index_cast %scan3A_822 : i32 to index
        %swap3A_1020 = arith.index_cast %swap3A_1018 : i32 to index
        %swap3A_1021 = arith.constant 272 : index
        %swap3A_1022 = tpu.vector_load %arg11[%swap3A_1019, %swap3A_1020, %swap3A_1021] {strides = array<i32>} : memref<32x1x512xf32, #tpu.memory_space<vmem>>, vector<16xf32>,
        tpu.vector_store %arg11[%swap3A_1019, %swap3A_1020, %swap3A_1021], %mul3A_1017 {strides = array<i32>} : memref<32x1x512xf32, #tpu.memory_space<vmem>>, vector<16xf32>,
        %add3A_1023 = arith.constant 2 : i32
        %add3A_1024 = arith.addi %mul3A_824, %add3A_1023 : i32
        %get3A_1025 = arith.index_cast %add3A_1024 : i32 to index
        %get3A_1026 = arith.constant 32 : index
        %get3A_1027 = tpu.vector_load %arg9[%get3A_1025, %get3A_1026] {strides = array<i32>} : memref<128x128xf32, #tpu.memory_space<vmem>>, vector<16xf32>,
        %mul3A_1028 = arith.mulf %get3A_1027, %get3A_662 : vector<16xf32>
        %swap3A_1029 = arith.constant 0 : i32
        %swap3A_1030 = arith.index_cast %scan3A_822 : i32 to index
        %swap3A_1031 = arith.index_cast %swap3A_1029 : i32 to index
        %swap3A_1032 = arith.constant 288 : index
        %swap3A_1033 = tpu.vector_load %arg11[%swap3A_1030, %swap3A_1031, %swap3A_1032] {strides = array<i32>} : memref<32x1x512xf32, #tpu.memory_space<vmem>>, vector<16xf32>,
        tpu.vector_store %arg11[%swap3A_1030, %swap3A_1031, %swap3A_1032], %mul3A_1028 {strides = array<i32>} : memref<32x1x512xf32, #tpu.memory_space<vmem>>, vector<16xf32>,
        %add3A_1034 = arith.constant 2 : i32
        %add3A_1035 = arith.addi %mul3A_824, %add3A_1034 : i32
        %get3A_1036 = arith.index_cast %add3A_1035 : i32 to index
        %get3A_1037 = arith.constant 48 : index
        %get3A_1038 = tpu.vector_load %arg9[%get3A_1036, %get3A_1037] {strides = array<i32>} : memref<128x128xf32, #tpu.memory_space<vmem>>, vector<16xf32>,
        %mul3A_1039 = arith.mulf %get3A_1038, %get3A_666 : vector<16xf32>
        %swap3A_1040 = arith.constant 0 : i32
        %swap3A_1041 = arith.index_cast %scan3A_822 : i32 to index
        %swap3A_1042 = arith.index_cast %swap3A_1040 : i32 to index
        %swap3A_1043 = arith.constant 304 : index
        %swap3A_1044 = tpu.vector_load %arg11[%swap3A_1041, %swap3A_1042, %swap3A_1043] {strides = array<i32>} : memref<32x1x512xf32, #tpu.memory_space<vmem>>, vector<16xf32>,
        tpu.vector_store %arg11[%swap3A_1041, %swap3A_1042, %swap3A_1043], %mul3A_1039 {strides = array<i32>} : memref<32x1x512xf32, #tpu.memory_space<vmem>>, vector<16xf32>,
        %add3A_1045 = arith.constant 2 : i32
        %add3A_1046 = arith.addi %mul3A_824, %add3A_1045 : i32
        %get3A_1047 = arith.index_cast %add3A_1046 : i32 to index
        %get3A_1048 = arith.constant 64 : index
        %get3A_1049 = tpu.vector_load %arg9[%get3A_1047, %get3A_1048] {strides = array<i32>} : memref<128x128xf32, #tpu.memory_space<vmem>>, vector<16xf32>,
        %mul3A_1050 = arith.mulf %get3A_1049, %get3A_670 : vector<16xf32>
        %swap3A_1051 = arith.constant 0 : i32
        %swap3A_1052 = arith.index_cast %scan3A_822 : i32 to index
        %swap3A_1053 = arith.index_cast %swap3A_1051 : i32 to index
        %swap3A_1054 = arith.constant 320 : index
        %swap3A_1055 = tpu.vector_load %arg11[%swap3A_1052, %swap3A_1053, %swap3A_1054] {strides = array<i32>} : memref<32x1x512xf32, #tpu.memory_space<vmem>>, vector<16xf32>,
        tpu.vector_store %arg11[%swap3A_1052, %swap3A_1053, %swap3A_1054], %mul3A_1050 {strides = array<i32>} : memref<32x1x512xf32, #tpu.memory_space<vmem>>, vector<16xf32>,
        %add3A_1056 = arith.constant 2 : i32
        %add3A_1057 = arith.addi %mul3A_824, %add3A_1056 : i32
        %get3A_1058 = arith.index_cast %add3A_1057 : i32 to index
        %get3A_1059 = arith.constant 80 : index
        %get3A_1060 = tpu.vector_load %arg9[%get3A_1058, %get3A_1059] {strides = array<i32>} : memref<128x128xf32, #tpu.memory_space<vmem>>, vector<16xf32>,
        %mul3A_1061 = arith.mulf %get3A_1060, %get3A_674 : vector<16xf32>
        %swap3A_1062 = arith.constant 0 : i32
        %swap3A_1063 = arith.index_cast %scan3A_822 : i32 to index
        %swap3A_1064 = arith.index_cast %swap3A_1062 : i32 to index
        %swap3A_1065 = arith.constant 336 : index
        %swap3A_1066 = tpu.vector_load %arg11[%swap3A_1063, %swap3A_1064, %swap3A_1065] {strides = array<i32>} : memref<32x1x512xf32, #tpu.memory_space<vmem>>, vector<16xf32>,
        tpu.vector_store %arg11[%swap3A_1063, %swap3A_1064, %swap3A_1065], %mul3A_1061 {strides = array<i32>} : memref<32x1x512xf32, #tpu.memory_space<vmem>>, vector<16xf32>,
        %add3A_1067 = arith.constant 2 : i32
        %add3A_1068 = arith.addi %mul3A_824, %add3A_1067 : i32
        %get3A_1069 = arith.index_cast %add3A_1068 : i32 to index
        %get3A_1070 = arith.constant 96 : index
        %get3A_1071 = tpu.vector_load %arg9[%get3A_1069, %get3A_1070] {strides = array<i32>} : memref<128x128xf32, #tpu.memory_space<vmem>>, vector<16xf32>,
        %mul3A_1072 = arith.mulf %get3A_1071, %get3A_678 : vector<16xf32>
        %swap3A_1073 = arith.constant 0 : i32
        %swap3A_1074 = arith.index_cast %scan3A_822 : i32 to index
        %swap3A_1075 = arith.index_cast %swap3A_1073 : i32 to index
        %swap3A_1076 = arith.constant 352 : index
        %swap3A_1077 = tpu.vector_load %arg11[%swap3A_1074, %swap3A_1075, %swap3A_1076] {strides = array<i32>} : memref<32x1x512xf32, #tpu.memory_space<vmem>>, vector<16xf32>,
        tpu.vector_store %arg11[%swap3A_1074, %swap3A_1075, %swap3A_1076], %mul3A_1072 {strides = array<i32>} : memref<32x1x512xf32, #tpu.memory_space<vmem>>, vector<16xf32>,
        %add3A_1078 = arith.constant 2 : i32
        %add3A_1079 = arith.addi %mul3A_824, %add3A_1078 : i32
        %get3A_1080 = arith.index_cast %add3A_1079 : i32 to index
        %get3A_1081 = arith.constant 112 : index
        %get3A_1082 = tpu.vector_load %arg9[%get3A_1080, %get3A_1081] {strides = array<i32>} : memref<128x128xf32, #tpu.memory_space<vmem>>, vector<16xf32>,
        %mul3A_1083 = arith.mulf %get3A_1082, %get3A_682 : vector<16xf32>
        %swap3A_1084 = arith.constant 0 : i32
        %swap3A_1085 = arith.index_cast %scan3A_822 : i32 to index
        %swap3A_1086 = arith.index_cast %swap3A_1084 : i32 to index
        %swap3A_1087 = arith.constant 368 : index
        %swap3A_1088 = tpu.vector_load %arg11[%swap3A_1085, %swap3A_1086, %swap3A_1087] {strides = array<i32>} : memref<32x1x512xf32, #tpu.memory_space<vmem>>, vector<16xf32>,
        tpu.vector_store %arg11[%swap3A_1085, %swap3A_1086, %swap3A_1087], %mul3A_1083 {strides = array<i32>} : memref<32x1x512xf32, #tpu.memory_space<vmem>>, vector<16xf32>,
        %add3A_1089 = arith.constant 3 : i32
        %add3A_1090 = arith.addi %mul3A_824, %add3A_1089 : i32
        %get3A_1091 = arith.index_cast %add3A_1090 : i32 to index
        %get3A_1092 = arith.constant 0 : index
        %get3A_1093 = tpu.vector_load %arg9[%get3A_1091, %get3A_1092] {strides = array<i32>} : memref<128x128xf32, #tpu.memory_space<vmem>>, vector<16xf32>,
        %mul3A_1094 = arith.mulf %get3A_1093, %get3A_686 : vector<16xf32>
        %swap3A_1095 = arith.constant 0 : i32
        %swap3A_1096 = arith.index_cast %scan3A_822 : i32 to index
        %swap3A_1097 = arith.index_cast %swap3A_1095 : i32 to index
        %swap3A_1098 = arith.constant 384 : index
        %swap3A_1099 = tpu.vector_load %arg11[%swap3A_1096, %swap3A_1097, %swap3A_1098] {strides = array<i32>} : memref<32x1x512xf32, #tpu.memory_space<vmem>>, vector<16xf32>,
        tpu.vector_store %arg11[%swap3A_1096, %swap3A_1097, %swap3A_1098], %mul3A_1094 {strides = array<i32>} : memref<32x1x512xf32, #tpu.memory_space<vmem>>, vector<16xf32>,
        %add3A_1100 = arith.constant 3 : i32
        %add3A_1101 = arith.addi %mul3A_824, %add3A_1100 : i32
        %get3A_1102 = arith.index_cast %add3A_1101 : i32 to index
        %get3A_1103 = arith.constant 16 : index
        %get3A_1104 = tpu.vector_load %arg9[%get3A_1102, %get3A_1103] {strides = array<i32>} : memref<128x128xf32, #tpu.memory_space<vmem>>, vector<16xf32>,
        %mul3A_1105 = arith.mulf %get3A_1104, %get3A_690 : vector<16xf32>
        %swap3A_1106 = arith.constant 0 : i32
        %swap3A_1107 = arith.index_cast %scan3A_822 : i32 to index
        %swap3A_1108 = arith.index_cast %swap3A_1106 : i32 to index
        %swap3A_1109 = arith.constant 400 : index
        %swap3A_1110 = tpu.vector_load %arg11[%swap3A_1107, %swap3A_1108, %swap3A_1109] {strides = array<i32>} : memref<32x1x512xf32, #tpu.memory_space<vmem>>, vector<16xf32>,
        tpu.vector_store %arg11[%swap3A_1107, %swap3A_1108, %swap3A_1109], %mul3A_1105 {strides = array<i32>} : memref<32x1x512xf32, #tpu.memory_space<vmem>>, vector<16xf32>,
        %add3A_1111 = arith.constant 3 : i32
        %add3A_1112 = arith.addi %mul3A_824, %add3A_1111 : i32
        %get3A_1113 = arith.index_cast %add3A_1112 : i32 to index
        %get3A_1114 = arith.constant 32 : index
        %get3A_1115 = tpu.vector_load %arg9[%get3A_1113, %get3A_1114] {strides = array<i32>} : memref<128x128xf32, #tpu.memory_space<vmem>>, vector<16xf32>,
        %mul3A_1116 = arith.mulf %get3A_1115, %get3A_694 : vector<16xf32>
        %swap3A_1117 = arith.constant 0 : i32
        %swap3A_1118 = arith.index_cast %scan3A_822 : i32 to index
        %swap3A_1119 = arith.index_cast %swap3A_1117 : i32 to index
        %swap3A_1120 = arith.constant 416 : index
        %swap3A_1121 = tpu.vector_load %arg11[%swap3A_1118, %swap3A_1119, %swap3A_1120] {strides = array<i32>} : memref<32x1x512xf32, #tpu.memory_space<vmem>>, vector<16xf32>,
        tpu.vector_store %arg11[%swap3A_1118, %swap3A_1119, %swap3A_1120], %mul3A_1116 {strides = array<i32>} : memref<32x1x512xf32, #tpu.memory_space<vmem>>, vector<16xf32>,
        %add3A_1122 = arith.constant 3 : i32
        %add3A_1123 = arith.addi %mul3A_824, %add3A_1122 : i32
        %get3A_1124 = arith.index_cast %add3A_1123 : i32 to index
        %get3A_1125 = arith.constant 48 : index
        %get3A_1126 = tpu.vector_load %arg9[%get3A_1124, %get3A_1125] {strides = array<i32>} : memref<128x128xf32, #tpu.memory_space<vmem>>, vector<16xf32>,
        %mul3A_1127 = arith.mulf %get3A_1126, %get3A_698 : vector<16xf32>
        %swap3A_1128 = arith.constant 0 : i32
        %swap3A_1129 = arith.index_cast %scan3A_822 : i32 to index
        %swap3A_1130 = arith.index_cast %swap3A_1128 : i32 to index
        %swap3A_1131 = arith.constant 432 : index
        %swap3A_1132 = tpu.vector_load %arg11[%swap3A_1129, %swap3A_1130, %swap3A_1131] {strides = array<i32>} : memref<32x1x512xf32, #tpu.memory_space<vmem>>, vector<16xf32>,
        tpu.vector_store %arg11[%swap3A_1129, %swap3A_1130, %swap3A_1131], %mul3A_1127 {strides = array<i32>} : memref<32x1x512xf32, #tpu.memory_space<vmem>>, vector<16xf32>,
        %add3A_1133 = arith.constant 3 : i32
        %add3A_1134 = arith.addi %mul3A_824, %add3A_1133 : i32
        %get3A_1135 = arith.index_cast %add3A_1134 : i32 to index
        %get3A_1136 = arith.constant 64 : index
        %get3A_1137 = tpu.vector_load %arg9[%get3A_1135, %get3A_1136] {strides = array<i32>} : memref<128x128xf32, #tpu.memory_space<vmem>>, vector<16xf32>,
        %mul3A_1138 = arith.mulf %get3A_1137, %get3A_702 : vector<16xf32>
        %swap3A_1139 = arith.constant 0 : i32
        %swap3A_1140 = arith.index_cast %scan3A_822 : i32 to index
        %swap3A_1141 = arith.index_cast %swap3A_1139 : i32 to index
        %swap3A_1142 = arith.constant 448 : index
        %swap3A_1143 = tpu.vector_load %arg11[%swap3A_1140, %swap3A_1141, %swap3A_1142] {strides = array<i32>} : memref<32x1x512xf32, #tpu.memory_space<vmem>>, vector<16xf32>,
        tpu.vector_store %arg11[%swap3A_1140, %swap3A_1141, %swap3A_1142], %mul3A_1138 {strides = array<i32>} : memref<32x1x512xf32, #tpu.memory_space<vmem>>, vector<16xf32>,
        %add3A_1144 = arith.constant 3 : i32
        %add3A_1145 = arith.addi %mul3A_824, %add3A_1144 : i32
        %get3A_1146 = arith.index_cast %add3A_1145 : i32 to index
        %get3A_1147 = arith.constant 80 : index
        %get3A_1148 = tpu.vector_load %arg9[%get3A_1146, %get3A_1147] {strides = array<i32>} : memref<128x128xf32, #tpu.memory_space<vmem>>, vector<16xf32>,
        %mul3A_1149 = arith.mulf %get3A_1148, %get3A_706 : vector<16xf32>
        %swap3A_1150 = arith.constant 0 : i32
        %swap3A_1151 = arith.index_cast %scan3A_822 : i32 to index
        %swap3A_1152 = arith.index_cast %swap3A_1150 : i32 to index
        %swap3A_1153 = arith.constant 464 : index
        %swap3A_1154 = tpu.vector_load %arg11[%swap3A_1151, %swap3A_1152, %swap3A_1153] {strides = array<i32>} : memref<32x1x512xf32, #tpu.memory_space<vmem>>, vector<16xf32>,
        tpu.vector_store %arg11[%swap3A_1151, %swap3A_1152, %swap3A_1153], %mul3A_1149 {strides = array<i32>} : memref<32x1x512xf32, #tpu.memory_space<vmem>>, vector<16xf32>,
        %add3A_1155 = arith.constant 3 : i32
        %add3A_1156 = arith.addi %mul3A_824, %add3A_1155 : i32
        %get3A_1157 = arith.index_cast %add3A_1156 : i32 to index
        %get3A_1158 = arith.constant 96 : index
        %get3A_1159 = tpu.vector_load %arg9[%get3A_1157, %get3A_1158] {strides = array<i32>} : memref<128x128xf32, #tpu.memory_space<vmem>>, vector<16xf32>,
        %mul3A_1160 = arith.mulf %get3A_1159, %get3A_710 : vector<16xf32>
        %swap3A_1161 = arith.constant 0 : i32
        %swap3A_1162 = arith.index_cast %scan3A_822 : i32 to index
        %swap3A_1163 = arith.index_cast %swap3A_1161 : i32 to index
        %swap3A_1164 = arith.constant 480 : index
        %swap3A_1165 = tpu.vector_load %arg11[%swap3A_1162, %swap3A_1163, %swap3A_1164] {strides = array<i32>} : memref<32x1x512xf32, #tpu.memory_space<vmem>>, vector<16xf32>,
        tpu.vector_store %arg11[%swap3A_1162, %swap3A_1163, %swap3A_1164], %mul3A_1160 {strides = array<i32>} : memref<32x1x512xf32, #tpu.memory_space<vmem>>, vector<16xf32>,
        %add3A_1166 = arith.constant 3 : i32
        %add3A_1167 = arith.addi %mul3A_824, %add3A_1166 : i32
        %get3A_1168 = arith.index_cast %add3A_1167 : i32 to index
        %get3A_1169 = arith.constant 112 : index
        %get3A_1170 = tpu.vector_load %arg9[%get3A_1168, %get3A_1169] {strides = array<i32>} : memref<128x128xf32, #tpu.memory_space<vmem>>, vector<16xf32>,
        %mul3A_1171 = arith.mulf %get3A_1170, %get3A_714 : vector<16xf32>
        %swap3A_1172 = arith.constant 0 : i32
        %swap3A_1173 = arith.index_cast %scan3A_822 : i32 to index
        %swap3A_1174 = arith.index_cast %swap3A_1172 : i32 to index
        %swap3A_1175 = arith.constant 496 : index
        %swap3A_1176 = tpu.vector_load %arg11[%swap3A_1173, %swap3A_1174, %swap3A_1175] {strides = array<i32>} : memref<32x1x512xf32, #tpu.memory_space<vmem>>, vector<16xf32>,
        tpu.vector_store %arg11[%swap3A_1173, %swap3A_1174, %swap3A_1175], %mul3A_1171 {strides = array<i32>} : memref<32x1x512xf32, #tpu.memory_space<vmem>>, vector<16xf32>,
      }
      %scan3A_766 = arith.constant 32 : i32
      %mul3A_767 = arith.constant 4 : i32
      %mul3A_768 = arith.muli %add3A_746, %mul3A_767 : i32
      %add3A_769 = arith.addi %mul3A_2, %mul3A_768 : i32
      %div3A_770 = arith.constant 128 : i32
      %div3A_771 = arith.divsi %add3A_769, %div3A_770 : i32
      %mul3A_772 = arith.constant 128 : i32
      %mul3A_773 = arith.muli %div3A_771, %mul3A_772 : i32
      %sub3A = arith.subi %add3A_769, %mul3A_773 : i32
      %mul3A_774 = arith.constant 8 : i32
      %mul3A_775 = arith.muli %sub3A, %mul3A_774 : i32
      %dma_start3A_776 = arith.constant 0 : i32
      %dma_start3A_777 = tpu.memref_slice %arg5[%mul3A_775, %div3A_771, %dma_start3A_776] : memref<1024x50x512xf32, #tpu.memory_space<hbm>> -> memref<32x1x512xf32, #tpu.memory_space<hbm>>
      %dma_start3A_778 = arith.constant 0 : i32
      %dma_start3A_779 = tpu.memref_slice %arg5[%mul3A_775, %div3A_771, %dma_start3A_778] : memref<1024x50x512xf32, #tpu.memory_space<hbm>> -> memref<32x1x512xf32, #tpu.memory_space<hbm>>
      tpu.enqueue_dma source(%arg11 : memref<32x1x512xf32, #tpu.memory_space<vmem>>) target(%dma_start3A_779 : memref<32x1x512xf32, #tpu.memory_space<hbm>>) target_semaphore(%arg15 : memref<!tpu.dma_semaphore, #tpu.memory_space<semaphore_mem>>)
      %mul3A_780 = arith.constant 2 : i32
      %mul3A_781 = arith.muli %scan3A_742, %mul3A_780 : i32
      %add3A_782 = arith.constant 1 : i32
      %add3A_783 = arith.addi %mul3A_781, %add3A_782 : i32
      %add3A_784 = arith.constant 1 : i32
      %add3A_785 = arith.addi %add3A_783, %add3A_784 : i32
      %lt3A_786 = arith.constant 50 : i32
      %lt3A_787 = arith.cmpi slt, %add3A_785, %lt3A_786 : i32
      %convert_element_type3A_788 = arith.extui %lt3A_787 : i1 to i32
      %cond3A_789 = arith.constant 0 : i32
      %cond3A_790 = arith.cmpi ne, %convert_element_type3A_788, %cond3A_789 : i32
      scf.if %cond3A_790 {
        %add3A_822 = arith.constant 1 : i32
        %add3A_823 = arith.addi %add3A_783, %add3A_822 : i32
        %dma_start3A_824 = arith.constant 0 : i32
        %dma_start3A_825 = tpu.memref_slice %arg8[%add3A_823, %dma_start3A_824] : memref<50x128xi32, #tpu.memory_space<vmem>> -> memref<1x128xi32, #tpu.memory_space<vmem>>
        %dma_start3A_826 = tpu.memref_squeeze %dma_start3A_825 : memref<1x128xi32, #tpu.memory_space<vmem>> -> memref<128xi32, #tpu.memory_space<vmem>>
        %dma_start3A_827 = arith.constant 0 : i32
        %dma_start3A_828 = arith.constant 0 : i32
        %dma_start3A_829 = tpu.memref_slice %arg3[%dma_start3A_827, %dma_start3A_828] : memref<400000x128xf32, #tpu.memory_space<hbm>> -> memref<400000x128xf32, #tpu.memory_space<hbm>>
        tpu.enqueue_indirect_dma source(%dma_start3A_829 : memref<400000x128xf32, #tpu.memory_space<hbm>>) target(%arg9 : memref<128x128xf32, #tpu.memory_space<vmem>>) offsets(%dma_start3A_826 : memref<128xi32, #tpu.memory_space<vmem>>) semaphore(%arg13 : memref<!tpu.dma_semaphore, #tpu.memory_space<semaphore_mem>>)
      } else {
      }
      %dma_wait3A_791 = arith.constant 0 : i32
      %dma_wait3A_792 = arith.constant 0 : i32
      %dma_wait3A_793 = tpu.memref_slice %arg3[%dma_wait3A_791, %dma_wait3A_792] : memref<400000x128xf32, #tpu.memory_space<hbm>> -> memref<128x128xf32, #tpu.memory_space<hbm>>
      %dma_wait3A_794 = arith.constant 0 : i32
      %dma_wait3A_795 = arith.constant 0 : i32
      %dma_wait3A_796 = tpu.memref_slice %arg3[%dma_wait3A_794, %dma_wait3A_795] : memref<400000x128xf32, #tpu.memory_space<hbm>> -> memref<128x128xf32, #tpu.memory_space<hbm>>
      tpu.wait_dma2 semaphore(%arg14 : memref<!tpu.dma_semaphore, #tpu.memory_space<semaphore_mem>>) src(%dma_wait3A_796 : memref<128x128xf32, #tpu.memory_space<hbm>>) dst(%arg10 : memref<128x128xf32, #tpu.memory_space<vmem>>)
      %ge3A_797 = arith.constant 2 : i32
      %ge3A_798 = arith.cmpi sge, %add3A_783, %ge3A_797 : i32
      %convert_element_type3A_799 = arith.extui %ge3A_798 : i1 to i32
      %cond3A_800 = arith.constant 0 : i32
      %cond3A_801 = arith.cmpi ne, %convert_element_type3A_799, %cond3A_800 : i32
      scf.if %cond3A_801 {
        %dma_wait3A_822 = arith.constant 0 : i32
        %dma_wait3A_823 = arith.constant 0 : i32
        %dma_wait3A_824 = arith.constant 0 : i32
        %dma_wait3A_825 = tpu.memref_slice %arg5[%dma_wait3A_822, %dma_wait3A_823, %dma_wait3A_824] : memref<1024x50x512xf32, #tpu.memory_space<hbm>> -> memref<32x1x512xf32, #tpu.memory_space<hbm>>
        %dma_wait3A_826 = arith.constant 0 : i32
        %dma_wait3A_827 = arith.constant 0 : i32
        %dma_wait3A_828 = arith.constant 0 : i32
        %dma_wait3A_829 = tpu.memref_slice %arg5[%dma_wait3A_826, %dma_wait3A_827, %dma_wait3A_828] : memref<1024x50x512xf32, #tpu.memory_space<hbm>> -> memref<32x1x512xf32, #tpu.memory_space<hbm>>
        tpu.wait_dma2 semaphore(%arg16 : memref<!tpu.dma_semaphore, #tpu.memory_space<semaphore_mem>>) src(%arg12 : memref<32x1x512xf32, #tpu.memory_space<vmem>>) dst(%dma_wait3A_829 : memref<32x1x512xf32, #tpu.memory_space<hbm>>)
      } else {
      }
      %scan3A_802 = arith.constant 0 : i32
      %scan3A_803 = arith.constant 0 : i32
      %scan3A_804 = arith.constant 32 : i32
      %scan3A_805 = arith.addi %scan3A_803, %scan3A_804 : i32
      %scan3A_806 = arith.constant 1 : i32
      scf.for %scan3A_822 = %scan3A_803 to %scan3A_805 step %scan3A_806  : i32 {
        %mul3A_823 = arith.constant 4 : i32
        %mul3A_824 = arith.muli %scan3A_822, %mul3A_823 : i32
        %add3A_825 = arith.constant 0 : i32
        %add3A_826 = arith.addi %mul3A_824, %add3A_825 : i32
        %get3A_827 = arith.index_cast %add3A_826 : i32 to index
        %get3A_828 = arith.constant 0 : index
        %get3A_829 = tpu.vector_load %arg10[%get3A_827, %get3A_828] {strides = array<i32>} : memref<128x128xf32, #tpu.memory_space<vmem>>, vector<16xf32>,
        %mul3A_830 = arith.mulf %get3A_829, %get3A_590 : vector<16xf32>
        %swap3A_831 = arith.constant 0 : i32
        %swap3A_832 = arith.index_cast %scan3A_822 : i32 to index
        %swap3A_833 = arith.index_cast %swap3A_831 : i32 to index
        %swap3A_834 = arith.constant 0 : index
        %swap3A_835 = tpu.vector_load %arg12[%swap3A_832, %swap3A_833, %swap3A_834] {strides = array<i32>} : memref<32x1x512xf32, #tpu.memory_space<vmem>>, vector<16xf32>,
        tpu.vector_store %arg12[%swap3A_832, %swap3A_833, %swap3A_834], %mul3A_830 {strides = array<i32>} : memref<32x1x512xf32, #tpu.memory_space<vmem>>, vector<16xf32>,
        %add3A_836 = arith.constant 0 : i32
        %add3A_837 = arith.addi %mul3A_824, %add3A_836 : i32
        %get3A_838 = arith.index_cast %add3A_837 : i32 to index
        %get3A_839 = arith.constant 16 : index
        %get3A_840 = tpu.vector_load %arg10[%get3A_838, %get3A_839] {strides = array<i32>} : memref<128x128xf32, #tpu.memory_space<vmem>>, vector<16xf32>,
        %mul3A_841 = arith.mulf %get3A_840, %get3A_594 : vector<16xf32>
        %swap3A_842 = arith.constant 0 : i32
        %swap3A_843 = arith.index_cast %scan3A_822 : i32 to index
        %swap3A_844 = arith.index_cast %swap3A_842 : i32 to index
        %swap3A_845 = arith.constant 16 : index
        %swap3A_846 = tpu.vector_load %arg12[%swap3A_843, %swap3A_844, %swap3A_845] {strides = array<i32>} : memref<32x1x512xf32, #tpu.memory_space<vmem>>, vector<16xf32>,
        tpu.vector_store %arg12[%swap3A_843, %swap3A_844, %swap3A_845], %mul3A_841 {strides = array<i32>} : memref<32x1x512xf32, #tpu.memory_space<vmem>>, vector<16xf32>,
        %add3A_847 = arith.constant 0 : i32
        %add3A_848 = arith.addi %mul3A_824, %add3A_847 : i32
        %get3A_849 = arith.index_cast %add3A_848 : i32 to index
        %get3A_850 = arith.constant 32 : index
        %get3A_851 = tpu.vector_load %arg10[%get3A_849, %get3A_850] {strides = array<i32>} : memref<128x128xf32, #tpu.memory_space<vmem>>, vector<16xf32>,
        %mul3A_852 = arith.mulf %get3A_851, %get3A_598 : vector<16xf32>
        %swap3A_853 = arith.constant 0 : i32
        %swap3A_854 = arith.index_cast %scan3A_822 : i32 to index
        %swap3A_855 = arith.index_cast %swap3A_853 : i32 to index
        %swap3A_856 = arith.constant 32 : index
        %swap3A_857 = tpu.vector_load %arg12[%swap3A_854, %swap3A_855, %swap3A_856] {strides = array<i32>} : memref<32x1x512xf32, #tpu.memory_space<vmem>>, vector<16xf32>,
        tpu.vector_store %arg12[%swap3A_854, %swap3A_855, %swap3A_856], %mul3A_852 {strides = array<i32>} : memref<32x1x512xf32, #tpu.memory_space<vmem>>, vector<16xf32>,
        %add3A_858 = arith.constant 0 : i32
        %add3A_859 = arith.addi %mul3A_824, %add3A_858 : i32
        %get3A_860 = arith.index_cast %add3A_859 : i32 to index
        %get3A_861 = arith.constant 48 : index
        %get3A_862 = tpu.vector_load %arg10[%get3A_860, %get3A_861] {strides = array<i32>} : memref<128x128xf32, #tpu.memory_space<vmem>>, vector<16xf32>,
        %mul3A_863 = arith.mulf %get3A_862, %get3A_602 : vector<16xf32>
        %swap3A_864 = arith.constant 0 : i32
        %swap3A_865 = arith.index_cast %scan3A_822 : i32 to index
        %swap3A_866 = arith.index_cast %swap3A_864 : i32 to index
        %swap3A_867 = arith.constant 48 : index
        %swap3A_868 = tpu.vector_load %arg12[%swap3A_865, %swap3A_866, %swap3A_867] {strides = array<i32>} : memref<32x1x512xf32, #tpu.memory_space<vmem>>, vector<16xf32>,
        tpu.vector_store %arg12[%swap3A_865, %swap3A_866, %swap3A_867], %mul3A_863 {strides = array<i32>} : memref<32x1x512xf32, #tpu.memory_space<vmem>>, vector<16xf32>,
        %add3A_869 = arith.constant 0 : i32
        %add3A_870 = arith.addi %mul3A_824, %add3A_869 : i32
        %get3A_871 = arith.index_cast %add3A_870 : i32 to index
        %get3A_872 = arith.constant 64 : index
        %get3A_873 = tpu.vector_load %arg10[%get3A_871, %get3A_872] {strides = array<i32>} : memref<128x128xf32, #tpu.memory_space<vmem>>, vector<16xf32>,
        %mul3A_874 = arith.mulf %get3A_873, %get3A_606 : vector<16xf32>
        %swap3A_875 = arith.constant 0 : i32
        %swap3A_876 = arith.index_cast %scan3A_822 : i32 to index
        %swap3A_877 = arith.index_cast %swap3A_875 : i32 to index
        %swap3A_878 = arith.constant 64 : index
        %swap3A_879 = tpu.vector_load %arg12[%swap3A_876, %swap3A_877, %swap3A_878] {strides = array<i32>} : memref<32x1x512xf32, #tpu.memory_space<vmem>>, vector<16xf32>,
        tpu.vector_store %arg12[%swap3A_876, %swap3A_877, %swap3A_878], %mul3A_874 {strides = array<i32>} : memref<32x1x512xf32, #tpu.memory_space<vmem>>, vector<16xf32>,
        %add3A_880 = arith.constant 0 : i32
        %add3A_881 = arith.addi %mul3A_824, %add3A_880 : i32
        %get3A_882 = arith.index_cast %add3A_881 : i32 to index
        %get3A_883 = arith.constant 80 : index
        %get3A_884 = tpu.vector_load %arg10[%get3A_882, %get3A_883] {strides = array<i32>} : memref<128x128xf32, #tpu.memory_space<vmem>>, vector<16xf32>,
        %mul3A_885 = arith.mulf %get3A_884, %get3A_610 : vector<16xf32>
        %swap3A_886 = arith.constant 0 : i32
        %swap3A_887 = arith.index_cast %scan3A_822 : i32 to index
        %swap3A_888 = arith.index_cast %swap3A_886 : i32 to index
        %swap3A_889 = arith.constant 80 : index
        %swap3A_890 = tpu.vector_load %arg12[%swap3A_887, %swap3A_888, %swap3A_889] {strides = array<i32>} : memref<32x1x512xf32, #tpu.memory_space<vmem>>, vector<16xf32>,
        tpu.vector_store %arg12[%swap3A_887, %swap3A_888, %swap3A_889], %mul3A_885 {strides = array<i32>} : memref<32x1x512xf32, #tpu.memory_space<vmem>>, vector<16xf32>,
        %add3A_891 = arith.constant 0 : i32
        %add3A_892 = arith.addi %mul3A_824, %add3A_891 : i32
        %get3A_893 = arith.index_cast %add3A_892 : i32 to index
        %get3A_894 = arith.constant 96 : index
        %get3A_895 = tpu.vector_load %arg10[%get3A_893, %get3A_894] {strides = array<i32>} : memref<128x128xf32, #tpu.memory_space<vmem>>, vector<16xf32>,
        %mul3A_896 = arith.mulf %get3A_895, %get3A_614 : vector<16xf32>
        %swap3A_897 = arith.constant 0 : i32
        %swap3A_898 = arith.index_cast %scan3A_822 : i32 to index
        %swap3A_899 = arith.index_cast %swap3A_897 : i32 to index
        %swap3A_900 = arith.constant 96 : index
        %swap3A_901 = tpu.vector_load %arg12[%swap3A_898, %swap3A_899, %swap3A_900] {strides = array<i32>} : memref<32x1x512xf32, #tpu.memory_space<vmem>>, vector<16xf32>,
        tpu.vector_store %arg12[%swap3A_898, %swap3A_899, %swap3A_900], %mul3A_896 {strides = array<i32>} : memref<32x1x512xf32, #tpu.memory_space<vmem>>, vector<16xf32>,
        %add3A_902 = arith.constant 0 : i32
        %add3A_903 = arith.addi %mul3A_824, %add3A_902 : i32
        %get3A_904 = arith.index_cast %add3A_903 : i32 to index
        %get3A_905 = arith.constant 112 : index
        %get3A_906 = tpu.vector_load %arg10[%get3A_904, %get3A_905] {strides = array<i32>} : memref<128x128xf32, #tpu.memory_space<vmem>>, vector<16xf32>,
        %mul3A_907 = arith.mulf %get3A_906, %get3A_618 : vector<16xf32>
        %swap3A_908 = arith.constant 0 : i32
        %swap3A_909 = arith.index_cast %scan3A_822 : i32 to index
        %swap3A_910 = arith.index_cast %swap3A_908 : i32 to index
        %swap3A_911 = arith.constant 112 : index
        %swap3A_912 = tpu.vector_load %arg12[%swap3A_909, %swap3A_910, %swap3A_911] {strides = array<i32>} : memref<32x1x512xf32, #tpu.memory_space<vmem>>, vector<16xf32>,
        tpu.vector_store %arg12[%swap3A_909, %swap3A_910, %swap3A_911], %mul3A_907 {strides = array<i32>} : memref<32x1x512xf32, #tpu.memory_space<vmem>>, vector<16xf32>,
        %add3A_913 = arith.constant 1 : i32
        %add3A_914 = arith.addi %mul3A_824, %add3A_913 : i32
        %get3A_915 = arith.index_cast %add3A_914 : i32 to index
        %get3A_916 = arith.constant 0 : index
        %get3A_917 = tpu.vector_load %arg10[%get3A_915, %get3A_916] {strides = array<i32>} : memref<128x128xf32, #tpu.memory_space<vmem>>, vector<16xf32>,
        %mul3A_918 = arith.mulf %get3A_917, %get3A_622 : vector<16xf32>
        %swap3A_919 = arith.constant 0 : i32
        %swap3A_920 = arith.index_cast %scan3A_822 : i32 to index
        %swap3A_921 = arith.index_cast %swap3A_919 : i32 to index
        %swap3A_922 = arith.constant 128 : index
        %swap3A_923 = tpu.vector_load %arg12[%swap3A_920, %swap3A_921, %swap3A_922] {strides = array<i32>} : memref<32x1x512xf32, #tpu.memory_space<vmem>>, vector<16xf32>,
        tpu.vector_store %arg12[%swap3A_920, %swap3A_921, %swap3A_922], %mul3A_918 {strides = array<i32>} : memref<32x1x512xf32, #tpu.memory_space<vmem>>, vector<16xf32>,
        %add3A_924 = arith.constant 1 : i32
        %add3A_925 = arith.addi %mul3A_824, %add3A_924 : i32
        %get3A_926 = arith.index_cast %add3A_925 : i32 to index
        %get3A_927 = arith.constant 16 : index
        %get3A_928 = tpu.vector_load %arg10[%get3A_926, %get3A_927] {strides = array<i32>} : memref<128x128xf32, #tpu.memory_space<vmem>>, vector<16xf32>,
        %mul3A_929 = arith.mulf %get3A_928, %get3A_626 : vector<16xf32>
        %swap3A_930 = arith.constant 0 : i32
        %swap3A_931 = arith.index_cast %scan3A_822 : i32 to index
        %swap3A_932 = arith.index_cast %swap3A_930 : i32 to index
        %swap3A_933 = arith.constant 144 : index
        %swap3A_934 = tpu.vector_load %arg12[%swap3A_931, %swap3A_932, %swap3A_933] {strides = array<i32>} : memref<32x1x512xf32, #tpu.memory_space<vmem>>, vector<16xf32>,
        tpu.vector_store %arg12[%swap3A_931, %swap3A_932, %swap3A_933], %mul3A_929 {strides = array<i32>} : memref<32x1x512xf32, #tpu.memory_space<vmem>>, vector<16xf32>,
        %add3A_935 = arith.constant 1 : i32
        %add3A_936 = arith.addi %mul3A_824, %add3A_935 : i32
        %get3A_937 = arith.index_cast %add3A_936 : i32 to index
        %get3A_938 = arith.constant 32 : index
        %get3A_939 = tpu.vector_load %arg10[%get3A_937, %get3A_938] {strides = array<i32>} : memref<128x128xf32, #tpu.memory_space<vmem>>, vector<16xf32>,
        %mul3A_940 = arith.mulf %get3A_939, %get3A_630 : vector<16xf32>
        %swap3A_941 = arith.constant 0 : i32
        %swap3A_942 = arith.index_cast %scan3A_822 : i32 to index
        %swap3A_943 = arith.index_cast %swap3A_941 : i32 to index
        %swap3A_944 = arith.constant 160 : index
        %swap3A_945 = tpu.vector_load %arg12[%swap3A_942, %swap3A_943, %swap3A_944] {strides = array<i32>} : memref<32x1x512xf32, #tpu.memory_space<vmem>>, vector<16xf32>,
        tpu.vector_store %arg12[%swap3A_942, %swap3A_943, %swap3A_944], %mul3A_940 {strides = array<i32>} : memref<32x1x512xf32, #tpu.memory_space<vmem>>, vector<16xf32>,
        %add3A_946 = arith.constant 1 : i32
        %add3A_947 = arith.addi %mul3A_824, %add3A_946 : i32
        %get3A_948 = arith.index_cast %add3A_947 : i32 to index
        %get3A_949 = arith.constant 48 : index
        %get3A_950 = tpu.vector_load %arg10[%get3A_948, %get3A_949] {strides = array<i32>} : memref<128x128xf32, #tpu.memory_space<vmem>>, vector<16xf32>,
        %mul3A_951 = arith.mulf %get3A_950, %get3A_634 : vector<16xf32>
        %swap3A_952 = arith.constant 0 : i32
        %swap3A_953 = arith.index_cast %scan3A_822 : i32 to index
        %swap3A_954 = arith.index_cast %swap3A_952 : i32 to index
        %swap3A_955 = arith.constant 176 : index
        %swap3A_956 = tpu.vector_load %arg12[%swap3A_953, %swap3A_954, %swap3A_955] {strides = array<i32>} : memref<32x1x512xf32, #tpu.memory_space<vmem>>, vector<16xf32>,
        tpu.vector_store %arg12[%swap3A_953, %swap3A_954, %swap3A_955], %mul3A_951 {strides = array<i32>} : memref<32x1x512xf32, #tpu.memory_space<vmem>>, vector<16xf32>,
        %add3A_957 = arith.constant 1 : i32
        %add3A_958 = arith.addi %mul3A_824, %add3A_957 : i32
        %get3A_959 = arith.index_cast %add3A_958 : i32 to index
        %get3A_960 = arith.constant 64 : index
        %get3A_961 = tpu.vector_load %arg10[%get3A_959, %get3A_960] {strides = array<i32>} : memref<128x128xf32, #tpu.memory_space<vmem>>, vector<16xf32>,
        %mul3A_962 = arith.mulf %get3A_961, %get3A_638 : vector<16xf32>
        %swap3A_963 = arith.constant 0 : i32
        %swap3A_964 = arith.index_cast %scan3A_822 : i32 to index
        %swap3A_965 = arith.index_cast %swap3A_963 : i32 to index
        %swap3A_966 = arith.constant 192 : index
        %swap3A_967 = tpu.vector_load %arg12[%swap3A_964, %swap3A_965, %swap3A_966] {strides = array<i32>} : memref<32x1x512xf32, #tpu.memory_space<vmem>>, vector<16xf32>,
        tpu.vector_store %arg12[%swap3A_964, %swap3A_965, %swap3A_966], %mul3A_962 {strides = array<i32>} : memref<32x1x512xf32, #tpu.memory_space<vmem>>, vector<16xf32>,
        %add3A_968 = arith.constant 1 : i32
        %add3A_969 = arith.addi %mul3A_824, %add3A_968 : i32
        %get3A_970 = arith.index_cast %add3A_969 : i32 to index
        %get3A_971 = arith.constant 80 : index
        %get3A_972 = tpu.vector_load %arg10[%get3A_970, %get3A_971] {strides = array<i32>} : memref<128x128xf32, #tpu.memory_space<vmem>>, vector<16xf32>,
        %mul3A_973 = arith.mulf %get3A_972, %get3A_642 : vector<16xf32>
        %swap3A_974 = arith.constant 0 : i32
        %swap3A_975 = arith.index_cast %scan3A_822 : i32 to index
        %swap3A_976 = arith.index_cast %swap3A_974 : i32 to index
        %swap3A_977 = arith.constant 208 : index
        %swap3A_978 = tpu.vector_load %arg12[%swap3A_975, %swap3A_976, %swap3A_977] {strides = array<i32>} : memref<32x1x512xf32, #tpu.memory_space<vmem>>, vector<16xf32>,
        tpu.vector_store %arg12[%swap3A_975, %swap3A_976, %swap3A_977], %mul3A_973 {strides = array<i32>} : memref<32x1x512xf32, #tpu.memory_space<vmem>>, vector<16xf32>,
        %add3A_979 = arith.constant 1 : i32
        %add3A_980 = arith.addi %mul3A_824, %add3A_979 : i32
        %get3A_981 = arith.index_cast %add3A_980 : i32 to index
        %get3A_982 = arith.constant 96 : index
        %get3A_983 = tpu.vector_load %arg10[%get3A_981, %get3A_982] {strides = array<i32>} : memref<128x128xf32, #tpu.memory_space<vmem>>, vector<16xf32>,
        %mul3A_984 = arith.mulf %get3A_983, %get3A_646 : vector<16xf32>
        %swap3A_985 = arith.constant 0 : i32
        %swap3A_986 = arith.index_cast %scan3A_822 : i32 to index
        %swap3A_987 = arith.index_cast %swap3A_985 : i32 to index
        %swap3A_988 = arith.constant 224 : index
        %swap3A_989 = tpu.vector_load %arg12[%swap3A_986, %swap3A_987, %swap3A_988] {strides = array<i32>} : memref<32x1x512xf32, #tpu.memory_space<vmem>>, vector<16xf32>,
        tpu.vector_store %arg12[%swap3A_986, %swap3A_987, %swap3A_988], %mul3A_984 {strides = array<i32>} : memref<32x1x512xf32, #tpu.memory_space<vmem>>, vector<16xf32>,
        %add3A_990 = arith.constant 1 : i32
        %add3A_991 = arith.addi %mul3A_824, %add3A_990 : i32
        %get3A_992 = arith.index_cast %add3A_991 : i32 to index
        %get3A_993 = arith.constant 112 : index
        %get3A_994 = tpu.vector_load %arg10[%get3A_992, %get3A_993] {strides = array<i32>} : memref<128x128xf32, #tpu.memory_space<vmem>>, vector<16xf32>,
        %mul3A_995 = arith.mulf %get3A_994, %get3A_650 : vector<16xf32>
        %swap3A_996 = arith.constant 0 : i32
        %swap3A_997 = arith.index_cast %scan3A_822 : i32 to index
        %swap3A_998 = arith.index_cast %swap3A_996 : i32 to index
        %swap3A_999 = arith.constant 240 : index
        %swap3A_1000 = tpu.vector_load %arg12[%swap3A_997, %swap3A_998, %swap3A_999] {strides = array<i32>} : memref<32x1x512xf32, #tpu.memory_space<vmem>>, vector<16xf32>,
        tpu.vector_store %arg12[%swap3A_997, %swap3A_998, %swap3A_999], %mul3A_995 {strides = array<i32>} : memref<32x1x512xf32, #tpu.memory_space<vmem>>, vector<16xf32>,
        %add3A_1001 = arith.constant 2 : i32
        %add3A_1002 = arith.addi %mul3A_824, %add3A_1001 : i32
        %get3A_1003 = arith.index_cast %add3A_1002 : i32 to index
        %get3A_1004 = arith.constant 0 : index
        %get3A_1005 = tpu.vector_load %arg10[%get3A_1003, %get3A_1004] {strides = array<i32>} : memref<128x128xf32, #tpu.memory_space<vmem>>, vector<16xf32>,
        %mul3A_1006 = arith.mulf %get3A_1005, %get3A_654 : vector<16xf32>
        %swap3A_1007 = arith.constant 0 : i32
        %swap3A_1008 = arith.index_cast %scan3A_822 : i32 to index
        %swap3A_1009 = arith.index_cast %swap3A_1007 : i32 to index
        %swap3A_1010 = arith.constant 256 : index
        %swap3A_1011 = tpu.vector_load %arg12[%swap3A_1008, %swap3A_1009, %swap3A_1010] {strides = array<i32>} : memref<32x1x512xf32, #tpu.memory_space<vmem>>, vector<16xf32>,
        tpu.vector_store %arg12[%swap3A_1008, %swap3A_1009, %swap3A_1010], %mul3A_1006 {strides = array<i32>} : memref<32x1x512xf32, #tpu.memory_space<vmem>>, vector<16xf32>,
        %add3A_1012 = arith.constant 2 : i32
        %add3A_1013 = arith.addi %mul3A_824, %add3A_1012 : i32
        %get3A_1014 = arith.index_cast %add3A_1013 : i32 to index
        %get3A_1015 = arith.constant 16 : index
        %get3A_1016 = tpu.vector_load %arg10[%get3A_1014, %get3A_1015] {strides = array<i32>} : memref<128x128xf32, #tpu.memory_space<vmem>>, vector<16xf32>,
        %mul3A_1017 = arith.mulf %get3A_1016, %get3A_658 : vector<16xf32>
        %swap3A_1018 = arith.constant 0 : i32
        %swap3A_1019 = arith.index_cast %scan3A_822 : i32 to index
        %swap3A_1020 = arith.index_cast %swap3A_1018 : i32 to index
        %swap3A_1021 = arith.constant 272 : index
        %swap3A_1022 = tpu.vector_load %arg12[%swap3A_1019, %swap3A_1020, %swap3A_1021] {strides = array<i32>} : memref<32x1x512xf32, #tpu.memory_space<vmem>>, vector<16xf32>,
        tpu.vector_store %arg12[%swap3A_1019, %swap3A_1020, %swap3A_1021], %mul3A_1017 {strides = array<i32>} : memref<32x1x512xf32, #tpu.memory_space<vmem>>, vector<16xf32>,
        %add3A_1023 = arith.constant 2 : i32
        %add3A_1024 = arith.addi %mul3A_824, %add3A_1023 : i32
        %get3A_1025 = arith.index_cast %add3A_1024 : i32 to index
        %get3A_1026 = arith.constant 32 : index
        %get3A_1027 = tpu.vector_load %arg10[%get3A_1025, %get3A_1026] {strides = array<i32>} : memref<128x128xf32, #tpu.memory_space<vmem>>, vector<16xf32>,
        %mul3A_1028 = arith.mulf %get3A_1027, %get3A_662 : vector<16xf32>
        %swap3A_1029 = arith.constant 0 : i32
        %swap3A_1030 = arith.index_cast %scan3A_822 : i32 to index
        %swap3A_1031 = arith.index_cast %swap3A_1029 : i32 to index
        %swap3A_1032 = arith.constant 288 : index
        %swap3A_1033 = tpu.vector_load %arg12[%swap3A_1030, %swap3A_1031, %swap3A_1032] {strides = array<i32>} : memref<32x1x512xf32, #tpu.memory_space<vmem>>, vector<16xf32>,
        tpu.vector_store %arg12[%swap3A_1030, %swap3A_1031, %swap3A_1032], %mul3A_1028 {strides = array<i32>} : memref<32x1x512xf32, #tpu.memory_space<vmem>>, vector<16xf32>,
        %add3A_1034 = arith.constant 2 : i32
        %add3A_1035 = arith.addi %mul3A_824, %add3A_1034 : i32
        %get3A_1036 = arith.index_cast %add3A_1035 : i32 to index
        %get3A_1037 = arith.constant 48 : index
        %get3A_1038 = tpu.vector_load %arg10[%get3A_1036, %get3A_1037] {strides = array<i32>} : memref<128x128xf32, #tpu.memory_space<vmem>>, vector<16xf32>,
        %mul3A_1039 = arith.mulf %get3A_1038, %get3A_666 : vector<16xf32>
        %swap3A_1040 = arith.constant 0 : i32
        %swap3A_1041 = arith.index_cast %scan3A_822 : i32 to index
        %swap3A_1042 = arith.index_cast %swap3A_1040 : i32 to index
        %swap3A_1043 = arith.constant 304 : index
        %swap3A_1044 = tpu.vector_load %arg12[%swap3A_1041, %swap3A_1042, %swap3A_1043] {strides = array<i32>} : memref<32x1x512xf32, #tpu.memory_space<vmem>>, vector<16xf32>,
        tpu.vector_store %arg12[%swap3A_1041, %swap3A_1042, %swap3A_1043], %mul3A_1039 {strides = array<i32>} : memref<32x1x512xf32, #tpu.memory_space<vmem>>, vector<16xf32>,
        %add3A_1045 = arith.constant 2 : i32
        %add3A_1046 = arith.addi %mul3A_824, %add3A_1045 : i32
        %get3A_1047 = arith.index_cast %add3A_1046 : i32 to index
        %get3A_1048 = arith.constant 64 : index
        %get3A_1049 = tpu.vector_load %arg10[%get3A_1047, %get3A_1048] {strides = array<i32>} : memref<128x128xf32, #tpu.memory_space<vmem>>, vector<16xf32>,
        %mul3A_1050 = arith.mulf %get3A_1049, %get3A_670 : vector<16xf32>
        %swap3A_1051 = arith.constant 0 : i32
        %swap3A_1052 = arith.index_cast %scan3A_822 : i32 to index
        %swap3A_1053 = arith.index_cast %swap3A_1051 : i32 to index
        %swap3A_1054 = arith.constant 320 : index
        %swap3A_1055 = tpu.vector_load %arg12[%swap3A_1052, %swap3A_1053, %swap3A_1054] {strides = array<i32>} : memref<32x1x512xf32, #tpu.memory_space<vmem>>, vector<16xf32>,
        tpu.vector_store %arg12[%swap3A_1052, %swap3A_1053, %swap3A_1054], %mul3A_1050 {strides = array<i32>} : memref<32x1x512xf32, #tpu.memory_space<vmem>>, vector<16xf32>,
        %add3A_1056 = arith.constant 2 : i32
        %add3A_1057 = arith.addi %mul3A_824, %add3A_1056 : i32
        %get3A_1058 = arith.index_cast %add3A_1057 : i32 to index
        %get3A_1059 = arith.constant 80 : index
        %get3A_1060 = tpu.vector_load %arg10[%get3A_1058, %get3A_1059] {strides = array<i32>} : memref<128x128xf32, #tpu.memory_space<vmem>>, vector<16xf32>,
        %mul3A_1061 = arith.mulf %get3A_1060, %get3A_674 : vector<16xf32>
        %swap3A_1062 = arith.constant 0 : i32
        %swap3A_1063 = arith.index_cast %scan3A_822 : i32 to index
        %swap3A_1064 = arith.index_cast %swap3A_1062 : i32 to index
        %swap3A_1065 = arith.constant 336 : index
        %swap3A_1066 = tpu.vector_load %arg12[%swap3A_1063, %swap3A_1064, %swap3A_1065] {strides = array<i32>} : memref<32x1x512xf32, #tpu.memory_space<vmem>>, vector<16xf32>,
        tpu.vector_store %arg12[%swap3A_1063, %swap3A_1064, %swap3A_1065], %mul3A_1061 {strides = array<i32>} : memref<32x1x512xf32, #tpu.memory_space<vmem>>, vector<16xf32>,
        %add3A_1067 = arith.constant 2 : i32
        %add3A_1068 = arith.addi %mul3A_824, %add3A_1067 : i32
        %get3A_1069 = arith.index_cast %add3A_1068 : i32 to index
        %get3A_1070 = arith.constant 96 : index
        %get3A_1071 = tpu.vector_load %arg10[%get3A_1069, %get3A_1070] {strides = array<i32>} : memref<128x128xf32, #tpu.memory_space<vmem>>, vector<16xf32>,
        %mul3A_1072 = arith.mulf %get3A_1071, %get3A_678 : vector<16xf32>
        %swap3A_1073 = arith.constant 0 : i32
        %swap3A_1074 = arith.index_cast %scan3A_822 : i32 to index
        %swap3A_1075 = arith.index_cast %swap3A_1073 : i32 to index
        %swap3A_1076 = arith.constant 352 : index
        %swap3A_1077 = tpu.vector_load %arg12[%swap3A_1074, %swap3A_1075, %swap3A_1076] {strides = array<i32>} : memref<32x1x512xf32, #tpu.memory_space<vmem>>, vector<16xf32>,
        tpu.vector_store %arg12[%swap3A_1074, %swap3A_1075, %swap3A_1076], %mul3A_1072 {strides = array<i32>} : memref<32x1x512xf32, #tpu.memory_space<vmem>>, vector<16xf32>,
        %add3A_1078 = arith.constant 2 : i32
        %add3A_1079 = arith.addi %mul3A_824, %add3A_1078 : i32
        %get3A_1080 = arith.index_cast %add3A_1079 : i32 to index
        %get3A_1081 = arith.constant 112 : index
        %get3A_1082 = tpu.vector_load %arg10[%get3A_1080, %get3A_1081] {strides = array<i32>} : memref<128x128xf32, #tpu.memory_space<vmem>>, vector<16xf32>,
        %mul3A_1083 = arith.mulf %get3A_1082, %get3A_682 : vector<16xf32>
        %swap3A_1084 = arith.constant 0 : i32
        %swap3A_1085 = arith.index_cast %scan3A_822 : i32 to index
        %swap3A_1086 = arith.index_cast %swap3A_1084 : i32 to index
        %swap3A_1087 = arith.constant 368 : index
        %swap3A_1088 = tpu.vector_load %arg12[%swap3A_1085, %swap3A_1086, %swap3A_1087] {strides = array<i32>} : memref<32x1x512xf32, #tpu.memory_space<vmem>>, vector<16xf32>,
        tpu.vector_store %arg12[%swap3A_1085, %swap3A_1086, %swap3A_1087], %mul3A_1083 {strides = array<i32>} : memref<32x1x512xf32, #tpu.memory_space<vmem>>, vector<16xf32>,
        %add3A_1089 = arith.constant 3 : i32
        %add3A_1090 = arith.addi %mul3A_824, %add3A_1089 : i32
        %get3A_1091 = arith.index_cast %add3A_1090 : i32 to index
        %get3A_1092 = arith.constant 0 : index
        %get3A_1093 = tpu.vector_load %arg10[%get3A_1091, %get3A_1092] {strides = array<i32>} : memref<128x128xf32, #tpu.memory_space<vmem>>, vector<16xf32>,
        %mul3A_1094 = arith.mulf %get3A_1093, %get3A_686 : vector<16xf32>
        %swap3A_1095 = arith.constant 0 : i32
        %swap3A_1096 = arith.index_cast %scan3A_822 : i32 to index
        %swap3A_1097 = arith.index_cast %swap3A_1095 : i32 to index
        %swap3A_1098 = arith.constant 384 : index
        %swap3A_1099 = tpu.vector_load %arg12[%swap3A_1096, %swap3A_1097, %swap3A_1098] {strides = array<i32>} : memref<32x1x512xf32, #tpu.memory_space<vmem>>, vector<16xf32>,
        tpu.vector_store %arg12[%swap3A_1096, %swap3A_1097, %swap3A_1098], %mul3A_1094 {strides = array<i32>} : memref<32x1x512xf32, #tpu.memory_space<vmem>>, vector<16xf32>,
        %add3A_1100 = arith.constant 3 : i32
        %add3A_1101 = arith.addi %mul3A_824, %add3A_1100 : i32
        %get3A_1102 = arith.index_cast %add3A_1101 : i32 to index
        %get3A_1103 = arith.constant 16 : index
        %get3A_1104 = tpu.vector_load %arg10[%get3A_1102, %get3A_1103] {strides = array<i32>} : memref<128x128xf32, #tpu.memory_space<vmem>>, vector<16xf32>,
        %mul3A_1105 = arith.mulf %get3A_1104, %get3A_690 : vector<16xf32>
        %swap3A_1106 = arith.constant 0 : i32
        %swap3A_1107 = arith.index_cast %scan3A_822 : i32 to index
        %swap3A_1108 = arith.index_cast %swap3A_1106 : i32 to index
        %swap3A_1109 = arith.constant 400 : index
        %swap3A_1110 = tpu.vector_load %arg12[%swap3A_1107, %swap3A_1108, %swap3A_1109] {strides = array<i32>} : memref<32x1x512xf32, #tpu.memory_space<vmem>>, vector<16xf32>,
        tpu.vector_store %arg12[%swap3A_1107, %swap3A_1108, %swap3A_1109], %mul3A_1105 {strides = array<i32>} : memref<32x1x512xf32, #tpu.memory_space<vmem>>, vector<16xf32>,
        %add3A_1111 = arith.constant 3 : i32
        %add3A_1112 = arith.addi %mul3A_824, %add3A_1111 : i32
        %get3A_1113 = arith.index_cast %add3A_1112 : i32 to index
        %get3A_1114 = arith.constant 32 : index
        %get3A_1115 = tpu.vector_load %arg10[%get3A_1113, %get3A_1114] {strides = array<i32>} : memref<128x128xf32, #tpu.memory_space<vmem>>, vector<16xf32>,
        %mul3A_1116 = arith.mulf %get3A_1115, %get3A_694 : vector<16xf32>
        %swap3A_1117 = arith.constant 0 : i32
        %swap3A_1118 = arith.index_cast %scan3A_822 : i32 to index
        %swap3A_1119 = arith.index_cast %swap3A_1117 : i32 to index
        %swap3A_1120 = arith.constant 416 : index
        %swap3A_1121 = tpu.vector_load %arg12[%swap3A_1118, %swap3A_1119, %swap3A_1120] {strides = array<i32>} : memref<32x1x512xf32, #tpu.memory_space<vmem>>, vector<16xf32>,
        tpu.vector_store %arg12[%swap3A_1118, %swap3A_1119, %swap3A_1120], %mul3A_1116 {strides = array<i32>} : memref<32x1x512xf32, #tpu.memory_space<vmem>>, vector<16xf32>,
        %add3A_1122 = arith.constant 3 : i32
        %add3A_1123 = arith.addi %mul3A_824, %add3A_1122 : i32
        %get3A_1124 = arith.index_cast %add3A_1123 : i32 to index
        %get3A_1125 = arith.constant 48 : index
        %get3A_1126 = tpu.vector_load %arg10[%get3A_1124, %get3A_1125] {strides = array<i32>} : memref<128x128xf32, #tpu.memory_space<vmem>>, vector<16xf32>,
        %mul3A_1127 = arith.mulf %get3A_1126, %get3A_698 : vector<16xf32>
        %swap3A_1128 = arith.constant 0 : i32
        %swap3A_1129 = arith.index_cast %scan3A_822 : i32 to index
        %swap3A_1130 = arith.index_cast %swap3A_1128 : i32 to index
        %swap3A_1131 = arith.constant 432 : index
        %swap3A_1132 = tpu.vector_load %arg12[%swap3A_1129, %swap3A_1130, %swap3A_1131] {strides = array<i32>} : memref<32x1x512xf32, #tpu.memory_space<vmem>>, vector<16xf32>,
        tpu.vector_store %arg12[%swap3A_1129, %swap3A_1130, %swap3A_1131], %mul3A_1127 {strides = array<i32>} : memref<32x1x512xf32, #tpu.memory_space<vmem>>, vector<16xf32>,
        %add3A_1133 = arith.constant 3 : i32
        %add3A_1134 = arith.addi %mul3A_824, %add3A_1133 : i32
        %get3A_1135 = arith.index_cast %add3A_1134 : i32 to index
        %get3A_1136 = arith.constant 64 : index
        %get3A_1137 = tpu.vector_load %arg10[%get3A_1135, %get3A_1136] {strides = array<i32>} : memref<128x128xf32, #tpu.memory_space<vmem>>, vector<16xf32>,
        %mul3A_1138 = arith.mulf %get3A_1137, %get3A_702 : vector<16xf32>
        %swap3A_1139 = arith.constant 0 : i32
        %swap3A_1140 = arith.index_cast %scan3A_822 : i32 to index
        %swap3A_1141 = arith.index_cast %swap3A_1139 : i32 to index
        %swap3A_1142 = arith.constant 448 : index
        %swap3A_1143 = tpu.vector_load %arg12[%swap3A_1140, %swap3A_1141, %swap3A_1142] {strides = array<i32>} : memref<32x1x512xf32, #tpu.memory_space<vmem>>, vector<16xf32>,
        tpu.vector_store %arg12[%swap3A_1140, %swap3A_1141, %swap3A_1142], %mul3A_1138 {strides = array<i32>} : memref<32x1x512xf32, #tpu.memory_space<vmem>>, vector<16xf32>,
        %add3A_1144 = arith.constant 3 : i32
        %add3A_1145 = arith.addi %mul3A_824, %add3A_1144 : i32
        %get3A_1146 = arith.index_cast %add3A_1145 : i32 to index
        %get3A_1147 = arith.constant 80 : index
        %get3A_1148 = tpu.vector_load %arg10[%get3A_1146, %get3A_1147] {strides = array<i32>} : memref<128x128xf32, #tpu.memory_space<vmem>>, vector<16xf32>,
        %mul3A_1149 = arith.mulf %get3A_1148, %get3A_706 : vector<16xf32>
        %swap3A_1150 = arith.constant 0 : i32
        %swap3A_1151 = arith.index_cast %scan3A_822 : i32 to index
        %swap3A_1152 = arith.index_cast %swap3A_1150 : i32 to index
        %swap3A_1153 = arith.constant 464 : index
        %swap3A_1154 = tpu.vector_load %arg12[%swap3A_1151, %swap3A_1152, %swap3A_1153] {strides = array<i32>} : memref<32x1x512xf32, #tpu.memory_space<vmem>>, vector<16xf32>,
        tpu.vector_store %arg12[%swap3A_1151, %swap3A_1152, %swap3A_1153], %mul3A_1149 {strides = array<i32>} : memref<32x1x512xf32, #tpu.memory_space<vmem>>, vector<16xf32>,
        %add3A_1155 = arith.constant 3 : i32
        %add3A_1156 = arith.addi %mul3A_824, %add3A_1155 : i32
        %get3A_1157 = arith.index_cast %add3A_1156 : i32 to index
        %get3A_1158 = arith.constant 96 : index
        %get3A_1159 = tpu.vector_load %arg10[%get3A_1157, %get3A_1158] {strides = array<i32>} : memref<128x128xf32, #tpu.memory_space<vmem>>, vector<16xf32>,
        %mul3A_1160 = arith.mulf %get3A_1159, %get3A_710 : vector<16xf32>
        %swap3A_1161 = arith.constant 0 : i32
        %swap3A_1162 = arith.index_cast %scan3A_822 : i32 to index
        %swap3A_1163 = arith.index_cast %swap3A_1161 : i32 to index
        %swap3A_1164 = arith.constant 480 : index
        %swap3A_1165 = tpu.vector_load %arg12[%swap3A_1162, %swap3A_1163, %swap3A_1164] {strides = array<i32>} : memref<32x1x512xf32, #tpu.memory_space<vmem>>, vector<16xf32>,
        tpu.vector_store %arg12[%swap3A_1162, %swap3A_1163, %swap3A_1164], %mul3A_1160 {strides = array<i32>} : memref<32x1x512xf32, #tpu.memory_space<vmem>>, vector<16xf32>,
        %add3A_1166 = arith.constant 3 : i32
        %add3A_1167 = arith.addi %mul3A_824, %add3A_1166 : i32
        %get3A_1168 = arith.index_cast %add3A_1167 : i32 to index
        %get3A_1169 = arith.constant 112 : index
        %get3A_1170 = tpu.vector_load %arg10[%get3A_1168, %get3A_1169] {strides = array<i32>} : memref<128x128xf32, #tpu.memory_space<vmem>>, vector<16xf32>,
        %mul3A_1171 = arith.mulf %get3A_1170, %get3A_714 : vector<16xf32>
        %swap3A_1172 = arith.constant 0 : i32
        %swap3A_1173 = arith.index_cast %scan3A_822 : i32 to index
        %swap3A_1174 = arith.index_cast %swap3A_1172 : i32 to index
        %swap3A_1175 = arith.constant 496 : index
        %swap3A_1176 = tpu.vector_load %arg12[%swap3A_1173, %swap3A_1174, %swap3A_1175] {strides = array<i32>} : memref<32x1x512xf32, #tpu.memory_space<vmem>>, vector<16xf32>,
        tpu.vector_store %arg12[%swap3A_1173, %swap3A_1174, %swap3A_1175], %mul3A_1171 {strides = array<i32>} : memref<32x1x512xf32, #tpu.memory_space<vmem>>, vector<16xf32>,
      }
      %scan3A_807 = arith.constant 32 : i32
      %mul3A_808 = arith.constant 4 : i32
      %mul3A_809 = arith.muli %add3A_783, %mul3A_808 : i32
      %add3A_810 = arith.addi %mul3A_2, %mul3A_809 : i32
      %div3A_811 = arith.constant 128 : i32
      %div3A_812 = arith.divsi %add3A_810, %div3A_811 : i32
      %mul3A_813 = arith.constant 128 : i32
      %mul3A_814 = arith.muli %div3A_812, %mul3A_813 : i32
      %sub3A_815 = arith.subi %add3A_810, %mul3A_814 : i32
      %mul3A_816 = arith.constant 8 : i32
      %mul3A_817 = arith.muli %sub3A_815, %mul3A_816 : i32
      %dma_start3A_818 = arith.constant 0 : i32
      %dma_start3A_819 = tpu.memref_slice %arg5[%mul3A_817, %div3A_812, %dma_start3A_818] : memref<1024x50x512xf32, #tpu.memory_space<hbm>> -> memref<32x1x512xf32, #tpu.memory_space<hbm>>
      %dma_start3A_820 = arith.constant 0 : i32
      %dma_start3A_821 = tpu.memref_slice %arg5[%mul3A_817, %div3A_812, %dma_start3A_820] : memref<1024x50x512xf32, #tpu.memory_space<hbm>> -> memref<32x1x512xf32, #tpu.memory_space<hbm>>
      tpu.enqueue_dma source(%arg12 : memref<32x1x512xf32, #tpu.memory_space<vmem>>) target(%dma_start3A_821 : memref<32x1x512xf32, #tpu.memory_space<hbm>>) target_semaphore(%arg16 : memref<!tpu.dma_semaphore, #tpu.memory_space<semaphore_mem>>)
    }
    %scan3A_726 = arith.constant 25 : i32
    %dma_wait3A = arith.constant 0 : i32
    %dma_wait3A_727 = arith.constant 0 : i32
    %dma_wait3A_728 = arith.constant 0 : i32
    %dma_wait3A_729 = tpu.memref_slice %arg5[%dma_wait3A, %dma_wait3A_727, %dma_wait3A_728] : memref<1024x50x512xf32, #tpu.memory_space<hbm>> -> memref<32x1x512xf32, #tpu.memory_space<hbm>>
    %dma_wait3A_730 = arith.constant 0 : i32
    %dma_wait3A_731 = arith.constant 0 : i32
    %dma_wait3A_732 = arith.constant 0 : i32
    %dma_wait3A_733 = tpu.memref_slice %arg5[%dma_wait3A_730, %dma_wait3A_731, %dma_wait3A_732] : memref<1024x50x512xf32, #tpu.memory_space<hbm>> -> memref<32x1x512xf32, #tpu.memory_space<hbm>>
    tpu.wait_dma2 semaphore(%arg15 : memref<!tpu.dma_semaphore, #tpu.memory_space<semaphore_mem>>) src(%arg11 : memref<32x1x512xf32, #tpu.memory_space<vmem>>) dst(%dma_wait3A_733 : memref<32x1x512xf32, #tpu.memory_space<hbm>>)
    %dma_wait3A_734 = arith.constant 0 : i32
    %dma_wait3A_735 = arith.constant 0 : i32
    %dma_wait3A_736 = arith.constant 0 : i32
    %dma_wait3A_737 = tpu.memref_slice %arg5[%dma_wait3A_734, %dma_wait3A_735, %dma_wait3A_736] : memref<1024x50x512xf32, #tpu.memory_space<hbm>> -> memref<32x1x512xf32, #tpu.memory_space<hbm>>
    %dma_wait3A_738 = arith.constant 0 : i32
    %dma_wait3A_739 = arith.constant 0 : i32
    %dma_wait3A_740 = arith.constant 0 : i32
    %dma_wait3A_741 = tpu.memref_slice %arg5[%dma_wait3A_738, %dma_wait3A_739, %dma_wait3A_740] : memref<1024x50x512xf32, #tpu.memory_space<hbm>> -> memref<32x1x512xf32, #tpu.memory_space<hbm>>
    tpu.wait_dma2 semaphore(%arg16 : memref<!tpu.dma_semaphore, #tpu.memory_space<semaphore_mem>>) src(%arg12 : memref<32x1x512xf32, #tpu.memory_space<vmem>>) dst(%dma_wait3A_741 : memref<32x1x512xf32, #tpu.memory_space<hbm>>)
    return
  }
}

</mosaic_0001>

<sc_bundles>
// kernel: kernel.3.cloned.1.call-start
scs
__scs_entry_jumppad:
0x0: {  	(pc) =	sbr.rel $0x88, $3  }
0x1: {  	(tag) =	ssettag $0x0;
	lr =	simm.s32 $0x1  }
0x2: {  	[smem:$0x3F9D] =	sst lr;
	_ =	strace $0xD0000000  }
0x3: {  	_ = 	snop  }
0x4: {  	_ = 	snop  }
0x5: {  	_ = 	snop  }
0x6: {  	_ = 	snop  }
0x7: {  	_ = 	snop  }
__scs_overlays_trampoline_lowered:
0x8: {  	[smem:$0x3FAC] =	sst s0  }
0x9: {  	[smem:$0x3FAD] =	sst s1  }
0xa: {  	[smem:$0x3FAE] =	sst s2  }
0xb: {  	[smem:$0x3FAF] =	sst s3  }
0xc: {  	[smem:$0x3FB0] =	sst s4  }
0xd: {  	[smem:$0x3FB1] =	sst s5  }
0xe: {  	[smem:$0x3FB2] =	sst s6  }
0xf: {  	[smem:$0x3FB3] =	sst s7  }
0x10: {  	[smem:$0x3FB4] =	sst s8  }
0x11: {  	[smem:$0x3FB5] =	sst s9;
	s0 =	simm.s32 @!p0 $0x0  }
0x12: {  	s1 =	sld [smem:$0x3F9B];
	s0 =	simm.s32 @p0 $0x1  }
0x13: {  	[smem:$0x3FB6] =	sst s0;
	s0 =	simm.s32 @!p1 $0x0  }
0x14: {  	s2 =	sld [smem:$0x3F9A];
	s0 =	simm.s32 @p1 $0x1  }
0x15: {  	[smem:$0x3FB7] =	sst s0;
	s0 =	simm.s32 @!p2 $0x0  }
0x16: {  	s3 =	sld [smem:$0x3FDB];
	s0 =	simm.s32 @p2 $0x1  }
0x17: {  	s4 =	simm.s32 $0x1BF5;
	[smem:$0x3FB9] =	sst s0  }
0x18: {  	s0 =	sld [smem:$0x3F9C];
	_ =	swait.ge [sflag:s4], $0x0  }
0x19: {  	s7 =	sld [smem:$0x3F9D]  }
0x1a: {  	s8 =	sadd.s32 $0xFFFFE003, lr  }
0x1b: {  	s9 =	sadd.s32 $0xFFFFFEF7, lr;
	s5 =	simm.s32 $0xFFFFFFFF;
	p2 =	slt.u32 s8, $0xFFFFF086  }
0x1c: {  	p1 =	slt.u32 s9, $0xF7A;
	s5 =	simm.s32 @!p2 $0x0  }
0x1d: {  	s5 =	simm.s32 @p1 $0x1;
	p0 =	seq.s32 s7, s2  }
0x1e: {  	s7 =	smul.u32 @!p0 $0xF7A, s2;
	p2 =	seq.s32 @!p0 s5, $0x0  }
0x1f: {  	s9 =	smul.u32 $0xF7A, s1;
	s8 =	simm.s32 @!p0 $0x1BF5;
	p2 =	por !p2, p0  }
0x20: {  	[sflag:s8] =	ssyncset.s32 @!p0 $0xFFFFF086;
	s6 =	sadd.s32 @!p0 s3, s7;
	s7 =	simm.s32 @!p0 $0x108  }
0x21: {  	s3 =	sadd.s32 s3, s9;
	s6 =	sadd.s32 @!p0 $0x88, s6;
	s7 =	simm.s32 @p2 $0x1082  }
0x22: {  	[simem:s7], [sflag:s8] =	dma.local @!p0 [hbm:s6], $0xF7A  }
0x23: {  	s9 =	sor.u32 $0xD0000000, s2;
	s6 =	simm.s32 $0x108;
	_ =	swait.ge @!p0 [sflag:s8], $0x0  }
0x24: {  	s3 =	sadd.s32 $0x88, s3;
	s6 =	simm.s32 @!p1 $0x1082;
	[sflag:s4] =	ssyncset.s32 $0xFFFFF086  }
0x25: {  	[simem:s6], [sflag:s4] =	dma.local [hbm:s3], $0xF7A  }
0x26: {  	[smem:$0x3F9D] =	sst s1;
	(tag) =	ssettag s2;
	_ =	strace s9  }
0x27: {  	s1 =	sld [smem:$0x3FAD]  }
0x28: {  	s2 =	sld [smem:$0x3FAE]  }
0x29: {  	s4 =	sld [smem:$0x3FB0]  }
0x2a: {  	p0 =	seq.s32 s5, $0x0;
	s5 =	sld [smem:$0x3FB1]  }
0x2b: {  	s6 =	sld [smem:$0x3FB2]  }
0x2c: {  	s7 =	sld [smem:$0x3FB3]  }
0x2d: {  	s3 =	simm.s32 $0x108;
	s8 =	sld [smem:$0x3FB4]  }
0x2e: {  	s3 =	simm.s32 @!p0 $0x1082;
	s9 =	sld [smem:$0x3FB5]  }
0x2f: {  	lr =	sadd.s32 s0, s3;
	s0 =	sld [smem:$0x3FAC]  }
0x30: {  	s3 =	sld [smem:$0x3FAF]  }
0x31: {  	[smem:$0x3FB8] =	sst s10  }
0x32: {  	s10 =	sld [smem:$0x3FB6];
	_ =	sdelay $0x3  }
0x33: {  	p0 =	seq.s32 s10, $0x1;
	s10 =	sld [smem:$0x3FB8];
	_ =	sdelay $0x3  }
0x34: {  	[smem:$0x3FB8] =	sst s10  }
0x35: {  	s10 =	sld [smem:$0x3FB7];
	_ =	sdelay $0x3  }
0x36: {  	p1 =	seq.s32 s10, $0x1;
	s10 =	sld [smem:$0x3FB8];
	_ =	sdelay $0x3  }
0x37: {  	[smem:$0x3FB8] =	sst s10  }
0x38: {  	s10 =	sld [smem:$0x3FB9]  }
0x39: {  	_ = 	snop;
	(pc) =	sbr.ind lr, $3  }
0x3a: {  	_ = 	snop  }
0x3b: {  	_ = 	snop  }
0x3c: {  	p2 =	seq.s32 s10, $0x1;
	s10 =	sld [smem:$0x3FB8]  }
0x3d: {  	_ =	shalt  }
0x3e: {  	_ =	shalt  }
0x3f: {  	_ =	shalt  }
0x40: {  	_ =	shalt  }
0x41: {  	_ =	shalt  }
0x42: {  	_ =	shalt  }
0x43: {  	_ =	shalt  }
0x44: {  	_ =	shalt  }
0x45: {  	_ =	shalt  }
0x46: {  	_ =	shalt  }
0x47: {  	_ =	shalt  }
0x48: {  	_ =	shalt  }
0x49: {  	_ =	shalt  }
0x4a: {  	_ =	shalt  }
0x4b: {  	_ =	shalt  }
0x4c: {  	_ =	shalt  }
0x4d: {  	_ =	shalt  }
0x4e: {  	_ =	shalt  }
0x4f: {  	_ =	shalt  }
0x50: {  	_ =	shalt  }
0x51: {  	_ =	shalt  }
0x52: {  	_ =	shalt  }
0x53: {  	_ =	shalt  }
0x54: {  	_ =	shalt  }
0x55: {  	_ =	shalt  }
0x56: {  	_ =	shalt  }
0x57: {  	_ =	shalt  }
0x58: {  	_ =	shalt  }
0x59: {  	_ =	shalt  }
0x5a: {  	_ =	shalt  }
0x5b: {  	_ =	shalt  }
0x5c: {  	_ =	shalt  }
0x5d: {  	_ =	shalt  }
0x5e: {  	_ =	shalt  }
0x5f: {  	_ =	shalt  }
0x60: {  	_ =	shalt  }
0x61: {  	_ =	shalt  }
0x62: {  	_ =	shalt  }
0x63: {  	_ =	shalt  }
0x64: {  	_ =	shalt  }
0x65: {  	_ =	shalt  }
0x66: {  	_ =	shalt  }
0x67: {  	_ =	shalt  }
0x68: {  	_ =	shalt  }
0x69: {  	_ =	shalt  }
0x6a: {  	_ =	shalt  }
0x6b: {  	_ =	shalt  }
0x6c: {  	_ =	shalt  }
0x6d: {  	_ =	shalt  }
0x6e: {  	_ =	shalt  }
0x6f: {  	_ =	shalt  }
0x70: {  	_ =	shalt  }
0x71: {  	_ =	shalt  }
0x72: {  	_ =	shalt  }
0x73: {  	_ =	shalt  }
0x74: {  	_ =	shalt  }
0x75: {  	_ =	shalt  }
0x76: {  	_ =	shalt  }
0x77: {  	_ =	shalt  }
0x78: {  	_ =	shalt  }
0x79: {  	_ =	shalt  }
0x7a: {  	_ =	shalt  }
0x7b: {  	_ =	shalt  }
0x7c: {  	_ =	shalt  }
0x7d: {  	_ =	shalt  }
0x7e: {  	_ =	shalt  }
0x7f: {  	_ =	shalt  }
0x80: {  	_ =	shalt  }
0x81: {  	_ =	shalt  }
0x82: {  	_ =	shalt  }
0x83: {  	_ =	shalt  }
0x84: {  	_ =	shalt  }
0x85: {  	_ =	shalt  }
0x86: {  	_ =	shalt  }
0x87: {  	_ =	shalt  }
.Lfunc_end0:
.L_simem_size_0:
called_computation_lowered:
.L_overlay_start_0:
0x88: {  	s2 =	sld [smem:$0x3FD9]  }
0x89: {  	s3 =	sld [smem:$0x3FFE];
	_ =	sdelay $0x1  }
0x8a: {  	s1 =	srdreg.scid  }
0x8b: {  	s0 =	sand.u32 $0x1, s1  }
0x8c: {  	s17 =	sshll.u32 s0, $0xA;
	s2 =	sadd.s32 s3, s2  }
0x8d: {  	s2 =	sadd.s32 s2, s17  }
0x8e: {  	[smem:$0x3FC4] =	sst s2  }
0x8f: {  	_ = 	snop  }
0x90: {  	s2 =	sld [smem:$0x3FC7]  }
0x91: {  	s18 =	sld [smem:$0x3FC6]  }
0x92: {  	s4 =	sld [smem:$0x3FD0];
	(tm) =	ssettm $0x1  }
0x93: {  	s5 =	sld [smem:$0x3FFB];
	_ =	sdelay $0x3  }
0x94: {  	_ =	strace s5  }
0x95: {  	s5 =	sld [smem:$0x3FFC];
	_ =	sdelay $0x3  }
0x96: {  	_ =	strace s5  }
0x97: {  	s5 =	sld [smem:$0x3FFD];
	_ =	sdelay $0x3  }
0x98: {  	_ =	strace s5  }
0x99: {  	_ =	strace $0x8FFFFFFF  }
0x9a: {  	s19 =	sld [smem:$0x3FDB];
	_ =	sdelay $0x1  }
0x9b: {  	s6 =	simm.s32 $_scs_section_size  }
0x9c: {  	s7 =	simm.s32 $_size__tile_overlayer_lowered;
	s8 =	simm.s32 $_tile_overlayer_lowered  }
0x9d: {  	s22 =	simm.s32 $0x1BFF;
	s21 =	sshll.u32 s8, $0x1;
	s5 =	sadd.s32 s6, s19  }
0x9e: {  	s9 =	simm.s32 $0x0;
	s20 =	sshll.u32 s7, $0x1;
	s7 =	sadd.s32 s21, s5  }
0x9f: {  	[timem:s9], [sflag:s22] =	dma.local [hbm:s7], s20  }
0xa0: {  	_ =	swait.ge [sflag:s22], s20  }
0xa1: {  	s6 =	ssub.s32 $0x0, s20;
	[sflag:s22] =	ssyncset.done $0x0  }
0xa2: {  	[sflag:s22] =	ssyncadd.s32 s6;
	_ =	sdelay $0x1  }
0xa3: {  	s23 =	simm.s32 $0x1B8B  }
0xa4: {  	_ =	swait.ge [sflag:s23], $0x1  }
0xa5: {  	[sflag:s23] =	ssyncset.done $0x0  }
0xa6: {  	s25 =	simm.s32 $0x1B8E;
	s24 =	sld [smem:$0x3FFE];
	[sflag:s23] =	ssyncadd.s32 $0xFFFFFFFF  }
0xa7: {  	s26 =	simm.s32 $execute0_lowered;
	[smem:$0x3FD2] =	sst s25  }
0xa8: {  	s7 =	sshll.u32 s26, $0x1;
	_ =	strace $0x80000046;
	[dreg:$0x1] =	wrdreg $0xFFFFFFFF  }
0xa9: {  	s28 =	simm.s32 $_size_execute0_lowered;
	s5 =	sadd.s32 s5, s7;
	[dreg:$0x0] =	wrdreg $0x0  }
0xaa: {  	s7 =	sshll.u32 s28, $0x1;
	[dreg:$0x2] =	wrdreg s5  }
0xab: {  	[dreg:$0x3] =	wrdreg s7  }
0xac: {  	[dreg:$0x4] =	wrdreg $0xC0  }
0xad: {  	_ =	task [dreg:s9], $0x5FFFF  }
0xae: {  	[dreg:$0x1] =	wrdreg $0xFFFFFFFF  }
0xaf: {  	[dreg:$0x0] =	wrdreg $0x60  }
0xb0: {  	[dreg:$0x2] =	wrdreg s4  }
0xb1: {  	[dreg:$0x3] =	wrdreg s2  }
0xb2: {  	[dreg:$0x4] =	wrdreg s18  }
0xb3: {  	[dreg:$0x5] =	wrdreg s24  }
0xb4: {  	[dreg:$0x6] =	wrdreg $0x9  }
0xb5: {  	_ =	task.clear_ibuf [dreg:s9], $0x7FFFF;
	_ =	strace $0x90000046  }
0xb6: {  	s29 =	simm.s32 $0x9;
	_ =	strace $0x80000048  }
0xb7: {  	_ =	swait.ge [sflag:s29], $0x1  }
0xb8: {  	[sflag:s29] =	ssyncadd.s32 $0xFFFFFFFF  }
0xb9: {  	_ =	strace $0x90000048  }
0xba: {  	_ =	sfence  }
0xbb: {  	s30 =	sld [smem:$0x0];
	_ =	sdelay $0x2  }
0xbc: {  	s31 =	sshll.u32 s1, $0xD;
	s1 =	sshrl.u32 s1, $0x2  }
0xbd: {  	s3 =	sand.u32 $0x4000, s31;
	s1 =	sadd.s32 s1, s30  }
0xbe: {  	s0 =	sor.u32 s3, s0;
	s1 =	sshll.u32 s1, $0x11  }
0xbf: {  	s0 =	sor.u32 s1, s0  }
0xc0: {  	s0 =	sadd.s32 $0x8F2B, s0  }
0xc1: {  	[sflag:s0] =	ssyncadd.remote.s32 $0x1  }
0xc2: {  	_ =	sfence.sel $0xFFFF  }
0xc3: {  	[dreg:$0x0] =	wrdreg $0xFFFFFFFF;
	(pc) =	sbr.abs _section_cstart, $3  }
0xc4: {  	[dreg:$0x1] =	wrdreg $0xFFFFFFFF  }
0xc5: {  	_ =	task.clear_ibuf [dreg:s9], $0x2FFFF;
	_ =	strace $0x9FFFFFFF  }
0xc6: {  	(tm) =	ssettm $0x7FFFFFFF  }
0xc7: {  	_ =	shalt  }
tec
execute0_lowered:
.L_overlay_start_1:
0x0: {  	(tag) =	ssettag $0x1  }
0x1: {  	s0 =	srdreg.scid;
	s1 =	stileid.u32;
	v6 =	vlaneseq.u32;
	v5 =	vimm.s32 $0xECA86420  }
0x2: {  	vm0 =	vcmask $0xB08;
	vm1 =	vcmask $0x1310;
	vm2 =	vcmask $0x1B18;
	s0 =	sand.u32 $0x1, s0;
	s1 =	sshll.u32 s1, $0x1  }
0x3: {  	s30 =	rddreg [dreg:$0x0];
	vm3 =	vcmask $0x300;
	vm4 =	vcmask $0x2320;
	vm5 =	vcmask $0x2B28;
	s1 =	sor.u32 s0, s1  }
0x4: {  	s4 =	rddreg [dreg:$0x3];
	s6 =	simm.s32 $0x0;
	vm6 =	vcmask $0x3330;
	vm7 =	vcmask $0x3B38;
	vm8 =	vmmov $0xff;
	s5 =	smul.u32 $0xC8, s1  }
0x5: {  	vm9 =	vcmask $0x704;
	vm10 =	vcmask $0xF0C;
	vm11 =	vcmask $0x1714;
	[smem:$0x7FF] =	sst s6;
	s7 =	sadd.s32 $0x400, s4  }
0x6: {  	vm12 =	vcmask $0x1F1C;
	vm13 =	vcmask $0x2724;
	vm14 =	vcmask $0x2F2C;
	s0 =	ssub.s32 $0x2, s0;
	_ =	strace $0x80000047;
	s2 =	sshrl.u32 s5, $0x7  }
0x7: {  	vm15 =	vcmask $0x3734;
	v7 =	vimm.s32 $0x1;
	v2 =	vand.u32 $0x7, v6;
	[dreg:$0x6] =	wrdreg s7;
	s31 =	sshrl.u32 s0, $0x1;
	s2 =	sadd.s32 $0x2F, s2  }
0x8: {  	v9 =	vimm.s32 $0x2;
	v5 =	vunpack.c.l.s4.s8 v5;
	v4 =	vmul.u32 $0x4, v2;
	s0 =	ssub.s32 s0, s31;
	s3 =	sand.u32 $0x78, s2;
	s2 =	sshll.u32 s2, $0x7  }
0x9: {  	v11 =	vimm.s32 $0x3;
	v3 =	vshrl.u32 v6, $0x3;
	v6 =	vmul.u32 $0x2, v6;
	s0 =	smax.u32 s0, $0x1;
	[dreg:$0x5] =	wrdreg s5;
	s2 =	sand.u32 $0x1FFFFC00, s2  }
0xa: {  	s12 =	simm.s32 $0x80;
	v5 =	vunpack.c.0.s8.s32 v5;
	v8 =	vor.u32 $0x1, v4;
	v10 =	vor.u32 $0x2, v4;
	[dreg:$0x8] =	wrdreg s0;
	s1 =	sadd.s32 s30, s2  }
0xb: {  	s16 =	simm.s32 $0x400;
	v12 =	vor.u32 $0x3, v4;
	v0 =	vmov s5;
	v1 =	vmov s3;
	[dreg:$0x7] =	wrdreg s1;
	s1 =	simm.s32 $0x0  }
.LBB2_1:
0xc: {  	[dreg:$0x9] =	wrdreg s1  }
0xd: {  	s0 =	rddreg [dreg:$0x7];
	s30 =	simm.s32 $0x5  }
0xe: {  	[tilespmem:s6], [sflag:$0x5] =	stream.linear.gather [hbm4b:s0+s6], $0x4000, $0x38;
	[tilespmem:$0x15E00] =	vst v63  }
0xf: {  	_ =	swait.ge [sflag:s30], $0x4000  }
0x10: {  	[sflag:s30] =	ssyncset.done $0x0  }
0x11: {  	[sflag:s30] =	ssyncadd.s32 $0xFFFFC000  }
0x12: {  	s2 =	simm.s32 $0x4000;
	s31 =	rddreg [dreg:$0x2]  }
0x13: {  	[tilespmem:s2], [sflag:$0x5] =	stream.linear.gather [hbm4b:s31+s6], $0x200, $0x38;
	[tilespmem:$0x15E00] =	vst v63  }
0x14: {  	_ =	swait.ge [sflag:s30], $0x200  }
0x15: {  	[sflag:s30] =	ssyncset.done $0x0  }
0x16: {  	[sflag:s30] =	ssyncadd.s32 $0xFFFFFE00  }
0x17: {  	v13 =	vld [tilespmem:$0x4000];
	_ =	sdelay $0x4  }
0x18: {  	v13 =	vsub.f32 $0.0e+00, v13;
	_ =	sdelay $0x1  }
0x19: {  	v13 =	vmul.f32 $1.442695020e+00, v13;
	_ =	sdelay $0x1  }
0x1a: {  	(erf) = vpow2.f32 v13;
	_ =	sdelay $0x3  }
0x1b: {  	v13 =	vld [tilespmem:$0x4010];
	_ =	sdelay $0x4  }
0x1c: {  	v13 =	vsub.f32 $0.0e+00, v13;
	v14 =	vpop (erf)  }
0x1d: {  	v14 =	vadd.f32 $1.000000000e+00, v14  }
0x1e: {  	v13 =	vmul.f32 $1.442695020e+00, v13  }
0x1f: {  	(erf) = vrcp.f32 v14  }
0x20: {  	(erf) = vpow2.f32 v13;
	_ =	sdelay $0x3  }
0x21: {  	v14 =	vld [tilespmem:$0x4020];
	_ =	sdelay $0x3  }
0x22: {  	v13 =	vpop (erf)  }
0x23: {  	v14 =	vsub.f32 $0.0e+00, v14;
	v15 =	vpop (erf)  }
0x24: {  	v15 =	vadd.f32 $1.000000000e+00, v15  }
0x25: {  	v14 =	vmul.f32 $1.442695020e+00, v14  }
0x26: {  	(erf) = vrcp.f32 v15  }
0x27: {  	(erf) = vpow2.f32 v14;
	_ =	sdelay $0x3  }
0x28: {  	v15 =	vld [tilespmem:$0x4030];
	_ =	sdelay $0x3  }
0x29: {  	v14 =	vpop (erf)  }
0x2a: {  	v15 =	vsub.f32 $0.0e+00, v15;
	v16 =	vpop (erf)  }
0x2b: {  	v16 =	vadd.f32 $1.000000000e+00, v16  }
0x2c: {  	v15 =	vmul.f32 $1.442695020e+00, v15  }
0x2d: {  	(erf) = vrcp.f32 v16  }
0x2e: {  	(erf) = vpow2.f32 v15;
	_ =	sdelay $0x3  }
0x2f: {  	v34 =	vld [tilespmem:$0x4040];
	_ =	sdelay $0x3  }
0x30: {  	v15 =	vpop (erf)  }
0x31: {  	v16 =	vsub.f32 $0.0e+00, v34;
	v17 =	vpop (erf)  }
0x32: {  	v17 =	vadd.f32 $1.000000000e+00, v17  }
0x33: {  	v16 =	vmul.f32 $1.442695020e+00, v16  }
0x34: {  	(erf) = vrcp.f32 v17  }
0x35: {  	(erf) = vpow2.f32 v16;
	_ =	sdelay $0x3  }
0x36: {  	v35 =	vld [tilespmem:$0x4050];
	_ =	sdelay $0x3  }
0x37: {  	v16 =	vpop (erf)  }
0x38: {  	v17 =	vsub.f32 $0.0e+00, v35;
	v18 =	vpop (erf)  }
0x39: {  	v18 =	vadd.f32 $1.000000000e+00, v18  }
0x3a: {  	v17 =	vmul.f32 $1.442695020e+00, v17  }
0x3b: {  	(erf) = vrcp.f32 v18  }
0x3c: {  	(erf) = vpow2.f32 v17;
	_ =	sdelay $0x3  }
0x3d: {  	v36 =	vld [tilespmem:$0x4060];
	_ =	sdelay $0x3  }
0x3e: {  	v17 =	vpop (erf)  }
0x3f: {  	v18 =	vsub.f32 $0.0e+00, v36;
	v19 =	vpop (erf)  }
0x40: {  	v19 =	vadd.f32 $1.000000000e+00, v19  }
0x41: {  	v18 =	vmul.f32 $1.442695020e+00, v18  }
0x42: {  	(erf) = vrcp.f32 v19  }
0x43: {  	(erf) = vpow2.f32 v18;
	_ =	sdelay $0x3  }
0x44: {  	v37 =	vld [tilespmem:$0x4070];
	_ =	sdelay $0x3  }
0x45: {  	v18 =	vpop (erf)  }
0x46: {  	v19 =	vsub.f32 $0.0e+00, v37;
	v20 =	vpop (erf)  }
0x47: {  	v20 =	vadd.f32 $1.000000000e+00, v20  }
0x48: {  	v19 =	vmul.f32 $1.442695020e+00, v19  }
0x49: {  	(erf) = vrcp.f32 v20  }
0x4a: {  	(erf) = vpow2.f32 v19;
	_ =	sdelay $0x3  }
0x4b: {  	v38 =	vld [tilespmem:$0x4080];
	_ =	sdelay $0x3  }
0x4c: {  	v19 =	vpop (erf)  }
0x4d: {  	v20 =	vsub.f32 $0.0e+00, v38;
	v21 =	vpop (erf)  }
0x4e: {  	v21 =	vadd.f32 $1.000000000e+00, v21  }
0x4f: {  	v20 =	vmul.f32 $1.442695020e+00, v20  }
0x50: {  	(erf) = vrcp.f32 v21  }
0x51: {  	(erf) = vpow2.f32 v20;
	_ =	sdelay $0x3  }
0x52: {  	v39 =	vld [tilespmem:$0x4090];
	_ =	sdelay $0x3  }
0x53: {  	v20 =	vpop (erf)  }
0x54: {  	v21 =	vsub.f32 $0.0e+00, v39;
	v22 =	vpop (erf)  }
0x55: {  	v22 =	vadd.f32 $1.000000000e+00, v22  }
0x56: {  	v21 =	vmul.f32 $1.442695020e+00, v21  }
0x57: {  	(erf) = vrcp.f32 v22  }
0x58: {  	(erf) = vpow2.f32 v21;
	_ =	sdelay $0x3  }
0x59: {  	v40 =	vld [tilespmem:$0x40A0];
	_ =	sdelay $0x3  }
0x5a: {  	v21 =	vpop (erf)  }
0x5b: {  	v22 =	vsub.f32 $0.0e+00, v40;
	v23 =	vpop (erf)  }
0x5c: {  	v23 =	vadd.f32 $1.000000000e+00, v23  }
0x5d: {  	v22 =	vmul.f32 $1.442695020e+00, v22  }
0x5e: {  	(erf) = vrcp.f32 v23  }
0x5f: {  	(erf) = vpow2.f32 v22;
	_ =	sdelay $0x3  }
0x60: {  	v41 =	vld [tilespmem:$0x40B0];
	_ =	sdelay $0x3  }
0x61: {  	v22 =	vpop (erf)  }
0x62: {  	v23 =	vsub.f32 $0.0e+00, v41;
	v24 =	vpop (erf)  }
0x63: {  	v24 =	vadd.f32 $1.000000000e+00, v24  }
0x64: {  	v23 =	vmul.f32 $1.442695020e+00, v23  }
0x65: {  	(erf) = vrcp.f32 v24  }
0x66: {  	(erf) = vpow2.f32 v23;
	_ =	sdelay $0x3  }
0x67: {  	v42 =	vld [tilespmem:$0x40C0];
	_ =	sdelay $0x3  }
0x68: {  	v23 =	vpop (erf)  }
0x69: {  	v24 =	vsub.f32 $0.0e+00, v42;
	v25 =	vpop (erf)  }
0x6a: {  	v25 =	vadd.f32 $1.000000000e+00, v25  }
0x6b: {  	v24 =	vmul.f32 $1.442695020e+00, v24  }
0x6c: {  	(erf) = vrcp.f32 v25  }
0x6d: {  	(erf) = vpow2.f32 v24;
	_ =	sdelay $0x3  }
0x6e: {  	v43 =	vld [tilespmem:$0x40D0];
	_ =	sdelay $0x3  }
0x6f: {  	v24 =	vpop (erf)  }
0x70: {  	v25 =	vsub.f32 $0.0e+00, v43;
	v26 =	vpop (erf)  }
0x71: {  	v26 =	vadd.f32 $1.000000000e+00, v26  }
0x72: {  	v25 =	vmul.f32 $1.442695020e+00, v25  }
0x73: {  	(erf) = vrcp.f32 v26  }
0x74: {  	(erf) = vpow2.f32 v25;
	_ =	sdelay $0x3  }
0x75: {  	v44 =	vld [tilespmem:$0x40E0];
	_ =	sdelay $0x3  }
0x76: {  	v25 =	vpop (erf)  }
0x77: {  	v26 =	vsub.f32 $0.0e+00, v44;
	v27 =	vpop (erf)  }
0x78: {  	v27 =	vadd.f32 $1.000000000e+00, v27  }
0x79: {  	v26 =	vmul.f32 $1.442695020e+00, v26  }
0x7a: {  	(erf) = vrcp.f32 v27  }
0x7b: {  	(erf) = vpow2.f32 v26;
	_ =	sdelay $0x3  }
0x7c: {  	v45 =	vld [tilespmem:$0x40F0];
	_ =	sdelay $0x3  }
0x7d: {  	v46 =	vpop (erf)  }
0x7e: {  	v27 =	vsub.f32 $0.0e+00, v45;
	v28 =	vpop (erf)  }
0x7f: {  	v28 =	vadd.f32 $1.000000000e+00, v28  }
0x80: {  	v27 =	vmul.f32 $1.442695020e+00, v27  }
0x81: {  	(erf) = vrcp.f32 v28  }
0x82: {  	(erf) = vpow2.f32 v27;
	_ =	sdelay $0x3  }
0x83: {  	v47 =	vld [tilespmem:$0x4100];
	_ =	sdelay $0x3  }
0x84: {  	v48 =	vpop (erf)  }
0x85: {  	v28 =	vsub.f32 $0.0e+00, v47;
	v29 =	vpop (erf)  }
0x86: {  	v29 =	vadd.f32 $1.000000000e+00, v29  }
0x87: {  	v28 =	vmul.f32 $1.442695020e+00, v28  }
0x88: {  	(erf) = vrcp.f32 v29  }
0x89: {  	(erf) = vpow2.f32 v28;
	_ =	sdelay $0x3  }
0x8a: {  	v49 =	vld [tilespmem:$0x4110];
	_ =	sdelay $0x3  }
0x8b: {  	v50 =	vpop (erf)  }
0x8c: {  	v29 =	vsub.f32 $0.0e+00, v49;
	v30 =	vpop (erf)  }
0x8d: {  	v30 =	vadd.f32 $1.000000000e+00, v30  }
0x8e: {  	v29 =	vmul.f32 $1.442695020e+00, v29  }
0x8f: {  	(erf) = vrcp.f32 v30  }
0x90: {  	(erf) = vpow2.f32 v29;
	_ =	sdelay $0x3  }
0x91: {  	v51 =	vld [tilespmem:$0x4120];
	_ =	sdelay $0x3  }
0x92: {  	v30 =	vpop (erf)  }
0x93: {  	v29 =	vsub.f32 $0.0e+00, v51;
	v31 =	vpop (erf)  }
0x94: {  	v31 =	vadd.f32 $1.000000000e+00, v31  }
0x95: {  	v29 =	vmul.f32 $1.442695020e+00, v29  }
0x96: {  	(erf) = vrcp.f32 v31  }
0x97: {  	(erf) = vpow2.f32 v29;
	_ =	sdelay $0x3  }
0x98: {  	v52 =	vld [tilespmem:$0x4130];
	_ =	sdelay $0x3  }
0x99: {  	v31 =	vpop (erf)  }
0x9a: {  	v29 =	vsub.f32 $0.0e+00, v52;
	v32 =	vpop (erf)  }
0x9b: {  	v32 =	vadd.f32 $1.000000000e+00, v32  }
0x9c: {  	v29 =	vmul.f32 $1.442695020e+00, v29  }
0x9d: {  	(erf) = vrcp.f32 v32  }
0x9e: {  	(erf) = vpow2.f32 v29;
	_ =	sdelay $0x3  }
0x9f: {  	v53 =	vld [tilespmem:$0x4140];
	_ =	sdelay $0x3  }
0xa0: {  	v32 =	vpop (erf)  }
0xa1: {  	v29 =	vsub.f32 $0.0e+00, v53;
	v33 =	vpop (erf)  }
0xa2: {  	v33 =	vadd.f32 $1.000000000e+00, v33  }
0xa3: {  	v29 =	vmul.f32 $1.442695020e+00, v29  }
0xa4: {  	(erf) = vrcp.f32 v33  }
0xa5: {  	(erf) = vpow2.f32 v29;
	_ =	sdelay $0x3  }
0xa6: {  	v54 =	vld [tilespmem:$0x4150];
	_ =	sdelay $0x3  }
0xa7: {  	v33 =	vpop (erf)  }
0xa8: {  	v29 =	vsub.f32 $0.0e+00, v54;
	v34 =	vpop (erf)  }
0xa9: {  	v34 =	vadd.f32 $1.000000000e+00, v34  }
0xaa: {  	v29 =	vmul.f32 $1.442695020e+00, v29  }
0xab: {  	(erf) = vrcp.f32 v34  }
0xac: {  	(erf) = vpow2.f32 v29;
	_ =	sdelay $0x3  }
0xad: {  	v55 =	vld [tilespmem:$0x4160];
	_ =	sdelay $0x3  }
0xae: {  	v34 =	vpop (erf)  }
0xaf: {  	v29 =	vsub.f32 $0.0e+00, v55;
	v35 =	vpop (erf)  }
0xb0: {  	v35 =	vadd.f32 $1.000000000e+00, v35  }
0xb1: {  	v29 =	vmul.f32 $1.442695020e+00, v29  }
0xb2: {  	(erf) = vrcp.f32 v35  }
0xb3: {  	(erf) = vpow2.f32 v29;
	_ =	sdelay $0x3  }
0xb4: {  	v56 =	vld [tilespmem:$0x4170];
	_ =	sdelay $0x3  }
0xb5: {  	v35 =	vpop (erf)  }
0xb6: {  	v29 =	vsub.f32 $0.0e+00, v56;
	v36 =	vpop (erf)  }
0xb7: {  	v36 =	vadd.f32 $1.000000000e+00, v36  }
0xb8: {  	v29 =	vmul.f32 $1.442695020e+00, v29  }
0xb9: {  	(erf) = vrcp.f32 v36  }
0xba: {  	(erf) = vpow2.f32 v29;
	_ =	sdelay $0x3  }
0xbb: {  	v57 =	vld [tilespmem:$0x4180];
	_ =	sdelay $0x3  }
0xbc: {  	v36 =	vpop (erf)  }
0xbd: {  	v29 =	vsub.f32 $0.0e+00, v57;
	v37 =	vpop (erf)  }
0xbe: {  	v37 =	vadd.f32 $1.000000000e+00, v37  }
0xbf: {  	v29 =	vmul.f32 $1.442695020e+00, v29  }
0xc0: {  	(erf) = vrcp.f32 v37  }
0xc1: {  	(erf) = vpow2.f32 v29;
	_ =	sdelay $0x3  }
0xc2: {  	v58 =	vld [tilespmem:$0x4190];
	_ =	sdelay $0x3  }
0xc3: {  	v37 =	vpop (erf)  }
0xc4: {  	v29 =	vsub.f32 $0.0e+00, v58;
	v38 =	vpop (erf)  }
0xc5: {  	v38 =	vadd.f32 $1.000000000e+00, v38  }
0xc6: {  	v29 =	vmul.f32 $1.442695020e+00, v29  }
0xc7: {  	(erf) = vrcp.f32 v38  }
0xc8: {  	(erf) = vpow2.f32 v29;
	_ =	sdelay $0x3  }
0xc9: {  	v59 =	vld [tilespmem:$0x41A0];
	_ =	sdelay $0x3  }
0xca: {  	v38 =	vpop (erf)  }
0xcb: {  	v29 =	vsub.f32 $0.0e+00, v59;
	v39 =	vpop (erf)  }
0xcc: {  	v39 =	vadd.f32 $1.000000000e+00, v39  }
0xcd: {  	v29 =	vmul.f32 $1.442695020e+00, v29  }
0xce: {  	(erf) = vrcp.f32 v39  }
0xcf: {  	(erf) = vpow2.f32 v29;
	_ =	sdelay $0x3  }
0xd0: {  	v60 =	vld [tilespmem:$0x41B0];
	_ =	sdelay $0x3  }
0xd1: {  	v39 =	vpop (erf)  }
0xd2: {  	v29 =	vsub.f32 $0.0e+00, v60;
	v40 =	vpop (erf)  }
0xd3: {  	v40 =	vadd.f32 $1.000000000e+00, v40  }
0xd4: {  	v29 =	vmul.f32 $1.442695020e+00, v29  }
0xd5: {  	(erf) = vrcp.f32 v40  }
0xd6: {  	(erf) = vpow2.f32 v29;
	_ =	sdelay $0x3  }
0xd7: {  	v61 =	vld [tilespmem:$0x41C0];
	_ =	sdelay $0x3  }
0xd8: {  	v40 =	vpop (erf)  }
0xd9: {  	v29 =	vsub.f32 $0.0e+00, v61;
	v41 =	vpop (erf)  }
0xda: {  	v41 =	vadd.f32 $1.000000000e+00, v41  }
0xdb: {  	v29 =	vmul.f32 $1.442695020e+00, v29  }
0xdc: {  	(erf) = vrcp.f32 v41  }
0xdd: {  	(erf) = vpow2.f32 v29;
	_ =	sdelay $0x3  }
0xde: {  	v62 =	vld [tilespmem:$0x41D0];
	_ =	sdelay $0x3  }
0xdf: {  	v41 =	vpop (erf)  }
0xe0: {  	v29 =	vsub.f32 $0.0e+00, v62;
	v42 =	vpop (erf)  }
0xe1: {  	v42 =	vadd.f32 $1.000000000e+00, v42  }
0xe2: {  	v29 =	vmul.f32 $1.442695020e+00, v29  }
0xe3: {  	(erf) = vrcp.f32 v42  }
0xe4: {  	(erf) = vpow2.f32 v29;
	_ =	sdelay $0x3  }
0xe5: {  	v63 =	vld [tilespmem:$0x41E0];
	_ =	sdelay $0x3  }
0xe6: {  	v42 =	vpop (erf)  }
0xe7: {  	v29 =	vsub.f32 $0.0e+00, v63;
	v43 =	vpop (erf)  }
0xe8: {  	v43 =	vadd.f32 $1.000000000e+00, v43  }
0xe9: {  	v29 =	vmul.f32 $1.442695020e+00, v29  }
0xea: {  	(erf) = vrcp.f32 v43  }
0xeb: {  	(erf) = vpow2.f32 v29;
	_ =	sdelay $0x3  }
0xec: {  	[tilespmem:$0x4000] =	vst v13;
	v13 =	vld [tilespmem:$0x41F0]  }
0xed: {  	[tilespmem:$0x4010] =	vst v14  }
0xee: {  	[tilespmem:$0x4020] =	vst v15  }
0xef: {  	[tilespmem:$0x4030] =	vst v16  }
0xf0: {  	[tilespmem:$0x4040] =	vst v17;
	v14 =	vpop (erf)  }
0xf1: {  	v13 =	vsub.f32 $0.0e+00, v13;
	[tilespmem:$0x4050] =	vst v18;
	v15 =	vpop (erf)  }
0xf2: {  	[tilespmem:$0x4060] =	vst v19;
	v15 =	vadd.f32 $1.000000000e+00, v15  }
0xf3: {  	v13 =	vmul.f32 $1.442695020e+00, v13;
	[tilespmem:$0x4070] =	vst v20  }
0xf4: {  	[tilespmem:$0x4080] =	vst v21;
	(erf) = vrcp.f32 v15  }
0xf5: {  	[tilespmem:$0x4090] =	vst v22;
	(erf) = vpow2.f32 v13  }
0xf6: {  	[tilespmem:$0x40A0] =	vst v23  }
0xf7: {  	[tilespmem:$0x40B0] =	vst v24  }
0xf8: {  	[tilespmem:$0x40C0] =	vst v25  }
0xf9: {  	[tilespmem:$0x40D0] =	vst v46  }
0xfa: {  	[tilespmem:$0x40E0] =	vst v48  }
0xfb: {  	[tilespmem:$0x40F0] =	vst v50  }
0xfc: {  	[tilespmem:$0x4100] =	vst v30  }
0xfd: {  	[tilespmem:$0x4110] =	vst v31;
	v13 =	vpop (erf)  }
0xfe: {  	[tilespmem:$0x4120] =	vst v32;
	v15 =	vpop (erf)  }
0xff: {  	[tilespmem:$0x4130] =	vst v33;
	v15 =	vadd.f32 $1.000000000e+00, v15  }
0x100: {  	[tilespmem:$0x4140] =	vst v34  }
0x101: {  	[tilespmem:$0x4150] =	vst v35;
	(erf) = vrcp.f32 v15  }
0x102: {  	[tilespmem:$0x4160] =	vst v36  }
0x103: {  	[tilespmem:$0x4170] =	vst v37  }
0x104: {  	[tilespmem:$0x4180] =	vst v38  }
0x105: {  	[tilespmem:$0x4190] =	vst v39  }
0x106: {  	[tilespmem:$0x41A0] =	vst v40  }
0x107: {  	[tilespmem:$0x41B0] =	vst v41  }
0x108: {  	[tilespmem:$0x41C0] =	vst v42  }
0x109: {  	[tilespmem:$0x41D0] =	vst v14  }
0x10a: {  	[tilespmem:$0x41E0] =	vst v13;
	v13 =	vpop (erf)  }
0x10b: {  	s0 =	simm.s32 $0x0;
	[tilespmem:$0x41F0] =	vst v13  }
.LBB2_2:
0x10c: {  	v13 =	vor.u32 s0, v3  }
0x10d: {  	v14 =	vadd.s32 v0, v13  }
0x10e: {  	v15 =	vshrl.u32 v14, $0x7  }
0x10f: {  	v17 =	vshll.u32 v14, $0x3;
	v20 =	vshll.u32 v14, $0x6;
	v14 =	vand.u32 $0x380, v14  }
0x110: {  	v16 =	vadd.s32 $0x32, v15;
	v19 =	vshll.u32 v15, $0xD;
	v17 =	vor.u32 v2, v17  }
0x111: {  	v59 =	vadd.s32 $0x31, v15;
	v61 =	vsub.s32 v15, v1;
	v15 =	vadd.s32 $0x2F, v15  }
0x112: {  	v18 =	vsub.s32 v16, v1;
	v19 =	vsub.s32 v20, v19;
	v16 =	vshll.u32 v16, $0x7  }
0x113: {  	v21 =	vsub.s32 v59, v1;
	v17 =	vand.u32 $0x7F, v17;
	v18 =	vshll.u32 v18, $0xA  }
0x114: {  	v20 =	vshll.u32 v59, $0x7;
	v19 =	vand.u32 $0xFFFFFC00, v19;
	v18 =	vand.u32 $0xFFFFE000, v18  }
0x115: {  	v16 =	vand.u32 $0x380, v16;
	v60 =	vshll.u32 v21, $0xA;
	v18 =	vadd.s32 v19, v18  }
0x116: {  	v62 =	vshll.u32 v61, $0xA;
	v16 =	vor.u32 v16, v18;
	v18 =	vand.u32 $0xFFFFE000, v60  }
0x117: {  	v63 =	vsub.s32 v15, v1;
	v20 =	vand.u32 $0x380, v20;
	v18 =	vadd.s32 v19, v18  }
0x118: {  	v15 =	vshll.u32 v15, $0x7;
	v18 =	vor.u32 v20, v18;
	v20 =	vand.u32 $0xFFFFE000, v62  }
0x119: {  	v21 =	vshll.u32 v63, $0xA;
	v15 =	vand.u32 $0x380, v15;
	v20 =	vadd.s32 v19, v20  }
0x11a: {  	v24 =	vand.u32 $0xFFFFE000, v21;
	v16 =	vor.u32 v17, v16;
	v14 =	vor.u32 v14, v20  }
0x11b: {  	v18 =	vor.u32 v17, v18;
	v19 =	vadd.s32 v19, v24;
	v14 =	vor.u32 v17, v14  }
0x11c: {  	v15 =	vor.u32 v15, v19;
	v14 =	vadd.s32 $0xC000, v14  }
0x11d: {  	v15 =	vor.u32 v17, v15;
	_ =	sdelay $0x1  }
0x11e: {  	v25 =	vld.idx.msk [tilespmem:v16+s6+$0x0], $0xffff  }
0x11f: {  	v26 =	vld.idx.msk [tilespmem:v18+s6+$0x0], $0xffff  }
0x120: {  	v27 =	vld.idx.msk [tilespmem:v14+s6+$0x0], $0xffff  }
0x121: {  	v17 =	vld.idx.msk [tilespmem:v15+s6+$0x0], $0xffff;
	_ =	sdelay $0x2  }
0x122: {  	v14 =	vmul.u32 $0x83, v25;
	v15 =	vmul.u32 $0x474, v26  }
0x123: {  	v28 =	vmul.u32 $0x865, v27  }
0x124: {  	v14 =	vadd.s32 v14, v15;
	v15 =	vmul.u32 $0xC56, v17  }
0x125: {  	v14 =	vadd.s32 v28, v14  }
0x126: {  	v15 =	vadd.s32 v15, v14  }
0x127: {  	(v2sf) =	vpush v15, $0xD;
	_ =	sdelay $0x2  }
0x128: {  	(v2sf) =	vpush v15, $0xC  }
0x129: {  	(v2sf) =	vpush v15, $0xE;
	_ =	sdelay $0x1  }
0x12a: {  	(v2sf) =	vpush v15, $0xF;
	_ =	sdelay $0x1  }
0x12b: {  	(v2sf) =	vpush v15, $0x9;
	_ =	sdelay $0x2  }
0x12c: {  	(v2sf) =	vpush v15, $0x8;
	_ =	sdelay $0x1  }
0x12d: {  	(v2sf) =	vpush v15, $0xA;
	_ =	sdelay $0x1  }
0x12e: {  	(v2sf) =	vpush v15, $0xB;
	s31 =	spop (v2sf)  }
0x12f: {  	[dreg:$0xa] =	wrdreg s0;
	(v2sf) =	vpush v15, $0x0;
	s1 =	smulhi.u32 $0x14F8B589, s31;
	s0 =	sshra.s32 s31, $0x1F  }
0x130: {  	s4 =	smul.u32 $0x14F8B589, s0  }
0x131: {  	(v2sf) =	vpush v15, $0x1;
	[smem:$0x7C0] =	sst s1;
	s1 =	spop (v2sf)  }
0x132: {  	s18 =	smulhi.u32 $0x14F8B589, s1;
	s0 =	sshra.s32 s1, $0x1F;
	s2 =	spop (v2sf);
	(v2sf) =	vpush v15, $0x2  }
0x133: {  	s7 =	smul.u32 $0x14F8B589, s0  }
0x134: {  	s19 =	smulhi.u32 $0x14F8B589, s2;
	s0 =	sshra.s32 s2, $0x1F;
	s3 =	spop (v2sf);
	(v2sf) =	vpush v15, $0x3  }
0x135: {  	s8 =	smul.u32 $0x14F8B589, s0  }
0x136: {  	s20 =	smulhi.u32 $0x14F8B589, s3;
	s0 =	sshra.s32 s3, $0x1F;
	s5 =	spop (v2sf);
	(v2sf) =	vpush v15, $0x4  }
0x137: {  	s9 =	smul.u32 $0x14F8B589, s0  }
0x138: {  	s22 =	smulhi.u32 $0x14F8B589, s5;
	s0 =	sshra.s32 s5, $0x1F;
	(v2sf) =	vpush v15, $0x5  }
0x139: {  	v29 =	vmul.u32 $0x8A0D, v26;
	v14 =	vmul.u32 $0xFDE, v25;
	s6 =	spop (v2sf);
	s5 =	smul.u32 $0x14F8B589, s0  }
0x13a: {  	v30 =	vmul.u32 $0x1043C, v27;
	s23 =	smulhi.u32 $0x14F8B589, s6;
	s0 =	sshra.s32 s6, $0x1F;
	(v2sf) =	vpush v15, $0x6  }
0x13b: {  	v31 =	vmul.u32 $0x17E6B, v17;
	v14 =	vadd.s32 v14, v29;
	s10 =	spop (v2sf);
	s3 =	smul.u32 $0x14F8B589, s0;
	(v2sf) =	vpush v15, $0x7  }
0x13c: {  	v14 =	vadd.s32 v30, v14;
	s25 =	smulhi.u32 $0x14F8B589, s10;
	s0 =	sshra.s32 s10, $0x1F  }
0x13d: {  	v14 =	vadd.s32 v31, v14;
	s11 =	spop (v2sf);
	s6 =	smul.u32 $0x14F8B589, s0  }
0x13e: {  	s26 =	smulhi.u32 $0x14F8B589, s11;
	s0 =	sshra.s32 s11, $0x1F;
	s13 =	spop (v2sf);
	(v2sf) =	vpush v14, $0xD  }
0x13f: {  	s29 =	smul.u32 $0x14F8B589, s0  }
0x140: {  	s30 =	smulhi.u32 $0x14F8B589, s13;
	s14 =	spop (v2sf)  }
0x141: {  	(v2sf) =	vpush v14, $0xC;
	s31 =	smulhi.u32 $0x14F8B589, s14;
	s2 =	spop (v2sf)  }
0x142: {  	s10 =	smulhi.u32 $0x14F8B589, s2;
	s2 =	sshra.s32 s2, $0x1F  }
0x143: {  	s0 =	sshra.s32 s13, $0x1F;
	s15 =	spop (v2sf);
	s13 =	smul.u32 $0x14F8B589, s2  }
0x144: {  	(v2sf) =	vpush v14, $0xE;
	s17 =	smulhi.u32 $0x14F8B589, s15;
	s2 =	sshra.s32 s15, $0x1F  }
0x145: {  	s1 =	sshra.s32 s14, $0x1F;
	s21 =	spop (v2sf);
	s14 =	smul.u32 $0x14F8B589, s2  }
0x146: {  	[smem:$0x7C1] =	sst s10;
	s24 =	smulhi.u32 $0x14F8B589, s21;
	s2 =	sshra.s32 s21, $0x1F  }
0x147: {  	(v2sf) =	vpush v14, $0xF;
	s28 =	spop (v2sf);
	s11 =	smul.u32 $0x14F8B589, s2  }
0x148: {  	[smem:$0x7C2] =	sst s17;
	s15 =	smulhi.u32 $0x14F8B589, s28  }
0x149: {  	s17 =	spop (v2sf);
	[smem:$0x7C3] =	sst s24  }
0x14a: {  	(v2sf) =	vpush v14, $0x9;
	s2 =	sshra.s32 s28, $0x1F;
	s21 =	smulhi.u32 $0x14F8B589, s17;
	s24 =	spop (v2sf)  }
0x14b: {  	[smem:$0x7C4] =	sst s15;
	s15 =	smul.u32 $0x14F8B589, s2  }
0x14c: {  	s2 =	sshra.s32 s17, $0x1F;
	[smem:$0x7C5] =	sst s21;
	s21 =	smulhi.u32 $0x14F8B589, s24  }
0x14d: {  	(v2sf) =	vpush v14, $0x8;
	s28 =	spop (v2sf);
	s10 =	smul.u32 $0x14F8B589, s2;
	s2 =	sshra.s32 s24, $0x1F  }
0x14e: {  	[smem:$0x7C6] =	sst s21;
	s21 =	smul.u32 $0x14F8B589, s2;
	s2 =	sshra.s32 s28, $0x1F  }
0x14f: {  	s2 =	smul.u32 $0x14F8B589, s2  }
0x150: {  	(v2sf) =	vpush v14, $0xA;
	s24 =	smulhi.u32 $0x14F8B589, s28;
	s17 =	spop (v2sf)  }
0x151: {  	s28 =	smulhi.u32 $0x14F8B589, s17;
	[smem:$0x7C8] =	sst s2;
	s2 =	sshra.s32 s17, $0x1F  }
0x152: {  	s2 =	smul.u32 $0x14F8B589, s2  }
0x153: {  	s18 =	sadd.s32 s7, s18;
	(v2sf) =	vpush v14, $0xB;
	[smem:$0x7C9] =	sst s28;
	s17 =	spop (v2sf)  }
0x154: {  	[smem:$0x7CA] =	sst s2;
	s28 =	smulhi.u32 $0x14F8B589, s17;
	s2 =	sshra.s32 s17, $0x1F  }
0x155: {  	[smem:$0x7EB] =	sst s18;
	(v2sf) =	vpush v14, $0x0;
	s2 =	smul.u32 $0x14F8B589, s2  }
0x156: {  	s8 =	sadd.s32 s8, s19;
	s17 =	spop (v2sf);
	[smem:$0x7CB] =	sst s28  }
0x157: {  	(v2sf) =	vpush v14, $0x1;
	s28 =	smulhi.u32 $0x14F8B589, s17;
	[smem:$0x7CC] =	sst s2;
	s2 =	sshra.s32 s17, $0x1F  }
0x158: {  	[smem:$0x7EC] =	sst s8;
	s2 =	smul.u32 $0x14F8B589, s2  }
0x159: {  	s18 =	sadd.s32 s9, s20;
	s17 =	spop (v2sf);
	[smem:$0x7CD] =	sst s28  }
0x15a: {  	s28 =	smulhi.u32 $0x14F8B589, s17;
	[smem:$0x7CE] =	sst s2;
	s2 =	sshra.s32 s17, $0x1F  }
0x15b: {  	[smem:$0x7ED] =	sst s18;
	(v2sf) =	vpush v14, $0x2;
	s2 =	smul.u32 $0x14F8B589, s2  }
0x15c: {  	s20 =	sadd.s32 s5, s22;
	[smem:$0x7CF] =	sst s28;
	s17 =	spop (v2sf)  }
0x15d: {  	s28 =	smulhi.u32 $0x14F8B589, s17;
	[smem:$0x7D0] =	sst s2;
	s2 =	sshra.s32 s17, $0x1F  }
0x15e: {  	[smem:$0x7EE] =	sst s20;
	s2 =	smul.u32 $0x14F8B589, s2  }
0x15f: {  	s3 =	sadd.s32 s3, s23;
	(v2sf) =	vpush v14, $0x3;
	[smem:$0x7D1] =	sst s28;
	s17 =	spop (v2sf)  }
0x160: {  	s28 =	smulhi.u32 $0x14F8B589, s17;
	[smem:$0x7D2] =	sst s2;
	s2 =	sshra.s32 s17, $0x1F  }
0x161: {  	[smem:$0x7EF] =	sst s3;
	s2 =	smul.u32 $0x14F8B589, s2  }
0x162: {  	[smem:$0x7D3] =	sst s28;
	s17 =	spop (v2sf)  }
0x163: {  	s28 =	smulhi.u32 $0x14F8B589, s17;
	[smem:$0x7D4] =	sst s2;
	s2 =	sshra.s32 s17, $0x1F  }
0x164: {  	s17 =	spop (v2sf);
	s2 =	smul.u32 $0x14F8B589, s2  }
0x165: {  	(v2sf) =	vpush v14, $0x4;
	[smem:$0x7D5] =	sst s28;
	s28 =	smulhi.u32 $0x14F8B589, s17  }
0x166: {  	v32 =	vmul.u32 $0x1EBE3, v25;
	v33 =	vmul.u32 $0x10B794, v26;
	(v2sf) =	vpush v14, $0x5;
	[smem:$0x7D6] =	sst s2;
	s2 =	sshra.s32 s17, $0x1F;
	s17 =	spop (v2sf)  }
0x167: {  	v22 =	vmul.u32 $0x1F8345, v27;
	(v2sf) =	vpush v14, $0x6;
	[smem:$0x7D7] =	sst s28;
	s28 =	smulhi.u32 $0x14F8B589, s17  }
0x168: {  	v16 =	vadd.s32 v32, v33;
	v34 =	vmul.u32 $0x2E4EF6, v17;
	[smem:$0x7C7] =	sst s24;
	(v2sf) =	vpush v14, $0x7  }
0x169: {  	v16 =	vadd.s32 v22, v16;
	s24 =	smul.u32 $0x14F8B589, s2;
	s2 =	sshra.s32 s17, $0x1F;
	[smem:$0x7D8] =	sst s28  }
0x16a: {  	v16 =	vadd.s32 v34, v16;
	s28 =	smul.u32 $0x14F8B589, s2;
	s2 =	spop (v2sf)  }
0x16b: {  	s23 =	sadd.s32 s6, s25;
	(v2sf) =	vpush v16, $0xD;
	s17 =	smulhi.u32 $0x14F8B589, s2;
	s2 =	sshra.s32 s2, $0x1F  }
0x16c: {  	[smem:$0x7F0] =	sst s23;
	s26 =	sadd.s32 s29, s26;
	(v2sf) =	vpush v16, $0xC;
	s2 =	smul.u32 $0x14F8B589, s2  }
0x16d: {  	[dreg:$0x1e] =	wrdreg s26  }
0x16e: {  	[smem:$0x7DA] =	sst s2;
	s2 =	spop (v2sf)  }
0x16f: {  	[smem:$0x7D9] =	sst s17;
	s17 =	smulhi.u32 $0x14F8B589, s2  }
0x170: {  	s8 =	sld [smem:$0x7C1]  }
0x171: {  	s0 =	smul.u32 $0x14F8B589, s0;
	s2 =	sshra.s32 s2, $0x1F;
	[smem:$0x7DB] =	sst s17  }
0x172: {  	s2 =	smul.u32 $0x14F8B589, s2;
	s17 =	sld [smem:$0x7C0]  }
0x173: {  	s1 =	smul.u32 $0x14F8B589, s1;
	s26 =	sld [smem:$0x7C4]  }
0x174: {  	(v2sf) =	vpush v16, $0xE;
	[smem:$0x7DC] =	sst s2;
	s2 =	spop (v2sf)  }
0x175: {  	s7 =	spop (v2sf);
	s4 =	sadd.s32 s4, s17;
	s17 =	smulhi.u32 $0x14F8B589, s2  }
0x176: {  	s2 =	sshra.s32 s2, $0x1F;
	s19 =	spop (v2sf);
	[smem:$0x7EA] =	sst s4  }
0x177: {  	s2 =	smul.u32 $0x14F8B589, s2;
	s22 =	spop (v2sf)  }
0x178: {  	[smem:$0x7DD] =	sst s17;
	s17 =	smulhi.u32 $0x14F8B589, s7  }
0x179: {  	(v2sf) =	vpush v16, $0xF;
	s25 =	smulhi.u32 $0x14F8B589, s22;
	[smem:$0x7DE] =	sst s2  }
0x17a: {  	s29 =	spop (v2sf);
	[smem:$0x7DF] =	sst s17  }
0x17b: {  	s2 =	sshra.s32 s7, $0x1F;
	s7 =	spop (v2sf);
	[smem:$0x7E2] =	sst s25  }
0x17c: {  	s2 =	smul.u32 $0x14F8B589, s2;
	s25 =	sadd.s32 s13, s8;
	s13 =	sld [smem:$0x7C2]  }
0x17d: {  	s17 =	sadd.s32 s0, s30;
	s30 =	smulhi.u32 $0x14F8B589, s29;
	s8 =	sld [smem:$0x7C7]  }
0x17e: {  	s9 =	smulhi.u32 $0x14F8B589, s7;
	[smem:$0x7E0] =	sst s2  }
0x17f: {  	s20 =	sadd.s32 s1, s31;
	s1 =	sshra.s32 s7, $0x1F;
	[smem:$0x7E3] =	sst s30  }
0x180: {  	s18 =	smul.u32 $0x14F8B589, s1;
	[smem:$0x7E5] =	sst s9  }
0x181: {  	s9 =	sld [smem:$0x7C8]  }
0x182: {  	s4 =	smulhi.u32 $0x14F8B589, s19;
	s2 =	sshra.s32 s19, $0x1F;
	[smem:$0x7E6] =	sst s18  }
0x183: {  	s19 =	spop (v2sf);
	s30 =	sadd.s32 s14, s13;
	s14 =	sld [smem:$0x7CB]  }
0x184: {  	s2 =	smul.u32 $0x14F8B589, s2;
	s18 =	sld [smem:$0x7CD]  }
0x185: {  	s23 =	smulhi.u32 $0x14F8B589, s19;
	s1 =	sshra.s32 s19, $0x1F;
	s19 =	sld [smem:$0x7CE]  }
0x186: {  	(v2sf) =	vpush v16, $0x9;
	[smem:$0x7E1] =	sst s2;
	s2 =	sshra.s32 s22, $0x1F  }
0x187: {  	s22 =	sld [smem:$0x7C3];
	s3 =	smul.u32 $0x14F8B589, s2  }
0x188: {  	s31 =	spop (v2sf);
	s2 =	sshra.s32 s29, $0x1F;
	s29 =	smul.u32 $0x14F8B589, s1  }
0x189: {  	(v2sf) =	vpush v16, $0x8;
	[smem:$0x7E7] =	sst s23;
	s5 =	smulhi.u32 $0x14F8B589, s31  }
0x18a: {  	s6 =	smul.u32 $0x14F8B589, s2;
	s2 =	sld [smem:$0x7C5]  }
0x18b: {  	[smem:$0x7E8] =	sst s29  }
0x18c: {  	(v2sf) =	vpush v16, $0xA;
	[smem:$0x7E9] =	sst s5  }
0x18d: {  	s0 =	sadd.s32 s11, s22;
	s11 =	sld [smem:$0x7CA]  }
0x18e: {  	(v2sf) =	vpush v16, $0xB;
	s5 =	sld [smem:$0x7D0]  }
0x18f: {  	[smem:$0x7E4] =	sst s6  }
0x190: {  	[smem:$0x7F1] =	sst s0  }
0x191: {  	s6 =	sld [smem:$0x7C6]  }
0x192: {  	s0 =	sadd.s32 s15, s26;
	s15 =	sld [smem:$0x7CC]  }
0x193: {  	(v2sf) =	vpush v16, $0x0;
	s1 =	sshra.s32 s31, $0x1F;
	[smem:$0x7F2] =	sst s0  }
0x194: {  	s26 =	smul.u32 $0x14F8B589, s1;
	s0 =	sadd.s32 s10, s2;
	s10 =	sld [smem:$0x7C9]  }
0x195: {  	(v2sf) =	vpush v16, $0x1;
	s7 =	spop (v2sf);
	s2 =	sld [smem:$0x7CF]  }
0x196: {  	s29 =	smulhi.u32 $0x14F8B589, s7;
	s1 =	sshra.s32 s7, $0x1F;
	s7 =	sld [smem:$0x7D2]  }
0x197: {  	[smem:$0x7F3] =	sst s0  }
0x198: {  	s13 =	spop (v2sf);
	s0 =	sadd.s32 s9, s8;
	s9 =	sld [smem:$0x7D3]  }
0x199: {  	s23 =	smul.u32 $0x14F8B589, s1;
	[smem:$0x7F4] =	sst s0  }
0x19a: {  	s22 =	smulhi.u32 $0x14F8B589, s13;
	s31 =	sadd.s32 s21, s6;
	s6 =	sld [smem:$0x7D1]  }
0x19b: {  	s21 =	spop (v2sf);
	s0 =	sadd.s32 s11, s10;
	s10 =	sld [smem:$0x7D4]  }
0x19c: {  	s1 =	sshra.s32 s13, $0x1F;
	s13 =	sshra.s32 s21, $0x1F;
	s11 =	sld [smem:$0x7D5]  }
0x19d: {  	s8 =	spop (v2sf);
	s23 =	sadd.s32 s23, s29;
	[smem:$0x7F5] =	sst s0  }
0x19e: {  	s0 =	sadd.s32 s15, s14;
	s15 =	smul.u32 $0x14F8B589, s13;
	[dreg:$0x16] =	wrdreg s23  }
0x19f: {  	s14 =	smulhi.u32 $0x14F8B589, s8;
	[smem:$0x7F6] =	sst s0  }
0x1a0: {  	s0 =	sadd.s32 s19, s18;
	s18 =	smulhi.u32 $0x14F8B589, s21;
	s21 =	sld [smem:$0x7D6]  }
0x1a1: {  	(v2sf) =	vpush v16, $0x2;
	s13 =	sshra.s32 s8, $0x1F;
	s19 =	smul.u32 $0x14F8B589, s1;
	[dreg:$0x1f] =	wrdreg s0  }
0x1a2: {  	s0 =	sadd.s32 s5, s2;
	s2 =	spop (v2sf);
	s5 =	sld [smem:$0x7D7]  }
0x1a3: {  	[smem:$0x7F7] =	sst s0;
	s0 =	sadd.s32 s7, s6;
	s6 =	sshra.s32 s2, $0x1F  }
0x1a4: {  	s7 =	sld [smem:$0x7D8];
	s8 =	spop (v2sf);
	s19 =	sadd.s32 s19, s22  }
0x1a5: {  	[smem:$0x7F8] =	sst s0;
	s0 =	sadd.s32 s10, s9;
	s10 =	smul.u32 $0x14F8B589, s6  }
0x1a6: {  	(v2sf) =	vpush v16, $0x3;
	s9 =	smulhi.u32 $0x14F8B589, s8;
	s6 =	sshra.s32 s8, $0x1F;
	s8 =	sld [smem:$0x7DC]  }
0x1a7: {  	s15 =	sadd.s32 s15, s18;
	[dreg:$0x15] =	wrdreg s19  }
0x1a8: {  	[dreg:$0x14] =	wrdreg s15  }
0x1a9: {  	[smem:$0x7F9] =	sst s0  }
0x1aa: {  	s0 =	sadd.s32 s21, s11;
	s11 =	smulhi.u32 $0x14F8B589, s2;
	s2 =	sld [smem:$0x7D9]  }
0x1ab: {  	[smem:$0x7FA] =	sst s0  }
0x1ac: {  	s0 =	sadd.s32 s24, s5;
	s5 =	sld [smem:$0x7DA]  }
0x1ad: {  	s21 =	sadd.s32 s28, s7;
	s7 =	sld [smem:$0x7DB]  }
0x1ae: {  	[smem:$0x7FB] =	sst s0  }
0x1af: {  	s24 =	sadd.s32 s5, s2;
	s2 =	sld [smem:$0x7DD]  }
0x1b0: {  	s28 =	spop (v2sf);
	s5 =	sld [smem:$0x7DE]  }
0x1b1: {  	s1 =	sadd.s32 s8, s7;
	s7 =	smul.u32 $0x14F8B589, s6;
	s6 =	sld [smem:$0x7DF]  }
0x1b2: {  	s0 =	sshra.s32 s28, $0x1F;
	s8 =	smulhi.u32 $0x14F8B589, s28;
	s28 =	sld [smem:$0x7E0]  }
0x1b3: {  	[smem:$0x7FD] =	sst s1;
	s1 =	sadd.s32 s5, s2  }
0x1b4: {  	(v2sf) =	vpush v16, $0x4;
	s5 =	smul.u32 $0x14F8B589, s0;
	[dreg:$0x1d] =	wrdreg s1  }
0x1b5: {  	s2 =	spop (v2sf);
	s1 =	sadd.s32 s28, s6;
	s28 =	sld [smem:$0x7E1]  }
0x1b6: {  	s6 =	smulhi.u32 $0x14F8B589, s2;
	s0 =	sshra.s32 s2, $0x1F;
	s2 =	sld [smem:$0x7E2]  }
0x1b7: {  	(v2sf) =	vpush v16, $0x5;
	[dreg:$0x1c] =	wrdreg s1  }
0x1b8: {  	v19 =	vmul.u32 $0x3B907E, v25;
	v20 =	vmul.u32 $0x2063AED, v26;
	s1 =	sadd.s32 s28, s4;
	s28 =	sld [smem:$0x7E4]  }
0x1b9: {  	v18 =	vmul.u32 $0x3D0E55C, v27;
	(v2sf) =	vpush v16, $0x6;
	[dreg:$0x1b] =	wrdreg s1  }
0x1ba: {  	v19 =	vadd.s32 v19, v20;
	v17 =	vmul.u32 $0x59B8FCB, v17;
	s1 =	sadd.s32 s3, s2;
	s3 =	sld [smem:$0x7E3]  }
0x1bb: {  	v18 =	vadd.s32 v18, v19;
	(v2sf) =	vpush v16, $0x7;
	s13 =	smul.u32 $0x14F8B589, s13;
	s2 =	sld [smem:$0x7E5]  }
0x1bc: {  	v17 =	vadd.s32 v17, v18;
	[smem:$0x7FC] =	sst s1  }
0x1bd: {  	(v2sf) =	vpush v17, $0xD;
	s13 =	sadd.s32 s13, s14;
	s1 =	sadd.s32 s28, s3;
	s28 =	sld [smem:$0x7E6]  }
0x1be: {  	[dreg:$0x13] =	wrdreg s13  }
0x1bf: {  	[dreg:$0x1a] =	wrdreg s1  }
0x1c0: {  	(v2sf) =	vpush v17, $0xC;
	s1 =	sadd.s32 s28, s2;
	s28 =	sld [smem:$0x7E8]  }
0x1c1: {  	s4 =	smul.u32 $0x14F8B589, s0;
	[dreg:$0x19] =	wrdreg s1  }
0x1c2: {  	s5 =	sadd.s32 s5, s8;
	s1 =	sld [smem:$0x7E7]  }
0x1c3: {  	[dreg:$0x11] =	wrdreg s5;
	s0 =	spop (v2sf);
	s4 =	sadd.s32 s4, s6  }
0x1c4: {  	[dreg:$0x10] =	wrdreg s4;
	s3 =	smulhi.u32 $0x14F8B589, s0  }
0x1c5: {  	s0 =	sshra.s32 s0, $0x1F;
	s1 =	sadd.s32 s28, s1;
	s28 =	sld [smem:$0x7E9]  }
0x1c6: {  	s18 =	sadd.s32 s10, s11;
	s2 =	smul.u32 $0x14F8B589, s0;
	s0 =	spop (v2sf)  }
0x1c7: {  	[dreg:$0x18] =	wrdreg s1;
	s1 =	smulhi.u32 $0x14F8B589, s0;
	s0 =	sshra.s32 s0, $0x1F  }
0x1c8: {  	s0 =	smul.u32 $0x14F8B589, s0;
	s26 =	sadd.s32 s26, s28;
	s28 =	spop (v2sf)  }
0x1c9: {  	[dreg:$0x17] =	wrdreg s26;
	s23 =	smulhi.u32 $0x14F8B589, s28;
	s26 =	sshra.s32 s28, $0x1F  }
0x1ca: {  	s2 =	sadd.s32 s2, s3;
	s29 =	spop (v2sf);
	s19 =	smul.u32 $0x14F8B589, s26  }
0x1cb: {  	[dreg:$0xf] =	wrdreg s2;
	s0 =	sadd.s32 s0, s1;
	s26 =	smulhi.u32 $0x14F8B589, s29  }
0x1cc: {  	s22 =	sshra.s32 s29, $0x1F;
	s28 =	spop (v2sf);
	[dreg:$0xe] =	wrdreg s0  }
0x1cd: {  	s13 =	smul.u32 $0x14F8B589, s22;
	s8 =	sadd.s32 s19, s23;
	s19 =	sld [smem:$0x7EB]  }
0x1ce: {  	s15 =	sadd.s32 s7, s9;
	s10 =	smulhi.u32 $0x14F8B589, s28;
	s23 =	sld [smem:$0x7EC]  }
0x1cf: {  	s29 =	sshra.s32 s28, $0x1F;
	s22 =	spop (v2sf);
	[dreg:$0xd] =	wrdreg s8  }
0x1d0: {  	s14 =	smul.u32 $0x14F8B589, s29;
	s9 =	sadd.s32 s13, s26;
	s26 =	sld [smem:$0x7ED]  }
0x1d1: {  	s28 =	smulhi.u32 $0x14F8B589, s22;
	s29 =	sshra.s32 s22, $0x1F;
	[dreg:$0x12] =	wrdreg s9  }
0x1d2: {  	s6 =	smul.u32 $0x14F8B589, s29;
	s11 =	sadd.s32 s14, s10;
	s14 =	sld [smem:$0x7EA]  }
0x1d3: {  	s29 =	sshra.s32 s31, $0x1F;
	s10 =	sld [smem:$0x7EE]  }
0x1d4: {  	[dreg:$0xc] =	wrdreg s11;
	s13 =	sadd.s32 s6, s28;
	s22 =	sshrl.u32 s19, $0x1F  }
0x1d5: {  	s4 =	sshra.s32 s19, $0xD;
	s6 =	sshrl.u32 s23, $0x1F;
	s2 =	sshra.s32 s23, $0xD  }
0x1d6: {  	s28 =	sshrl.u32 s17, $0x1F;
	s19 =	sshrl.u32 s20, $0x1F;
	[dreg:$0xb] =	wrdreg s13  }
0x1d7: {  	s23 =	sshra.s32 s20, $0xD;
	s7 =	sshrl.u32 s26, $0x1F;
	v35 =	vmov s28;
	s28 =	sld [smem:$0x7F0]  }
0x1d8: {  	s5 =	sshra.s32 s26, $0xD;
	s26 =	sshra.s32 s20, $0x1F;
	s20 =	rddreg [dreg:$0x1e]  }
0x1d9: {  	s11 =	sshra.s32 s17, $0xD;
	s13 =	sshra.s32 s17, $0x1F;
	v46 =	vmov s4;
	s4 =	rddreg [dreg:$0x1c]  }
0x1da: {  	v36 =	vmov s29;
	s1 =	sshrl.u32 s14, $0x1F;
	s0 =	sshra.s32 s14, $0xD;
	s14 =	sld [smem:$0x7EF]  }
0x1db: {  	v37 =	vmov s22;
	v19 =	vsel vm3, s11, v36;
	s8 =	sshrl.u32 s10, $0x1F;
	s9 =	sshra.s32 s10, $0xD;
	v18 =	vnsel vm3, $0x0, v35;
	s10 =	rddreg [dreg:$0x1f]  }
0x1dc: {  	s29 =	sshrl.u32 s30, $0x1F;
	s22 =	sshrl.u32 s25, $0x1F;
	v19 =	vsel vm9, s13, v19;
	v20 =	vsel vm0, s1, v37;
	v18 =	vsel vm0, s19, v18;
	s19 =	sld [smem:$0x7F1]  }
0x1dd: {  	s11 =	sshrl.u32 s31, $0x1F;
	v19 =	vsel vm0, s23, v19;
	s23 =	sld [smem:$0x7F2];
	v20 =	vsel vm1, s6, v20;
	s6 =	sshrl.u32 s28, $0x1F  }
0x1de: {  	v22 =	vsel vm0, s0, v46;
	v38 =	vsel vm1, s22, v18;
	v19 =	vsel vm10, s26, v19;
	s3 =	sshra.s32 s28, $0xD;
	s22 =	sshrl.u32 s20, $0x1F;
	s26 =	sld [smem:$0x7F3]  }
0x1df: {  	v22 =	vsel vm1, s2, v22;
	s2 =	sshra.s32 s10, $0xD;
	s17 =	sshrl.u32 s14, $0x1F;
	s1 =	sshra.s32 s14, $0xD  }
0x1e0: {  	v39 =	vsel vm2, s7, v20;
	v40 =	vsel vm2, s29, v38;
	s14 =	sshra.s32 s25, $0xD;
	s7 =	sshra.s32 s20, $0xD;
	s29 =	sshra.s32 s30, $0xD  }
0x1e1: {  	s30 =	sshra.s32 s30, $0x1F;
	s13 =	sshrl.u32 s19, $0x1F;
	v41 =	vmov s17;
	v19 =	vsel vm1, s14, v19;
	s17 =	sshra.s32 s25, $0x1F  }
0x1e2: {  	v48 =	vsel vm2, s5, v22;
	s5 =	sshrl.u32 s10, $0x1F;
	s25 =	sshrl.u32 s23, $0x1F;
	v20 =	vsel vm4, s13, v40;
	v19 =	vsel vm11, s17, v19;
	s17 =	sld [smem:$0x7F7]  }
0x1e3: {  	s20 =	sshra.s32 s19, $0x1F;
	v21 =	vsel vm0, s8, v41;
	s28 =	sshrl.u32 s26, $0x1F;
	v20 =	vsel vm5, s25, v20;
	s25 =	sld [smem:$0x7F4]  }
0x1e4: {  	s14 =	sshra.s32 s31, $0xD;
	s13 =	sshra.s32 s19, $0xD;
	v21 =	vsel vm1, s6, v21;
	v23 =	vsel vm2, s29, v19;
	v42 =	vsel vm6, s28, v20;
	s28 =	sld [smem:$0x7F5]  }
0x1e5: {  	v47 =	vmov s1;
	v43 =	vsel vm2, s22, v21;
	v45 =	vsel vm12, s30, v23;
	s22 =	sshra.s32 s23, $0xD;
	s23 =	sshra.s32 s23, $0x1F;
	s30 =	sld [smem:$0x7F6]  }
0x1e6: {  	v23 =	vsel vm0, s9, v47;
	v44 =	vsel vm7, s11, v42;
	v21 =	vsel vm4, s13, v45;
	s11 =	sshra.s32 s26, $0xD;
	s13 =	sshra.s32 s26, $0x1F;
	s19 =	sshrl.u32 s17, $0x1F  }
0x1e7: {  	v24 =	vsel vm1, s3, v23;
	s6 =	sshra.s32 s17, $0xD;
	s17 =	sshra.s32 s24, $0x1F;
	v21 =	vsel vm13, s20, v21;
	s26 =	sshrl.u32 s25, $0x1F  }
0x1e8: {  	s1 =	sshra.s32 s25, $0xD;
	v24 =	vsel vm2, s7, v24;
	s20 =	sld [smem:$0x7F8];
	s7 =	sshra.s32 s24, $0xD;
	v21 =	vsel vm5, s22, v21  }
0x1e9: {  	s29 =	sshrl.u32 s28, $0x1F;
	s0 =	sshra.s32 s28, $0xD;
	v21 =	vsel vm14, s23, v21;
	s23 =	sld [smem:$0x7F9]  }
0x1ea: {  	s31 =	sshrl.u32 s30, $0x1F;
	s3 =	sshra.s32 s30, $0xD;
	v49 =	vmov s29;
	s29 =	sld [smem:$0x7FB];
	v28 =	vmov s0  }
0x1eb: {  	s22 =	sshrl.u32 s20, $0x1F;
	s10 =	sshra.s32 s20, $0xD;
	v22 =	vsel vm0, s26, v49;
	s26 =	sld [smem:$0x7FA];
	v28 =	vsel vm0, s1, v28  }
0x1ec: {  	v21 =	vsel vm6, s11, v21;
	s20 =	sshrl.u32 s21, $0x1F;
	v26 =	vmov s22;
	s22 =	sshra.s32 s21, $0xD;
	v28 =	vsel vm1, s3, v28;
	s3 =	rddreg [dreg:$0x14]  }
0x1ed: {  	(v2sf) =	vpush v17, $0xE;
	v21 =	vsel vm15, s13, v21;
	v29 =	vmov s10;
	s10 =	rddreg [dreg:$0x13];
	s25 =	sshrl.u32 s23, $0x1F;
	s8 =	sshra.s32 s23, $0xD  }
0x1ee: {  	v50 =	vsel vm1, s31, v22;
	v25 =	vsel vm7, s14, v21;
	v51 =	vsel vm0, s19, v26;
	s30 =	sshrl.u32 s29, $0x1F;
	s31 =	sshra.s32 s29, $0xD;
	s14 =	sshra.s32 s29, $0x1F  }
0x1ef: {  	s28 =	sshrl.u32 s26, $0x1F;
	s11 =	sshra.s32 s26, $0xD;
	v22 =	vsel vm1, s25, v51;
	s26 =	sld [smem:$0x7FC]  }
0x1f0: {  	v21 =	vsel vm2, s5, v50;
	s5 =	sshra.s32 s21, $0x1F;
	s23 =	sshrl.u32 s24, $0x1F;
	v52 =	vmov s30;
	v22 =	vsel vm2, s28, v22;
	s28 =	sld [smem:$0x7FD]  }
0x1f1: {  	s24 =	sshrl.u32 s4, $0x1F;
	s1 =	sshra.s32 s10, $0xD;
	s30 =	rddreg [dreg:$0x1d];
	v26 =	vnsel vm3, $0x0, v52  }
0x1f2: {  	(v2sf) =	vpush v17, $0xF;
	v30 =	vsel vm2, s2, v28;
	s2 =	sshra.s32 s18, $0xD;
	s19 =	sshra.s32 s30, $0xD;
	s21 =	sshra.s32 s30, $0x1F;
	v26 =	vsel vm0, s20, v26  }
0x1f3: {  	s25 =	sshra.s32 s26, $0x1F;
	v26 =	vsel vm1, s23, v26;
	s23 =	sshra.s32 s4, $0x1F;
	s29 =	sshrl.u32 s28, $0x1F  }
0x1f4: {  	(v2sf) =	vpush v17, $0x9;
	v27 =	vmov s25;
	s13 =	sshra.s32 s28, $0xD;
	s20 =	sshra.s32 s28, $0x1F;
	s25 =	rddreg [dreg:$0x1b]  }
0x1f5: {  	(v2sf) =	vpush v17, $0x8;
	v27 =	vsel vm3, s31, v27;
	s31 =	sshrl.u32 s30, $0x1F;
	v26 =	vsel vm2, s29, v26;
	s28 =	sshrl.u32 s25, $0x1F;
	s30 =	rddreg [dreg:$0x1a]  }
0x1f6: {  	s29 =	sshrl.u32 s26, $0x1F;
	s26 =	sshra.s32 s26, $0xD;
	v27 =	vsel vm9, s14, v27;
	v26 =	vsel vm4, s31, v26;
	s31 =	rddreg [dreg:$0x19]  }
0x1f7: {  	s14 =	rddreg [dreg:$0x17];
	v27 =	vsel vm0, s22, v27;
	s22 =	sshra.s32 s4, $0xD;
	v26 =	vsel vm5, s24, v26;
	s24 =	sshra.s32 s25, $0xD  }
0x1f8: {  	(v2sf) =	vpush v17, $0xA;
	s25 =	sshra.s32 s25, $0x1F;
	s9 =	sshra.s32 s31, $0xD;
	s0 =	sshra.s32 s14, $0xD;
	v27 =	vsel vm10, s5, v27  }
0x1f9: {  	(v2sf) =	vpush v17, $0xB;
	v26 =	vsel vm6, s28, v26;
	s28 =	sshrl.u32 s30, $0x1F;
	s5 =	sshra.s32 s30, $0xD;
	s30 =	rddreg [dreg:$0x16];
	v27 =	vsel vm1, s7, v27  }
0x1fa: {  	v13 =	vshll.u32 v13, $0x5;
	(v2sf) =	vpush v17, $0x0;
	s7 =	rddreg [dreg:$0x18];
	s4 =	sshra.s32 s30, $0xD;
	v27 =	vsel vm11, s17, v27;
	s17 =	sshrl.u32 s31, $0x1F  }
0x1fb: {  	(v2sf) =	vpush v17, $0x1;
	v26 =	vsel vm7, s29, v26;
	s29 =	sshrl.u32 s7, $0x1F;
	s7 =	sshra.s32 s7, $0xD;
	s31 =	rddreg [dreg:$0x15];
	v27 =	vsel vm2, s13, v27  }
0x1fc: {  	(v2sf) =	vpush v17, $0x2;
	s13 =	sshrl.u32 s14, $0x1F;
	s14 =	sshra.s32 s31, $0xD;
	v53 =	vmov s17;
	v27 =	vsel vm12, s20, v27;
	s20 =	sshrl.u32 s30, $0x1F  }
0x1fd: {  	(v2sf) =	vpush v17, $0x3;
	s30 =	sshrl.u32 s31, $0x1F;
	s31 =	spop (v2sf);
	v28 =	vsel vm0, s28, v53;
	v27 =	vsel vm4, s19, v27;
	s19 =	sshrl.u32 s3, $0x1F  }
0x1fe: {  	(v2sf) =	vpush v17, $0x4;
	v29 =	vsel vm0, s6, v29;
	s3 =	sshra.s32 s3, $0xD;
	s6 =	smulhi.u32 $0x14F8B589, s31;
	v55 =	vsel vm1, s29, v28;
	s29 =	rddreg [dreg:$0x11]  }
0x1ff: {  	(v2sf) =	vpush v17, $0x5;
	v33 =	vmov s30;
	s30 =	rddreg [dreg:$0xf];
	v27 =	vsel vm13, s21, v27;
	s21 =	sshrl.u32 s10, $0x1F;
	s10 =	sshra.s32 s31, $0x1F  }
0x200: {  	v29 =	vsel vm1, s8, v29;
	s28 =	sshrl.u32 s29, $0x1F;
	v33 =	vsel vm0, s20, v33;
	v27 =	vsel vm5, s22, v27;
	s22 =	sshrl.u32 s18, $0x1F;
	s18 =	sshra.s32 s18, $0x1F  }
0x201: {  	s8 =	smul.u32 $0x14F8B589, s10;
	v33 =	vsel vm1, s19, v33;
	v27 =	vsel vm14, s23, v27;
	v54 =	vmov s22;
	s23 =	spop (v2sf);
	s22 =	sshra.s32 s15, $0xD  }
0x202: {  	v31 =	vsel vm2, s11, v29;
	v58 =	vsel vm2, s21, v33;
	s21 =	sshra.s32 s29, $0x1F;
	v27 =	vsel vm6, s24, v27;
	s24 =	sshrl.u32 s15, $0x1F;
	s10 =	smulhi.u32 $0x14F8B589, s23  }
0x203: {  	v61 =	vmov s14;
	v29 =	vnsel vm3, $0x0, v54;
	s15 =	sshra.s32 s15, $0x1F;
	s17 =	spop (v2sf);
	v27 =	vsel vm15, s25, v27;
	s25 =	rddreg [dreg:$0x12]  }
0x204: {  	(v2sf) =	vpush v17, $0x6;
	v20 =	vsel vm0, s4, v61;
	s11 =	sshra.s32 s23, $0x1F;
	v56 =	vsel vm0, s24, v29;
	s23 =	spop (v2sf);
	s31 =	sshra.s32 s25, $0x1F  }
0x205: {  	v32 =	vsel vm7, s26, v27;
	v27 =	vsel vm2, s13, v55;
	s13 =	smul.u32 $0x14F8B589, s11;
	s26 =	sshrl.u32 s30, $0x1F;
	v57 =	vmov s31;
	s31 =	rddreg [dreg:$0x10]  }
0x206: {  	v18 =	vcombine.low v43, v39;
	v20 =	vsel vm1, s3, v20;
	v28 =	vsel vm1, s28, v56;
	s11 =	smulhi.u32 $0x14F8B589, s17;
	s17 =	sshra.s32 s17, $0x1F;
	s24 =	sshrl.u32 s31, $0x1F  }
0x207: {  	v35 =	vsel vm2, s1, v20;
	s17 =	smul.u32 $0x14F8B589, s17;
	v29 =	vsel vm3, s2, v57;
	s2 =	spop (v2sf);
	s1 =	sadd.s32 s13, s10;
	v28 =	vsel vm2, s24, v28  }
0x208: {  	v19 =	vperm.xlane v44, v6;
	v23 =	vcombine.low v24, v48;
	s20 =	spop (v2sf);
	s24 =	sshra.s32 s29, $0xD;
	v28 =	vsel vm4, s26, v28;
	s26 =	rddreg [dreg:$0xe]  }
0x209: {  	v18 =	vperm.xlane v18, v5;
	(v2sf) =	vpush v17, $0x7;
	v29 =	vsel vm9, s18, v29;
	s29 =	smov.u32 s25;
	s19 =	spop (v2sf);
	s14 =	smulhi.u32 $0x14F8B589, s20  }
0x20a: {  	v23 =	vperm.xlane v23, v5;
	v25 =	vperm.xlane v25, v6;
	v34 =	vsel vm0, s22, v29;
	s20 =	sshra.s32 s20, $0x1F;
	s28 =	sshrl.u32 s26, $0x1F;
	s18 =	spop (v2sf)  }
0x20b: {  	v60 =	vmov s9;
	s10 =	sshrl.u32 s1, $0x1F;
	v59 =	vsel vm10, s15, v34;
	s20 =	smul.u32 $0x14F8B589, s20;
	v28 =	vsel vm5, s28, v28;
	s28 =	rddreg [dreg:$0xd]  }
0x20c: {  	v18 =	vsel vm8, v19, v18;
	v34 =	vsel vm0, s5, v60;
	v33 =	vsel vm1, s24, v59;
	s15 =	spop (v2sf);
	s24 =	sshrl.u32 s25, $0x1F;
	s25 =	sshra.s32 s31, $0xD  }
0x20d: {  	v25 =	vsel vm8, v25, v23;
	v34 =	vsel vm1, s7, v34;
	s22 =	sshrl.u32 s28, $0x1F;
	v33 =	vsel vm11, s21, v33;
	s9 =	spop (v2sf);
	s21 =	smulhi.u32 $0x14F8B589, s23  }
0x20e: {  	v21 =	vcombine.low v22, v21;
	v18 =	vadd.s32 v18, v25;
	v63 =	vsel vm2, s0, v34;
	s0 =	sadd.s32 s8, s6;
	s8 =	smulhi.u32 $0x14F8B589, s19;
	s19 =	sshra.s32 s19, $0x1F  }
0x20f: {  	v18 =	vmul.u32 $0x186A0, v18;
	s4 =	sshra.s32 s28, $0x1F;
	v28 =	vsel vm6, s22, v28;
	v33 =	vsel vm2, s25, v33;
	s25 =	sshra.s32 s23, $0x1F;
	s13 =	smul.u32 $0x14F8B589, s19  }
0x210: {  	v21 =	vperm.xlane v21, v5;
	v40 =	vperm.xlane v26, v6;
	s7 =	spop (v2sf);
	s19 =	smulhi.u32 $0x14F8B589, s18;
	v28 =	vsel vm7, s24, v28;
	s24 =	sshra.s32 s31, $0x1F  }
0x211: {  	v38 =	vcombine.low v31, v30;
	v18 =	vsub.s32 v15, v18;
	s23 =	sshra.s32 s26, $0x1F;
	s31 =	sshra.s32 s30, $0xD;
	s22 =	smul.u32 $0x14F8B589, s25;
	v33 =	vsel vm12, s24, v33  }
0x212: {  	v39 =	vadd.s32 $0x186A0, v18;
	v21 =	vsel vm8, v40, v21;
	s5 =	spop (v2sf);
	s25 =	smulhi.u32 $0x14F8B589, s2;
	s24 =	sshra.s32 s30, $0x1F;
	v62 =	vsel vm4, s31, v33  }
0x213: {  	v56 =	vor.u32 v4, v13;
	v19 =	vcombine.low v35, v63;
	s30 =	sshra.s32 s26, $0xD;
	s26 =	sshra.s32 s28, $0xD;
	s28 =	sshra.s32 s7, $0x1F;
	v24 =	vsel vm13, s24, v62  }
0x214: {  	v41 =	vperm.xlane v32, v6;
	v47 =	vcombine.low v58, v27;
	s31 =	sshra.s32 s2, $0x1F;
	s2 =	spop (v2sf);
	s3 =	sadd.s32 s22, s21;
	v24 =	vsel vm5, s30, v24  }
0x215: {  	v50 =	vperm.xlane v28, v6;
	v19 =	vperm.xlane v19, v5;
	s22 =	sshra.s32 s18, $0x1F;
	s24 =	sshra.s32 s29, $0xD;
	s29 =	rddreg [dreg:$0xc];
	v34 =	vsel vm14, s23, v24  }
0x216: {  	s18 =	smulhi.u32 $0x14F8B589, s15;
	s15 =	sshra.s32 s15, $0x1F;
	vm14 =	vmmov vm13;
	vm13 =	vmmov vm12;
	v23 =	vsel vm6, s26, v34;
	s26 =	rddreg [dreg:$0xb]  }
0x217: {  	s30 =	smul.u32 $0x14F8B589, s31;
	vm12 =	vmmov vm11;
	vm11 =	vmmov vm10;
	vm10 =	vmmov vm9;
	s23 =	sshrl.u32 s3, $0x1F;
	s6 =	sshrl.u32 s26, $0x1F  }
0x218: {  	s15 =	smul.u32 $0x14F8B589, s15;
	s21 =	spop (v2sf);
	s31 =	sshrl.u32 s29, $0x1F;
	vm9 =	vlt.s32 v18, $0x0;
	v42 =	vmov s23;
	v37 =	vmov s6  }
0x219: {  	v18 =	vsel vm9, v39, v18;
	v36 =	vsel vm15, s4, v23;
	s4 =	sadd.s32 s30, s25;
	s25 =	smulhi.u32 $0x14F8B589, s7;
	s6 =	sshrl.u32 s0, $0x1F;
	v22 =	vsel vm0, s31, v37  }
0x21a: {  	s15 =	sadd.s32 s15, s18;
	s3 =	sshra.s32 s3, $0xD;
	vm9 =	vlt.s32 v15, $0x0;
	v20 =	vsel vm7, s24, v36;
	s24 =	smul.u32 $0x14F8B589, s22;
	v22 =	vsel vm1, s6, v22  }
0x21b: {  	v23 =	vperm.xlane v38, v5;
	v24 =	vadd.s32 $0x106E0, v18;
	s22 =	smulhi.u32 $0x14F8B589, s21;
	v22 =	vsel vm2, s10, v22;
	s10 =	sadd.s32 s13, s8;
	s8 =	sshra.s32 s21, $0x1F  }
0x21c: {  	v53 =	vmov s3;
	s7 =	sadd.s32 s20, s14;
	vm15 =	vcmask $0x2F2C;
	v18 =	vsel vm9, v24, v18;
	s6 =	sadd.s32 s17, s11;
	s8 =	smul.u32 $0x14F8B589, s8  }
0x21d: {  	s20 =	smulhi.u32 $0x14F8B589, s5;
	s5 =	sshra.s32 s5, $0x1F;
	v23 =	vsel vm8, v41, v23;
	v43 =	vshll.u32 v18, $0x2;
	vm9 =	vgt.s32 v18, $0x1869F;
	s30 =	sshrl.u32 s6, $0x1F  }
0x21e: {  	s5 =	smul.u32 $0x14F8B589, s5;
	s31 =	sshrl.u32 s4, $0x1F;
	v20 =	vperm.xlane v20, v6;
	v21 =	vadd.s32 v21, v23;
	v15 =	vsel vm0, s30, v42;
	s8 =	sadd.s32 s8, s22  }
0x21f: {  	s0 =	sshra.s32 s0, $0xD;
	s17 =	sadd.s32 s24, s19;
	v45 =	vadd.s32 $0xFFF9E580, v43;
	v21 =	vmul.u32 $0x186A0, v21;
	v15 =	vsel vm1, s31, v15;
	s31 =	sshra.s32 s8, $0x1F  }
0x220: {  	s19 =	sshrl.u32 s15, $0x1F;
	v18 =	vsel vm9, v45, v43;
	v19 =	vsel vm8, v20, v19;
	s23 =	sshrl.u32 s10, $0x1F;
	s18 =	sshra.s32 s10, $0xD;
	v48 =	vmov s31  }
0x221: {  	s13 =	smulhi.u32 $0x14F8B589, s9;
	s9 =	sshra.s32 s9, $0x1F;
	s10 =	sshra.s32 s10, $0x1F;
	v44 =	vmov s23;
	v21 =	vsub.s32 v14, v21;
	v25 =	vsel vm3, s18, v48  }
0x222: {  	s21 =	sshra.s32 s17, $0xD;
	s30 =	smul.u32 $0x14F8B589, s28;
	s28 =	sshrl.u32 s7, $0x1F;
	v24 =	vnsel vm3, $0x0, v44;
	vm9 =	vlt.s32 v21, $0x0;
	v25 =	vsel vm10, s10, v25  }
0x223: {  	s24 =	sshrl.u32 s17, $0x1F;
	s9 =	smul.u32 $0x14F8B589, s9;
	s23 =	sshra.s32 s17, $0x1F;
	v49 =	vadd.s32 $0x186A0, v21;
	v15 =	vsel vm2, s28, v15;
	v25 =	vsel vm0, s21, v25  }
0x224: {  	s5 =	sadd.s32 s5, s20;
	s11 =	sadd.s32 s30, s25;
	s25 =	sshra.s32 s15, $0xD;
	v46 =	vsel vm0, s24, v24;
	v24 =	vperm.xlane v47, v5;
	v25 =	vsel vm11, s23, v25  }
0x225: {  	s6 =	sshra.s32 s6, $0xD;
	s9 =	sadd.s32 s9, s13;
	s15 =	sshra.s32 s15, $0x1F;
	v21 =	vsel vm9, v49, v21;
	vm9 =	vlt.s32 v14, $0x0;
	v14 =	vsel vm1, s25, v25  }
0x226: {  	s22 =	sshrl.u32 s9, $0x1F;
	s24 =	smulhi.u32 $0x14F8B589, s2;
	v15 =	vcombine.low v15, v22;
	v23 =	vsel vm1, s19, v46;
	s31 =	sshra.s32 s9, $0xD;
	v14 =	vsel vm12, s15, v14  }
0x227: {  	s2 =	sshra.s32 s2, $0x1F;
	s9 =	sshra.s32 s9, $0x1F;
	s19 =	sshra.s32 s26, $0xD;
	v54 =	vadd.s32 $0x106E0, v21;
	v23 =	vsel vm2, s22, v23;
	v14 =	vsel vm2, s31, v14  }
0x228: {  	s30 =	sshrl.u32 s11, $0x1F;
	s2 =	smul.u32 $0x14F8B589, s2;
	v24 =	vsel vm8, v50, v24;
	s18 =	sshra.s32 s11, $0xD;
	v52 =	vmov s19;
	v14 =	vsel vm13, s9, v14  }
0x229: {  	s17 =	sshrl.u32 s5, $0x1F;
	s20 =	sshra.s32 s11, $0x1F;
	v51 =	vsel vm4, s30, v23;
	v23 =	vsel vm0, s6, v53;
	s21 =	sshra.s32 s29, $0xD;
	v14 =	vsel vm4, s18, v14  }
0x22a: {  	s4 =	sshra.s32 s4, $0xD;
	s22 =	sshra.s32 s5, $0xD;
	s2 =	sadd.s32 s2, s24;
	v20 =	vsel vm5, s17, v51;
	v22 =	vsel vm0, s21, v52;
	v14 =	vsel vm14, s20, v14  }
0x22b: {  	s24 =	sshra.s32 s1, $0xD;
	s10 =	sshrl.u32 s2, $0x1F;
	v23 =	vsel vm1, s4, v23;
	s23 =	sshra.s32 s5, $0x1F;
	v22 =	vsel vm1, s0, v22;
	v14 =	vsel vm5, s22, v14  }
0x22c: {  	s26 =	sshra.s32 s2, $0xD;
	v20 =	vsel vm6, s10, v20;
	s25 =	sshra.s32 s7, $0xD;
	v22 =	vsel vm2, s24, v22;
	v14 =	vsel vm15, s23, v14  }
0x22d: {  	s28 =	sshrl.u32 s8, $0x1F;
	s29 =	sshra.s32 s2, $0x1F;
	v23 =	vsel vm2, s25, v23;
	vm15 =	vcmask $0x3734;
	v14 =	vsel vm6, s26, v14  }
0x22e: {  	s30 =	sshra.s32 s8, $0xD;
	v20 =	vsel vm7, s28, v20;
	v22 =	vcombine.low v23, v22;
	v14 =	vsel vm15, s29, v14  }
0x22f: {  	v15 =	vperm.xlane v15, v5;
	v20 =	vperm.xlane v20, v6;
	v14 =	vsel vm7, s30, v14  }
0x230: {  	v19 =	vadd.s32 v24, v19;
	v22 =	vperm.xlane v22, v5;
	v14 =	vperm.xlane v14, v6  }
0x231: {  	v57 =	vor.u32 v8, v13;
	v21 =	vsel vm9, v54, v21;
	v19 =	vmul.u32 $0x186A0, v19  }
0x232: {  	vm9 =	vgt.s32 v21, $0x1869F;
	v15 =	vsel vm8, v20, v15;
	v14 =	vsel vm8, v14, v22  }
0x233: {  	v55 =	vsel vm9, $0xFFF9E581, v7;
	v19 =	vsub.s32 v16, v19;
	v14 =	vadd.s32 v15, v14  }
0x234: {  	vm9 =	vlt.s32 v19, $0x0;
	v15 =	vadd.s32 $0x186A0, v19;
	v14 =	vmul.u32 $0x186A0, v14  }
0x235: {  	v60 =	vor.u32 v10, v13;
	v21 =	vshll.u32 v21, $0x2;
	v15 =	vsel vm9, v15, v19  }
0x236: {  	vm9 =	vlt.s32 v16, $0x0;
	v58 =	vadd.s32 $0x106E0, v15;
	v14 =	vsub.s32 v17, v14  }
0x237: {  	v15 =	vsel vm9, v58, v15;
	vm9 =	vlt.s32 v14, $0x0;
	v59 =	vadd.s32 $0x186A0, v14  }
0x238: {  	v13 =	vor.u32 v12, v13;
	s31 =	rddreg [dreg:$0xa];
	v20 =	vadd.s32 v21, v55;
	v14 =	vsel vm9, v59, v14  }
0x239: {  	p0 =	sne.s32 s31, $0xC6;
	vm15 =	vcmask $0x3734;
	vm9 =	vlt.s32 v17, $0x0;
	v61 =	vadd.s32 $0x106E0, v14  }
.Ltmp0:
0x23a: {  	s1 =	simm.s32 $0x4200;
	v14 =	vsel vm9, v61, v14;
	vm9 =	vgt.s32 v15, $0x1869F;
	v15 =	vshll.u32 v15, $0x2;
	(pc) =	sbr.rel @p0 .LBB2_2-.Ltmp0, $4  }
0x23b: {  	[tilespmem:v56+s1+$0x0] =	vst.idx.msk $0xffff, v18;
	v62 =	vsel vm9, $0xFFF9E582, v9;
	vm9 =	vgt.s32 v14, $0x1869F;
	v14 =	vshll.u32 v14, $0x2  }
0x23c: {  	[tilespmem:v57+s1+$0x0] =	vst.idx.msk $0xffff, v20;
	v63 =	vsel vm9, $0xFFF9E583, v11;
	vm9 =	vmmov vm10;
	v15 =	vadd.s32 v15, v62  }
0x23d: {  	vm10 =	vmmov vm11;
	vm11 =	vmmov vm12;
	[tilespmem:v60+s1+$0x0] =	vst.idx.msk $0xffff, v15;
	v14 =	vadd.s32 v14, v63  }
0x23e: {  	s6 =	simm.s32 $0x0;
	s0 =	sadd.s32 $0x2, s31;
	vm12 =	vmmov vm13;
	vm13 =	vmmov vm14;
	vm14 =	vcmask $0x2F2C;
	[tilespmem:v13+s1+$0x0] =	vst.idx.msk $0xffff, v14  }
0x23f: {  	v13 =	vld [tilespmem:$0x4000]  }
0x240: {  	v14 =	vld [tilespmem:$0x4010]  }
0x241: {  	v15 =	vld [tilespmem:$0x4020]  }
0x242: {  	v16 =	vld [tilespmem:$0x4030]  }
0x243: {  	v17 =	vld [tilespmem:$0x4040]  }
0x244: {  	v18 =	vld [tilespmem:$0x4050]  }
0x245: {  	v19 =	vld [tilespmem:$0x4060]  }
0x246: {  	v20 =	vld [tilespmem:$0x4070]  }
0x247: {  	v21 =	vld [tilespmem:$0x4080]  }
0x248: {  	v22 =	vld [tilespmem:$0x4090]  }
0x249: {  	v23 =	vld [tilespmem:$0x40A0]  }
0x24a: {  	v24 =	vld [tilespmem:$0x40B0]  }
0x24b: {  	v25 =	vld [tilespmem:$0x40C0]  }
0x24c: {  	v26 =	vld [tilespmem:$0x40D0]  }
0x24d: {  	v27 =	vld [tilespmem:$0x40E0]  }
0x24e: {  	v28 =	vld [tilespmem:$0x40F0]  }
0x24f: {  	v29 =	vld [tilespmem:$0x4100]  }
0x250: {  	v30 =	vld [tilespmem:$0x4110]  }
0x251: {  	v31 =	vld [tilespmem:$0x4120]  }
0x252: {  	v32 =	vld [tilespmem:$0x4130]  }
0x253: {  	v33 =	vld [tilespmem:$0x4140]  }
0x254: {  	v34 =	vld [tilespmem:$0x4150]  }
0x255: {  	v35 =	vld [tilespmem:$0x4160]  }
0x256: {  	v36 =	vld [tilespmem:$0x4170]  }
0x257: {  	v37 =	vld [tilespmem:$0x4180]  }
0x258: {  	v38 =	vld [tilespmem:$0x4190]  }
0x259: {  	v39 =	vld [tilespmem:$0x41A0]  }
0x25a: {  	v40 =	vld [tilespmem:$0x41B0];
	s4 =	rddreg [dreg:$0x1]  }
0x25b: {  	v41 =	vld [tilespmem:$0x41C0];
	s8 =	simm.s32 $0x5E00;
	s5 =	rddreg [dreg:$0x5]  }
0x25c: {  	v42 =	vld [tilespmem:$0x41D0];
	s21 =	simm.s32 $0x0;
	s7 =	rddreg [dreg:$0x6];
	s9 =	simm.s32 $0x9E00  }
0x25d: {  	v43 =	vld [tilespmem:$0x41E0];
	s10 =	simm.s32 $0x1;
	s11 =	simm.s32 $0x2;
	s13 =	simm.s32 $0x4  }
0x25e: {  	v44 =	vld [tilespmem:$0x41F0];
	[tilespmem:s8], [sflag:$0x1] =	stream.indirect.gather [hbm4b:s4+s12], $0x80, s1, s12, $0xb8  }
.LBB2_4:
0x25f: {  	s22 =	sshllo.u32 s21, $0x1  }
0x260: {  	s0 =	sshll.u32 s22, $0x7  }
0x261: {  	s0 =	sand.u32 $0x3FFFFF80, s0  }
0x262: {  	s0 =	sadd.s32 $0x4200, s0  }
0x263: {  	[tilespmem:s9], [sflag:$0x2] =	stream.indirect.gather [hbm4b:s4+s12], $0x80, s0, s12, $0xb8;
	[tilespmem:$0x15E00] =	vst v63  }
0x264: {  	_ =	swait.ge [sflag:s10], $0x4000  }
0x265: {  	p0 =	seq.s32 s21, $0x0;
	[sflag:s10] =	ssyncset.done $0x0  }
0x266: {  	s0 =	simm.s32 @!p0 $0x3;
	[sflag:s10] =	ssyncadd.s32 $0xFFFFC000  }
0x267: {  	_ =	swait.ge @!p0 [sflag:s0], $0x4000  }
0x268: {  	[sflag:s0] =	ssyncset.done @!p0 $0x0  }
0x269: {  	s23 =	simm.s32 $0x0;
	[sflag:s0] =	ssyncadd.s32 @!p0 $0xFFFFC000  }
0x26a: {  	v45 =	vld [tilespmem:s23+$0x5FF0]  }
0x26b: {  	v46 =	vld [tilespmem:s23+$0x5E00]  }
0x26c: {  	v47 =	vld [tilespmem:s23+$0x5E10]  }
0x26d: {  	v48 =	vld [tilespmem:s23+$0x5E20]  }
0x26e: {  	v49 =	vld [tilespmem:s23+$0x5E30]  }
0x26f: {  	v50 =	vld [tilespmem:s23+$0x5E40]  }
0x270: {  	v51 =	vld [tilespmem:s23+$0x5E50]  }
0x271: {  	v52 =	vld [tilespmem:s23+$0x5E60];
	v45 =	vmul.f32 v45, v44  }
0x272: {  	v57 =	vld [tilespmem:s23+$0x5E90];
	v46 =	vmul.f32 v46, v13  }
0x273: {  	v59 =	vld [tilespmem:s23+$0x5EA0];
	v53 =	vmul.f32 v47, v14;
	[tilespmem:s23+$0xDFF0] =	vst v45  }
0x274: {  	v61 =	vld [tilespmem:s23+$0x5EB0];
	v54 =	vmul.f32 v48, v15;
	[tilespmem:s23+$0xDE00] =	vst v46  }
0x275: {  	v55 =	vld [tilespmem:s23+$0x5E80];
	v56 =	vmul.f32 v49, v16;
	[tilespmem:s23+$0xDE10] =	vst v53  }
0x276: {  	v63 =	vld [tilespmem:s23+$0x5EC0];
	v58 =	vmul.f32 v50, v17;
	[tilespmem:s23+$0xDE20] =	vst v54  }
0x277: {  	v60 =	vmul.f32 v51, v18;
	v47 =	vmul.f32 v57, v22;
	v57 =	vld [tilespmem:s23+$0x5F00];
	[tilespmem:s23+$0xDE30] =	vst v56  }
0x278: {  	v62 =	vmul.f32 v52, v19;
	v48 =	vmul.f32 v59, v23;
	v59 =	vld [tilespmem:s23+$0x5F20];
	[tilespmem:s23+$0xDE40] =	vst v58  }
0x279: {  	v49 =	vmul.f32 v61, v24;
	v61 =	vld [tilespmem:s23+$0x5F40];
	[tilespmem:s23+$0xDE50] =	vst v60  }
0x27a: {  	v46 =	vld [tilespmem:s23+$0x5E70];
	[tilespmem:s23+$0xDE60] =	vst v62  }
0x27b: {  	v54 =	vld [tilespmem:s23+$0x5ED0];
	[tilespmem:s23+$0xDE90] =	vst v47  }
0x27c: {  	v50 =	vmul.f32 v63, v25;
	v45 =	vmul.f32 v55, v21;
	v55 =	vld [tilespmem:s23+$0x5EE0];
	[tilespmem:s23+$0xDEA0] =	vst v48  }
0x27d: {  	v56 =	vld [tilespmem:s23+$0x5EF0];
	[tilespmem:s23+$0xDEB0] =	vst v49  }
0x27e: {  	[tilespmem:s23+$0xDEC0] =	vst v50;
	v60 =	vld [tilespmem:s23+$0x5F30];
	v47 =	vmul.f32 v57, v29  }
0x27f: {  	v62 =	vld [tilespmem:s23+$0x5F50];
	[tilespmem:s23+$0xDE80] =	vst v45;
	v57 =	vmul.f32 v59, v31  }
0x280: {  	v58 =	vld [tilespmem:s23+$0x5F10];
	v46 =	vmul.f32 v46, v20;
	[tilespmem:s23+$0xDF00] =	vst v47  }
0x281: {  	v51 =	vmul.f32 v54, v26;
	[tilespmem:s23+$0xDF20] =	vst v57  }
0x282: {  	v63 =	vld [tilespmem:s23+$0x5F60];
	v45 =	vmul.f32 v56, v28;
	[tilespmem:s23+$0xDE70] =	vst v46  }
0x283: {  	v59 =	vmul.f32 v60, v32;
	[tilespmem:s23+$0xDED0] =	vst v51  }
0x284: {  	v56 =	vld [tilespmem:s23+$0x5F70];
	v60 =	vmul.f32 v61, v33;
	v61 =	vmul.f32 v62, v34;
	[tilespmem:s23+$0xDEF0] =	vst v45  }
0x285: {  	v46 =	vmul.f32 v55, v27;
	v55 =	vmul.f32 v58, v30;
	v58 =	vld [tilespmem:s23+$0x5F80];
	[tilespmem:s23+$0xDF30] =	vst v59  }
0x286: {  	v53 =	vld [tilespmem:s23+$0x5F90];
	[tilespmem:s23+$0xDF40] =	vst v60  }
0x287: {  	v62 =	vmul.f32 v63, v35;
	v45 =	vld [tilespmem:s23+$0x5FA0];
	[tilespmem:s23+$0xDF50] =	vst v61  }
0x288: {  	[tilespmem:s23+$0xDEE0] =	vst v46;
	v46 =	vld [tilespmem:s23+$0x5FB0]  }
0x289: {  	v47 =	vld [tilespmem:s23+$0x5FC0];
	[tilespmem:s23+$0xDF60] =	vst v62;
	v63 =	vmul.f32 v56, v36  }
0x28a: {  	v48 =	vld [tilespmem:s23+$0x5FD0];
	[tilespmem:s23+$0xDF10] =	vst v55;
	v50 =	vmul.f32 v58, v37  }
0x28b: {  	s1 =	simm.s32 $0x1000;
	s0 =	simm.s32 $0x200;
	v49 =	vld [tilespmem:s23+$0x5FE0];
	v51 =	vmul.f32 v53, v38;
	[tilespmem:s23+$0xDF70] =	vst v63  }
.LBB2_5:
0x28c: {  	p1 =	sne.s32 s1, $0xF800;
	v52 =	vld [tilespmem:s0+$0x5FF0];
	[tilespmem:s23+$0xDF80] =	vst v50;
	v45 =	vmul.f32 v45, v39  }
0x28d: {  	v50 =	vld [tilespmem:s0+$0x5E00];
	[tilespmem:s23+$0xDF90] =	vst v51;
	v46 =	vmul.f32 v46, v40  }
0x28e: {  	v51 =	vld [tilespmem:s0+$0x5E10];
	[tilespmem:s23+$0xDFA0] =	vst v45;
	v45 =	vmul.f32 v47, v41  }
0x28f: {  	v47 =	vld [tilespmem:s0+$0x5E20];
	[tilespmem:s23+$0xDFB0] =	vst v46;
	v46 =	vmul.f32 v48, v42  }
0x290: {  	v48 =	vld [tilespmem:s0+$0x5E30];
	[tilespmem:s23+$0xDFC0] =	vst v45;
	v45 =	vmul.f32 v49, v43  }
0x291: {  	v49 =	vld [tilespmem:s0+$0x5E40];
	v52 =	vmul.f32 v52, v44;
	[tilespmem:s23+$0xDFD0] =	vst v46  }
0x292: {  	v46 =	vmul.f32 v50, v13;
	v50 =	vld [tilespmem:s0+$0x5E50];
	[tilespmem:s23+$0xDFE0] =	vst v45;
	s23 =	smov.u32 s0  }
0x293: {  	v45 =	vmul.f32 v51, v14;
	v51 =	vld [tilespmem:s23+$0x5E60];
	[tilespmem:s23+$0xDFF0] =	vst v52  }
0x294: {  	[tilespmem:s23+$0xDE00] =	vst v46;
	v46 =	vmul.f32 v47, v15;
	v47 =	vld [tilespmem:s23+$0x5E70]  }
0x295: {  	[tilespmem:s23+$0xDE10] =	vst v45;
	v45 =	vmul.f32 v48, v16;
	v48 =	vld [tilespmem:s23+$0x5E80]  }
0x296: {  	[tilespmem:s23+$0xDE20] =	vst v46;
	v46 =	vmul.f32 v49, v17;
	v49 =	vld [tilespmem:s23+$0x5E90]  }
0x297: {  	[tilespmem:s23+$0xDE30] =	vst v45;
	v45 =	vmul.f32 v50, v18;
	v50 =	vld [tilespmem:s23+$0x5EA0]  }
0x298: {  	[tilespmem:s23+$0xDE40] =	vst v46;
	v46 =	vmul.f32 v51, v19;
	v51 =	vld [tilespmem:s23+$0x5EB0]  }
0x299: {  	[tilespmem:s23+$0xDE50] =	vst v45;
	v45 =	vmul.f32 v47, v20;
	v47 =	vld [tilespmem:s23+$0x5EC0]  }
0x29a: {  	[tilespmem:s23+$0xDE60] =	vst v46;
	v46 =	vmul.f32 v48, v21;
	v48 =	vld [tilespmem:s23+$0x5ED0]  }
0x29b: {  	[tilespmem:s23+$0xDE70] =	vst v45;
	v45 =	vmul.f32 v49, v22;
	v49 =	vld [tilespmem:s23+$0x5EE0]  }
0x29c: {  	[tilespmem:s23+$0xDE80] =	vst v46;
	v46 =	vmul.f32 v50, v23;
	v50 =	vld [tilespmem:s23+$0x5EF0]  }
0x29d: {  	[tilespmem:s23+$0xDE90] =	vst v45;
	v45 =	vmul.f32 v51, v24;
	v51 =	vld [tilespmem:s23+$0x5F00]  }
0x29e: {  	[tilespmem:s23+$0xDEA0] =	vst v46;
	v46 =	vmul.f32 v47, v25;
	v47 =	vld [tilespmem:s23+$0x5F10]  }
0x29f: {  	[tilespmem:s23+$0xDEB0] =	vst v45;
	v45 =	vmul.f32 v48, v26;
	v48 =	vld [tilespmem:s23+$0x5F20]  }
0x2a0: {  	[tilespmem:s23+$0xDEC0] =	vst v46;
	v46 =	vmul.f32 v49, v27;
	v49 =	vld [tilespmem:s23+$0x5F30]  }
0x2a1: {  	[tilespmem:s23+$0xDED0] =	vst v45;
	v45 =	vmul.f32 v50, v28;
	v50 =	vld [tilespmem:s23+$0x5F40]  }
0x2a2: {  	[tilespmem:s23+$0xDEE0] =	vst v46;
	v46 =	vmul.f32 v51, v29;
	v51 =	vld [tilespmem:s23+$0x5F50]  }
0x2a3: {  	[tilespmem:s23+$0xDEF0] =	vst v45;
	v45 =	vmul.f32 v47, v30;
	v47 =	vld [tilespmem:s23+$0x5F60]  }
0x2a4: {  	[tilespmem:s23+$0xDF00] =	vst v46;
	v46 =	vmul.f32 v48, v31;
	v48 =	vld [tilespmem:s23+$0x5F70]  }
0x2a5: {  	[tilespmem:s23+$0xDF10] =	vst v45;
	v45 =	vmul.f32 v49, v32;
	v49 =	vld [tilespmem:s23+$0x5F80]  }
0x2a6: {  	[tilespmem:s23+$0xDF20] =	vst v46;
	v46 =	vmul.f32 v50, v33;
	v52 =	vld [tilespmem:s23+$0x5F90]  }
.Ltmp1:
0x2a7: {  	[tilespmem:s23+$0xDF30] =	vst v45;
	v50 =	vmul.f32 v51, v34;
	v45 =	vld [tilespmem:s23+$0x5FA0];
	(pc) =	sbr.rel @p1 .LBB2_5-.Ltmp1, $4  }
0x2a8: {  	[tilespmem:s23+$0xDF40] =	vst v46;
	v51 =	vmul.f32 v47, v35;
	v46 =	vld [tilespmem:s23+$0x5FB0]  }
0x2a9: {  	[tilespmem:s23+$0xDF50] =	vst v50;
	v53 =	vmul.f32 v48, v36;
	v47 =	vld [tilespmem:s23+$0x5FC0]  }
0x2aa: {  	[tilespmem:s23+$0xDF60] =	vst v51;
	v50 =	vmul.f32 v49, v37;
	v48 =	vld [tilespmem:s23+$0x5FD0]  }
0x2ab: {  	s0 =	sshra.s32 s1, $0x2;
	s1 =	sadd.s32 $0x800, s1;
	[tilespmem:s23+$0xDF70] =	vst v53;
	v51 =	vmul.f32 v52, v38;
	v49 =	vld [tilespmem:s23+$0x5FE0]  }
0x2ac: {  	v52 =	vld [tilespmem:s0+$0x5FF0];
	[tilespmem:s23+$0xDF80] =	vst v50;
	v45 =	vmul.f32 v45, v39  }
0x2ad: {  	v50 =	vld [tilespmem:s0+$0x5E00];
	[tilespmem:s23+$0xDF90] =	vst v51;
	v46 =	vmul.f32 v46, v40  }
0x2ae: {  	v51 =	vld [tilespmem:s0+$0x5E10];
	[tilespmem:s23+$0xDFA0] =	vst v45;
	v47 =	vmul.f32 v47, v41  }
0x2af: {  	v45 =	vld [tilespmem:s0+$0x5E20];
	[tilespmem:s23+$0xDFB0] =	vst v46;
	v48 =	vmul.f32 v48, v42  }
0x2b0: {  	v46 =	vld [tilespmem:s0+$0x5E30];
	[tilespmem:s23+$0xDFC0] =	vst v47;
	v49 =	vmul.f32 v49, v43  }
0x2b1: {  	v47 =	vld [tilespmem:s0+$0x5E40];
	[tilespmem:s23+$0xDFD0] =	vst v48;
	v52 =	vmul.f32 v52, v44  }
0x2b2: {  	v48 =	vld [tilespmem:s0+$0x5E50];
	[tilespmem:s23+$0xDFE0] =	vst v49;
	v62 =	vmul.f32 v50, v13  }
0x2b3: {  	v63 =	vld [tilespmem:s0+$0x5E60];
	[tilespmem:s0+$0xDFF0] =	vst v52;
	v51 =	vmul.f32 v51, v14  }
0x2b4: {  	v54 =	vld [tilespmem:s0+$0x5E70];
	[tilespmem:s0+$0xDE00] =	vst v62;
	v45 =	vmul.f32 v45, v15  }
0x2b5: {  	v55 =	vld [tilespmem:s0+$0x5E80];
	[tilespmem:s0+$0xDE10] =	vst v51;
	v46 =	vmul.f32 v46, v16  }
0x2b6: {  	v56 =	vld [tilespmem:s0+$0x5E90];
	[tilespmem:s0+$0xDE20] =	vst v45;
	v47 =	vmul.f32 v47, v17  }
0x2b7: {  	v57 =	vld [tilespmem:s0+$0x5EA0];
	[tilespmem:s0+$0xDE30] =	vst v46;
	v48 =	vmul.f32 v48, v18  }
0x2b8: {  	v58 =	vld [tilespmem:s0+$0x5EB0];
	[tilespmem:s0+$0xDE40] =	vst v47;
	v50 =	vmul.f32 v63, v19  }
0x2b9: {  	v59 =	vld [tilespmem:s0+$0x5EC0];
	v49 =	vmul.f32 v54, v20;
	[tilespmem:s0+$0xDE50] =	vst v48  }
0x2ba: {  	v60 =	vld [tilespmem:s0+$0x5ED0];
	v51 =	vmul.f32 v55, v21;
	[tilespmem:s0+$0xDE60] =	vst v50  }
0x2bb: {  	v61 =	vld [tilespmem:s0+$0x5EE0];
	v45 =	vmul.f32 v56, v22;
	[tilespmem:s0+$0xDE70] =	vst v49  }
0x2bc: {  	v62 =	vld [tilespmem:s0+$0x5EF0];
	v46 =	vmul.f32 v57, v23;
	[tilespmem:s0+$0xDE80] =	vst v51  }
0x2bd: {  	v63 =	vld [tilespmem:s0+$0x5F00];
	v47 =	vmul.f32 v58, v24;
	[tilespmem:s0+$0xDE90] =	vst v45  }
0x2be: {  	v54 =	vld [tilespmem:s0+$0x5F10];
	v48 =	vmul.f32 v59, v25;
	[tilespmem:s0+$0xDEA0] =	vst v46  }
0x2bf: {  	v55 =	vld [tilespmem:s0+$0x5F20];
	[tilespmem:s0+$0xDEB0] =	vst v47;
	v50 =	vmul.f32 v60, v26  }
0x2c0: {  	v56 =	vld [tilespmem:s0+$0x5F30];
	v49 =	vmul.f32 v61, v27;
	[tilespmem:s0+$0xDEC0] =	vst v48  }
0x2c1: {  	v57 =	vld [tilespmem:s0+$0x5F40];
	v51 =	vmul.f32 v62, v28;
	[tilespmem:s0+$0xDED0] =	vst v50  }
0x2c2: {  	v58 =	vld [tilespmem:s0+$0x5F50];
	[tilespmem:s0+$0xDEE0] =	vst v49;
	v45 =	vmul.f32 v63, v29  }
0x2c3: {  	v59 =	vld [tilespmem:s0+$0x5F60];
	[tilespmem:s0+$0xDEF0] =	vst v51;
	v46 =	vmul.f32 v54, v30  }
0x2c4: {  	v60 =	vld [tilespmem:s0+$0x5F70];
	v47 =	vmul.f32 v55, v31;
	[tilespmem:s0+$0xDF00] =	vst v45  }
0x2c5: {  	v61 =	vld [tilespmem:s0+$0x5F80];
	v48 =	vmul.f32 v56, v32;
	[tilespmem:s0+$0xDF10] =	vst v46  }
0x2c6: {  	v62 =	vld [tilespmem:s0+$0x5F90];
	v50 =	vmul.f32 v57, v33;
	[tilespmem:s0+$0xDF20] =	vst v47  }
0x2c7: {  	v63 =	vld [tilespmem:s0+$0x5FA0];
	v49 =	vmul.f32 v58, v34;
	[tilespmem:s0+$0xDF30] =	vst v48  }
0x2c8: {  	v54 =	vld [tilespmem:s0+$0x5FB0];
	v51 =	vmul.f32 v59, v35;
	[tilespmem:s0+$0xDF40] =	vst v50  }
0x2c9: {  	v55 =	vld [tilespmem:s0+$0x5FC0];
	[tilespmem:s0+$0xDF50] =	vst v49;
	v45 =	vmul.f32 v60, v36  }
0x2ca: {  	s1 =	sshll.u32 s21, $0x3;
	v56 =	vld [tilespmem:s0+$0x5FD0];
	v46 =	vmul.f32 v61, v37;
	[tilespmem:s0+$0xDF60] =	vst v51  }
0x2cb: {  	s1 =	sadd.s32 s5, s1;
	v58 =	vld [tilespmem:s0+$0x5FE0];
	v57 =	vmul.f32 v62, v38;
	[tilespmem:s0+$0xDF70] =	vst v45  }
0x2cc: {  	s2 =	sand.u32 $0x78, s1;
	[tilespmem:s0+$0xDF80] =	vst v46;
	v59 =	vmul.f32 v63, v39  }
0x2cd: {  	s3 =	sshll.u32 s1, $0x2;
	s2 =	smul.u32 $0x38000, s2;
	[tilespmem:s0+$0xDF90] =	vst v57;
	v60 =	vmul.f32 v54, v40  }
0x2ce: {  	s3 =	sand.u32 $0x7FFFF000, s3;
	v61 =	vmul.f32 v55, v41;
	[tilespmem:s0+$0xDFA0] =	vst v59  }
0x2cf: {  	s1 =	sand.u32 $0x380, s1;
	s2 =	sadd.s32 s3, s2;
	v62 =	vmul.f32 v56, v42;
	[tilespmem:s0+$0xDFB0] =	vst v60  }
0x2d0: {  	s1 =	sor.u32 s1, s2;
	v63 =	vmul.f32 v58, v43;
	[tilespmem:s0+$0xDFC0] =	vst v61  }
0x2d1: {  	s1 =	sshrl.u32 s1, $0x3;
	[tilespmem:s0+$0xDFD0] =	vst v62  }
0x2d2: {  	s31 =	simm.s32 $0xDE00;
	[tilespmem:s0+$0xDFE0] =	vst v63;
	s0 =	sadd.s32 s7, s1;
	s1 =	simm.s32 $0x800  }
0x2d3: {  	[hbm4b:s0+s12] =	stream.strided.scatter [tilespmem:s31], [sflag:$0x3], $0x200, s16, s12, $0x38;
	[tilespmem:$0x15E00] =	vst v63  }
.LBB2_7:
0x2d4: {  	p1 =	sne.s32 s1, $0xF800  }
.Ltmp2:
0x2d5: {  	_ = 	snop;
	(pc) =	sbr.rel @p1 .LBB2_7-.Ltmp2, $4  }
0x2d6: {  	_ = 	snop  }
0x2d7: {  	s2 =	sshra.s32 s1, $0x2;
	s1 =	sadd.s32 $0x800, s1  }
0x2d8: {  	s0 =	sadd.s32 $0xE00, s0;
	s2 =	sadd.s32 $0xDE00, s2  }
0x2d9: {  	[hbm4b:s0+s12] =	stream.strided.scatter [tilespmem:s2], [sflag:$0x3], $0x200, s16, s12, $0x38;
	[tilespmem:$0x15E00] =	vst v63  }
0x2da: {  	p1 =	sne.s32 s21, $0x18  }
.Ltmp3:
0x2db: {  	_ = 	snop;
	(pc) =	sbr.rel @p1 .LBB2_10-.Ltmp3, $1  }
0x2dc: {  	_ =	sdelay $0x3  }
.Ltmp4:
0x2dd: {  	(pc) =	sbr.rel .LBB2_11-.Ltmp4, $4  }
0x2de: {  	_ = 	snop  }
0x2df: {  	_ =	swait.ge [sflag:s11], $0x4000  }
0x2e0: {  	[sflag:s11] =	ssyncset.done $0x0  }
0x2e1: {  	[sflag:s11] =	ssyncadd.s32 $0xFFFFC000  }
.LBB2_10:
0x2e2: {  	s0 =	sshll.u32 s21, $0x8  }
0x2e3: {  	s0 =	sand.u32 $0x3FFFFF00, s0  }
.Ltmp5:
0x2e4: {  	s0 =	sadd.s32 $0x4300, s0;
	(pc) =	sbr.rel @p0 .LBB2_12-.Ltmp5, $4  }
0x2e5: {  	[tilespmem:s8], [sflag:$0x1] =	stream.indirect.gather [hbm4b:s4+s12], $0x80, s0, s12, $0xb8;
	[tilespmem:$0x15E00] =	vst v63  }
0x2e6: {  	_ =	swait.ge [sflag:s11], $0x4000  }
0x2e7: {  	[sflag:s11] =	ssyncset.done $0x0  }
0x2e8: {  	[sflag:s11] =	ssyncadd.s32 $0xFFFFC000  }
.LBB2_11:
0x2e9: {  	_ =	swait.ge [sflag:s13], $0x4000  }
0x2ea: {  	[sflag:s13] =	ssyncset.done $0x0  }
0x2eb: {  	[sflag:s13] =	ssyncadd.s32 $0xFFFFC000  }
.LBB2_12:
0x2ec: {  	s23 =	simm.s32 $0x0  }
0x2ed: {  	v45 =	vld [tilespmem:s23+$0x9FF0]  }
0x2ee: {  	v46 =	vld [tilespmem:s23+$0x9E00]  }
0x2ef: {  	v47 =	vld [tilespmem:s23+$0x9E10]  }
0x2f0: {  	v48 =	vld [tilespmem:s23+$0x9E20]  }
0x2f1: {  	v49 =	vld [tilespmem:s23+$0x9E30]  }
0x2f2: {  	v50 =	vld [tilespmem:s23+$0x9E40]  }
0x2f3: {  	v51 =	vld [tilespmem:s23+$0x9E50]  }
0x2f4: {  	v52 =	vld [tilespmem:s23+$0x9E60];
	v45 =	vmul.f32 v45, v44  }
0x2f5: {  	v57 =	vld [tilespmem:s23+$0x9E90];
	v46 =	vmul.f32 v46, v13  }
0x2f6: {  	v59 =	vld [tilespmem:s23+$0x9EA0];
	v53 =	vmul.f32 v47, v14;
	[tilespmem:s23+$0x11FF0] =	vst v45  }
0x2f7: {  	v61 =	vld [tilespmem:s23+$0x9EB0];
	v54 =	vmul.f32 v48, v15;
	[tilespmem:s23+$0x11E00] =	vst v46  }
0x2f8: {  	v55 =	vld [tilespmem:s23+$0x9E80];
	v56 =	vmul.f32 v49, v16;
	[tilespmem:s23+$0x11E10] =	vst v53  }
0x2f9: {  	v63 =	vld [tilespmem:s23+$0x9EC0];
	v58 =	vmul.f32 v50, v17;
	[tilespmem:s23+$0x11E20] =	vst v54  }
0x2fa: {  	v60 =	vmul.f32 v51, v18;
	v47 =	vmul.f32 v57, v22;
	v57 =	vld [tilespmem:s23+$0x9F00];
	[tilespmem:s23+$0x11E30] =	vst v56  }
0x2fb: {  	v62 =	vmul.f32 v52, v19;
	v48 =	vmul.f32 v59, v23;
	v59 =	vld [tilespmem:s23+$0x9F20];
	[tilespmem:s23+$0x11E40] =	vst v58  }
0x2fc: {  	v49 =	vmul.f32 v61, v24;
	v61 =	vld [tilespmem:s23+$0x9F40];
	[tilespmem:s23+$0x11E50] =	vst v60  }
0x2fd: {  	v46 =	vld [tilespmem:s23+$0x9E70];
	[tilespmem:s23+$0x11E60] =	vst v62  }
0x2fe: {  	v54 =	vld [tilespmem:s23+$0x9ED0];
	[tilespmem:s23+$0x11E90] =	vst v47  }
0x2ff: {  	v50 =	vmul.f32 v63, v25;
	v45 =	vmul.f32 v55, v21;
	v55 =	vld [tilespmem:s23+$0x9EE0];
	[tilespmem:s23+$0x11EA0] =	vst v48  }
0x300: {  	v56 =	vld [tilespmem:s23+$0x9EF0];
	[tilespmem:s23+$0x11EB0] =	vst v49  }
0x301: {  	[tilespmem:s23+$0x11EC0] =	vst v50;
	v60 =	vld [tilespmem:s23+$0x9F30];
	v47 =	vmul.f32 v57, v29  }
0x302: {  	v62 =	vld [tilespmem:s23+$0x9F50];
	[tilespmem:s23+$0x11E80] =	vst v45;
	v57 =	vmul.f32 v59, v31  }
0x303: {  	v58 =	vld [tilespmem:s23+$0x9F10];
	v46 =	vmul.f32 v46, v20;
	[tilespmem:s23+$0x11F00] =	vst v47  }
0x304: {  	v51 =	vmul.f32 v54, v26;
	[tilespmem:s23+$0x11F20] =	vst v57  }
0x305: {  	v63 =	vld [tilespmem:s23+$0x9F60];
	v45 =	vmul.f32 v56, v28;
	[tilespmem:s23+$0x11E70] =	vst v46  }
0x306: {  	v59 =	vmul.f32 v60, v32;
	[tilespmem:s23+$0x11ED0] =	vst v51  }
0x307: {  	v56 =	vld [tilespmem:s23+$0x9F70];
	v60 =	vmul.f32 v61, v33;
	v61 =	vmul.f32 v62, v34;
	[tilespmem:s23+$0x11EF0] =	vst v45  }
0x308: {  	v46 =	vmul.f32 v55, v27;
	v55 =	vmul.f32 v58, v30;
	v58 =	vld [tilespmem:s23+$0x9F80];
	[tilespmem:s23+$0x11F30] =	vst v59  }
0x309: {  	v53 =	vld [tilespmem:s23+$0x9F90];
	[tilespmem:s23+$0x11F40] =	vst v60  }
0x30a: {  	v62 =	vmul.f32 v63, v35;
	v45 =	vld [tilespmem:s23+$0x9FA0];
	[tilespmem:s23+$0x11F50] =	vst v61  }
0x30b: {  	[tilespmem:s23+$0x11EE0] =	vst v46;
	v46 =	vld [tilespmem:s23+$0x9FB0]  }
0x30c: {  	v47 =	vld [tilespmem:s23+$0x9FC0];
	[tilespmem:s23+$0x11F60] =	vst v62;
	v63 =	vmul.f32 v56, v36  }
0x30d: {  	v48 =	vld [tilespmem:s23+$0x9FD0];
	[tilespmem:s23+$0x11F10] =	vst v55;
	v50 =	vmul.f32 v58, v37  }
0x30e: {  	s0 =	simm.s32 $0x200;
	s1 =	simm.s32 $0x1000;
	v49 =	vld [tilespmem:s23+$0x9FE0];
	v51 =	vmul.f32 v53, v38;
	[tilespmem:s23+$0x11F70] =	vst v63  }
.LBB2_13:
0x30f: {  	p0 =	sne.s32 s1, $0xF800;
	v52 =	vld [tilespmem:s0+$0x9FF0];
	[tilespmem:s23+$0x11F80] =	vst v50;
	v45 =	vmul.f32 v45, v39  }
0x310: {  	v50 =	vld [tilespmem:s0+$0x9E00];
	[tilespmem:s23+$0x11F90] =	vst v51;
	v46 =	vmul.f32 v46, v40  }
0x311: {  	v51 =	vld [tilespmem:s0+$0x9E10];
	[tilespmem:s23+$0x11FA0] =	vst v45;
	v45 =	vmul.f32 v47, v41  }
0x312: {  	v47 =	vld [tilespmem:s0+$0x9E20];
	[tilespmem:s23+$0x11FB0] =	vst v46;
	v46 =	vmul.f32 v48, v42  }
0x313: {  	v48 =	vld [tilespmem:s0+$0x9E30];
	[tilespmem:s23+$0x11FC0] =	vst v45;
	v45 =	vmul.f32 v49, v43  }
0x314: {  	v49 =	vld [tilespmem:s0+$0x9E40];
	v52 =	vmul.f32 v52, v44;
	[tilespmem:s23+$0x11FD0] =	vst v46  }
0x315: {  	v46 =	vmul.f32 v50, v13;
	v50 =	vld [tilespmem:s0+$0x9E50];
	[tilespmem:s23+$0x11FE0] =	vst v45;
	s23 =	smov.u32 s0  }
0x316: {  	v45 =	vmul.f32 v51, v14;
	v51 =	vld [tilespmem:s23+$0x9E60];
	[tilespmem:s23+$0x11FF0] =	vst v52  }
0x317: {  	[tilespmem:s23+$0x11E00] =	vst v46;
	v46 =	vmul.f32 v47, v15;
	v47 =	vld [tilespmem:s23+$0x9E70]  }
0x318: {  	[tilespmem:s23+$0x11E10] =	vst v45;
	v45 =	vmul.f32 v48, v16;
	v48 =	vld [tilespmem:s23+$0x9E80]  }
0x319: {  	[tilespmem:s23+$0x11E20] =	vst v46;
	v46 =	vmul.f32 v49, v17;
	v49 =	vld [tilespmem:s23+$0x9E90]  }
0x31a: {  	[tilespmem:s23+$0x11E30] =	vst v45;
	v45 =	vmul.f32 v50, v18;
	v50 =	vld [tilespmem:s23+$0x9EA0]  }
0x31b: {  	[tilespmem:s23+$0x11E40] =	vst v46;
	v46 =	vmul.f32 v51, v19;
	v51 =	vld [tilespmem:s23+$0x9EB0]  }
0x31c: {  	[tilespmem:s23+$0x11E50] =	vst v45;
	v45 =	vmul.f32 v47, v20;
	v47 =	vld [tilespmem:s23+$0x9EC0]  }
0x31d: {  	[tilespmem:s23+$0x11E60] =	vst v46;
	v46 =	vmul.f32 v48, v21;
	v48 =	vld [tilespmem:s23+$0x9ED0]  }
0x31e: {  	[tilespmem:s23+$0x11E70] =	vst v45;
	v45 =	vmul.f32 v49, v22;
	v49 =	vld [tilespmem:s23+$0x9EE0]  }
0x31f: {  	[tilespmem:s23+$0x11E80] =	vst v46;
	v46 =	vmul.f32 v50, v23;
	v50 =	vld [tilespmem:s23+$0x9EF0]  }
0x320: {  	[tilespmem:s23+$0x11E90] =	vst v45;
	v45 =	vmul.f32 v51, v24;
	v51 =	vld [tilespmem:s23+$0x9F00]  }
0x321: {  	[tilespmem:s23+$0x11EA0] =	vst v46;
	v46 =	vmul.f32 v47, v25;
	v47 =	vld [tilespmem:s23+$0x9F10]  }
0x322: {  	[tilespmem:s23+$0x11EB0] =	vst v45;
	v45 =	vmul.f32 v48, v26;
	v48 =	vld [tilespmem:s23+$0x9F20]  }
0x323: {  	[tilespmem:s23+$0x11EC0] =	vst v46;
	v46 =	vmul.f32 v49, v27;
	v49 =	vld [tilespmem:s23+$0x9F30]  }
0x324: {  	[tilespmem:s23+$0x11ED0] =	vst v45;
	v45 =	vmul.f32 v50, v28;
	v50 =	vld [tilespmem:s23+$0x9F40]  }
0x325: {  	[tilespmem:s23+$0x11EE0] =	vst v46;
	v46 =	vmul.f32 v51, v29;
	v51 =	vld [tilespmem:s23+$0x9F50]  }
0x326: {  	[tilespmem:s23+$0x11EF0] =	vst v45;
	v45 =	vmul.f32 v47, v30;
	v47 =	vld [tilespmem:s23+$0x9F60]  }
0x327: {  	[tilespmem:s23+$0x11F00] =	vst v46;
	v46 =	vmul.f32 v48, v31;
	v48 =	vld [tilespmem:s23+$0x9F70]  }
0x328: {  	[tilespmem:s23+$0x11F10] =	vst v45;
	v45 =	vmul.f32 v49, v32;
	v49 =	vld [tilespmem:s23+$0x9F80]  }
0x329: {  	[tilespmem:s23+$0x11F20] =	vst v46;
	v46 =	vmul.f32 v50, v33;
	v52 =	vld [tilespmem:s23+$0x9F90]  }
.Ltmp6:
0x32a: {  	[tilespmem:s23+$0x11F30] =	vst v45;
	v50 =	vmul.f32 v51, v34;
	v45 =	vld [tilespmem:s23+$0x9FA0];
	(pc) =	sbr.rel @p0 .LBB2_13-.Ltmp6, $4  }
0x32b: {  	[tilespmem:s23+$0x11F40] =	vst v46;
	v51 =	vmul.f32 v47, v35;
	v46 =	vld [tilespmem:s23+$0x9FB0]  }
0x32c: {  	[tilespmem:s23+$0x11F50] =	vst v50;
	v53 =	vmul.f32 v48, v36;
	v47 =	vld [tilespmem:s23+$0x9FC0]  }
0x32d: {  	[tilespmem:s23+$0x11F60] =	vst v51;
	v50 =	vmul.f32 v49, v37;
	v48 =	vld [tilespmem:s23+$0x9FD0]  }
0x32e: {  	s0 =	sshra.s32 s1, $0x2;
	s1 =	sadd.s32 $0x800, s1;
	[tilespmem:s23+$0x11F70] =	vst v53;
	v51 =	vmul.f32 v52, v38;
	v49 =	vld [tilespmem:s23+$0x9FE0]  }
0x32f: {  	v52 =	vld [tilespmem:s0+$0x9FF0];
	[tilespmem:s23+$0x11F80] =	vst v50;
	v45 =	vmul.f32 v45, v39  }
0x330: {  	v50 =	vld [tilespmem:s0+$0x9E00];
	[tilespmem:s23+$0x11F90] =	vst v51;
	v46 =	vmul.f32 v46, v40  }
0x331: {  	v51 =	vld [tilespmem:s0+$0x9E10];
	[tilespmem:s23+$0x11FA0] =	vst v45;
	v47 =	vmul.f32 v47, v41  }
0x332: {  	v45 =	vld [tilespmem:s0+$0x9E20];
	[tilespmem:s23+$0x11FB0] =	vst v46;
	v48 =	vmul.f32 v48, v42  }
0x333: {  	v46 =	vld [tilespmem:s0+$0x9E30];
	[tilespmem:s23+$0x11FC0] =	vst v47;
	v49 =	vmul.f32 v49, v43  }
0x334: {  	v47 =	vld [tilespmem:s0+$0x9E40];
	[tilespmem:s23+$0x11FD0] =	vst v48;
	v52 =	vmul.f32 v52, v44  }
0x335: {  	v48 =	vld [tilespmem:s0+$0x9E50];
	[tilespmem:s23+$0x11FE0] =	vst v49;
	v62 =	vmul.f32 v50, v13  }
0x336: {  	v63 =	vld [tilespmem:s0+$0x9E60];
	[tilespmem:s0+$0x11FF0] =	vst v52;
	v51 =	vmul.f32 v51, v14  }
0x337: {  	v54 =	vld [tilespmem:s0+$0x9E70];
	[tilespmem:s0+$0x11E00] =	vst v62;
	v45 =	vmul.f32 v45, v15  }
0x338: {  	v55 =	vld [tilespmem:s0+$0x9E80];
	[tilespmem:s0+$0x11E10] =	vst v51;
	v46 =	vmul.f32 v46, v16  }
0x339: {  	v56 =	vld [tilespmem:s0+$0x9E90];
	[tilespmem:s0+$0x11E20] =	vst v45;
	v47 =	vmul.f32 v47, v17  }
0x33a: {  	v57 =	vld [tilespmem:s0+$0x9EA0];
	[tilespmem:s0+$0x11E30] =	vst v46;
	v48 =	vmul.f32 v48, v18  }
0x33b: {  	v58 =	vld [tilespmem:s0+$0x9EB0];
	[tilespmem:s0+$0x11E40] =	vst v47;
	v50 =	vmul.f32 v63, v19  }
0x33c: {  	v59 =	vld [tilespmem:s0+$0x9EC0];
	v49 =	vmul.f32 v54, v20;
	[tilespmem:s0+$0x11E50] =	vst v48  }
0x33d: {  	v60 =	vld [tilespmem:s0+$0x9ED0];
	v51 =	vmul.f32 v55, v21;
	[tilespmem:s0+$0x11E60] =	vst v50  }
0x33e: {  	v61 =	vld [tilespmem:s0+$0x9EE0];
	v45 =	vmul.f32 v56, v22;
	[tilespmem:s0+$0x11E70] =	vst v49  }
0x33f: {  	v62 =	vld [tilespmem:s0+$0x9EF0];
	v46 =	vmul.f32 v57, v23;
	[tilespmem:s0+$0x11E80] =	vst v51  }
0x340: {  	v63 =	vld [tilespmem:s0+$0x9F00];
	v47 =	vmul.f32 v58, v24;
	[tilespmem:s0+$0x11E90] =	vst v45  }
0x341: {  	v54 =	vld [tilespmem:s0+$0x9F10];
	v48 =	vmul.f32 v59, v25;
	[tilespmem:s0+$0x11EA0] =	vst v46  }
0x342: {  	v55 =	vld [tilespmem:s0+$0x9F20];
	[tilespmem:s0+$0x11EB0] =	vst v47;
	v50 =	vmul.f32 v60, v26  }
0x343: {  	v56 =	vld [tilespmem:s0+$0x9F30];
	v49 =	vmul.f32 v61, v27;
	[tilespmem:s0+$0x11EC0] =	vst v48  }
0x344: {  	v57 =	vld [tilespmem:s0+$0x9F40];
	v51 =	vmul.f32 v62, v28;
	[tilespmem:s0+$0x11ED0] =	vst v50  }
0x345: {  	v58 =	vld [tilespmem:s0+$0x9F50];
	[tilespmem:s0+$0x11EE0] =	vst v49;
	v45 =	vmul.f32 v63, v29  }
0x346: {  	v59 =	vld [tilespmem:s0+$0x9F60];
	[tilespmem:s0+$0x11EF0] =	vst v51;
	v46 =	vmul.f32 v54, v30  }
0x347: {  	v60 =	vld [tilespmem:s0+$0x9F70];
	v47 =	vmul.f32 v55, v31;
	[tilespmem:s0+$0x11F00] =	vst v45  }
0x348: {  	v61 =	vld [tilespmem:s0+$0x9F80];
	v48 =	vmul.f32 v56, v32;
	[tilespmem:s0+$0x11F10] =	vst v46  }
0x349: {  	v62 =	vld [tilespmem:s0+$0x9F90];
	v50 =	vmul.f32 v57, v33;
	[tilespmem:s0+$0x11F20] =	vst v47  }
0x34a: {  	v63 =	vld [tilespmem:s0+$0x9FA0];
	v49 =	vmul.f32 v58, v34;
	[tilespmem:s0+$0x11F30] =	vst v48  }
0x34b: {  	v54 =	vld [tilespmem:s0+$0x9FB0];
	v51 =	vmul.f32 v59, v35;
	[tilespmem:s0+$0x11F40] =	vst v50  }
0x34c: {  	v55 =	vld [tilespmem:s0+$0x9FC0];
	[tilespmem:s0+$0x11F50] =	vst v49;
	v45 =	vmul.f32 v60, v36  }
0x34d: {  	s1 =	sshll.u32 s22, $0x2;
	v56 =	vld [tilespmem:s0+$0x9FD0];
	v46 =	vmul.f32 v61, v37;
	[tilespmem:s0+$0x11F60] =	vst v51  }
0x34e: {  	s1 =	sadd.s32 s5, s1;
	v58 =	vld [tilespmem:s0+$0x9FE0];
	v57 =	vmul.f32 v62, v38;
	[tilespmem:s0+$0x11F70] =	vst v45  }
0x34f: {  	s2 =	sand.u32 $0x7C, s1;
	[tilespmem:s0+$0x11F80] =	vst v46;
	v59 =	vmul.f32 v63, v39  }
0x350: {  	s3 =	sshll.u32 s1, $0x2;
	s2 =	smul.u32 $0x38000, s2;
	[tilespmem:s0+$0x11F90] =	vst v57;
	v60 =	vmul.f32 v54, v40  }
0x351: {  	s3 =	sand.u32 $0x7FFFF000, s3;
	v61 =	vmul.f32 v55, v41;
	[tilespmem:s0+$0x11FA0] =	vst v59  }
0x352: {  	s1 =	sand.u32 $0x380, s1;
	s2 =	sadd.s32 s3, s2;
	v62 =	vmul.f32 v56, v42;
	[tilespmem:s0+$0x11FB0] =	vst v60  }
0x353: {  	s1 =	sor.u32 s1, s2;
	v63 =	vmul.f32 v58, v43;
	[tilespmem:s0+$0x11FC0] =	vst v61  }
0x354: {  	s1 =	sshrl.u32 s1, $0x3;
	[tilespmem:s0+$0x11FD0] =	vst v62  }
0x355: {  	s31 =	simm.s32 $0x11E00;
	[tilespmem:s0+$0x11FE0] =	vst v63;
	s0 =	sadd.s32 s7, s1;
	s1 =	simm.s32 $0x800  }
0x356: {  	[hbm4b:s0+s12] =	stream.strided.scatter [tilespmem:s31], [sflag:$0x4], $0x200, s16, s12, $0x38;
	[tilespmem:$0x15E00] =	vst v63  }
.LBB2_15:
0x357: {  	p0 =	sne.s32 s1, $0xF800  }
.Ltmp7:
0x358: {  	_ = 	snop;
	(pc) =	sbr.rel @p0 .LBB2_15-.Ltmp7, $4  }
0x359: {  	_ = 	snop  }
0x35a: {  	s2 =	sshra.s32 s1, $0x2;
	s1 =	sadd.s32 $0x800, s1  }
0x35b: {  	s0 =	sadd.s32 $0xE00, s0;
	s2 =	sadd.s32 $0x11E00, s2  }
0x35c: {  	[hbm4b:s0+s12] =	stream.strided.scatter [tilespmem:s2], [sflag:$0x4], $0x200, s16, s12, $0x38;
	[tilespmem:$0x15E00] =	vst v63  }
0x35d: {  	s21 =	sadd.s32 $0x1, s21  }
0x35e: {  	p0 =	sne.s32 s21, $0x19  }
.Ltmp8:
0x35f: {  	_ = 	snop;
	(pc) =	sbr.rel @p0 .LBB2_4-.Ltmp8, $1  }
0x360: {  	_ =	sdelay $0x3  }
0x361: {  	s0 =	simm.s32 $0x3  }
0x362: {  	_ =	swait.ge [sflag:s0], $0x4000  }
0x363: {  	[sflag:s0] =	ssyncset.done $0x0  }
0x364: {  	[sflag:s0] =	ssyncadd.s32 $0xFFFFC000  }
0x365: {  	_ =	swait.ge [sflag:s13], $0x4000  }
0x366: {  	s1 =	rddreg [dreg:$0x9]  }
0x367: {  	s31 =	rddreg [dreg:$0x8];
	s1 =	sadd.s32 $0x1, s1  }
0x368: {  	p0 =	sne.s32 s1, s31  }
.Ltmp9:
0x369: {  	_ = 	snop;
	(pc) =	sbr.rel @p0 .LBB2_1-.Ltmp9, $3  }
0x36a: {  	_ =	sdelay $0x1  }
0x36b: {  	[sflag:s13] =	ssyncset.done $0x0  }
0x36c: {  	[sflag:s13] =	ssyncadd.s32 $0xFFFFC000  }
0x36d: {  	_ =	sfence.sel $0x180000  }
0x36e: {  	[bflag:$0x0] =	sbarrier.arrive $0xFFFF  }
0x36f: {  	_ =	strace $0x90000047  }
0x370: {  	s0 =	stileid.u32;
	[bflag:$0x2] =	sbarrier.arrive $0xFFFF  }
0x371: {  	p0 =	sne.s32 s0, $0x0;
	s0 =	rddreg [dreg:$0x4]  }
0x372: {  	s0 =	sadd.s32 @!p0 $0x100000, s0  }
0x373: {  	[sflag:s0] =	ssyncadd.tile.s32 @!p0 $0x1;
	_ =	shalt  }
.Lfunc_end2:
_tile_overlayer_lowered:
.L_overlay_start_2:
0x374: {  	(tag) =	ssettag $0x2  }
0x375: {  	s0 =	rddreg [dreg:$0x0];
	s2 =	stileid.u32  }
0x376: {  	s1 =	rddreg [dreg:$0x1];
	p0 =	sne.s32 s2, $0x0  }
0x377: {  	s3 =	rddreg [dreg:$0x2];
	[bflag:$0x3] =	sbarrier.arrive $0xFFFF;
	s2 =	simm.s32 @!p0 $0x1C05  }
0x378: {  	[timem:s3], [sflag:s2] =	dma.local @!p0 [hbm:s0], s1  }
0x379: {  	s0 =	simm.s32 @!p0 $0x5  }
0x37a: {  	_ =	swait.ge @!p0 [sflag:s0], s1  }
0x37b: {  	s1 =	ssub.s32 @!p0 $0x0, s1;
	[sflag:s0] =	ssyncset.done @!p0 $0x0  }
0x37c: {  	[sflag:s0] =	ssyncadd.s32 @!p0 s1  }
0x37d: {  	[bflag:$0x3] =	sbarrier.arrive $0xFFFF  }
0x37e: {  	_ =	shalt  }

</sc_bundles>
